<compile_context>
chip_gen: v7x
topology: tpu7x:2x2x1
jax: 0.10.2.dev20260603
libtpu: 0.0.44.dev20260713+nightly
codegen_flags: <defaults>
</compile_context>

<pallas_src>
import functools

import jax
import jax.numpy as jnp
from jax import lax
from jax.experimental import pallas as pl
from jax.experimental.pallas import tpu as pltpu
from jax.experimental.pallas import tpu_sc as plsc

_VOCAB = 100000
_MAXLEN = 200
_EMBED = 64
_BATCH = 1024

_NW = 32
_CHUNK = 100
_ROWS_PER_W = (_BATCH * _MAXLEN) // _NW
_CHUNKS_PER_W = _ROWS_PER_W // _CHUNK
_GROUP = 8
_GROUPS_PER_W = _CHUNKS_PER_W // _GROUP


def _make_kernel():
    mesh = plsc.VectorSubcoreMesh(core_axis_name="c", subcore_axis_name="s")

    @functools.partial(
        pl.kernel,
        mesh=mesh,
        out_type=jax.ShapeDtypeStruct(
            (_NW * _GROUPS_PER_W, _GROUP * _CHUNK, _EMBED), jnp.float32
        ),
        scratch_types=[
            pltpu.VMEM((_CHUNKS_PER_W, _CHUNK), jnp.int32),
            pltpu.VMEM((_MAXLEN, _EMBED), jnp.float32),
            pltpu.VMEM((_GROUP * _CHUNK, _EMBED), jnp.float32),
            pltpu.VMEM((_GROUP * _CHUNK, _EMBED), jnp.float32),
            [pltpu.SemaphoreType.DMA] * _GROUP,
            pltpu.SemaphoreType.DMA,
            pltpu.SemaphoreType.DMA,
        ],
        compiler_params=pltpu.CompilerParams(use_tc_tiling_on_sc=False),
    )
    def emb_kernel(x_hbm, tok_hbm, pos_hbm, out_hbm,
                   idx_v, pos_v, rows_a, rows_b, gsem, wsa, wsb):
        cid = lax.axis_index("c")
        sid = lax.axis_index("s")
        wid = sid * 2 + cid
        base = wid * _CHUNKS_PER_W
        gbase = wid * _GROUPS_PER_W

        pltpu.sync_copy(pos_hbm, pos_v)
        pltpu.sync_copy(x_hbm.at[pl.ds(base, _CHUNKS_PER_W)], idx_v)

        def fill(buf, j0):
            gh = []
            for t in range(_GROUP):
                gh.append(
                    pltpu.async_copy(
                        tok_hbm.at[idx_v.at[j0 + t]],
                        buf.at[pl.ds(_CHUNK * t, _CHUNK)],
                        gsem[t],
                    )
                )
            for t in range(_GROUP):
                gh[t].wait()
                poff = (t & 1) * _CHUNK

                def add_row(r, c2):
                    for cc in range(_EMBED // 16):
                        sl = pl.ds(cc * 16, 16)
                        buf[_CHUNK * t + r, sl] = (
                            buf[_CHUNK * t + r, sl] + pos_v[poff + r, sl]
                        )
                    return c2

                lax.fori_loop(0, _CHUNK, add_row, 0)

        def pair_body(ii, carry):
            j0 = ii * 2 * _GROUP
            fill(rows_a, j0)
            wha = pltpu.async_copy(rows_a, out_hbm.at[gbase + 2 * ii], wsa)
            fill(rows_b, j0 + _GROUP)
            whb = pltpu.async_copy(rows_b, out_hbm.at[gbase + 2 * ii + 1], wsb)
            wha.wait()
            whb.wait()
            return carry

        lax.fori_loop(0, _GROUPS_PER_W // 2, pair_body, 0)

    return emb_kernel


_EMB_KERNEL = _make_kernel()


@jax.jit
def kernel(x, tok_table, pos_table):
    b, maxlen = x.shape
    x2d = x.reshape(-1).astype(jnp.int32).reshape(_NW * _CHUNKS_PER_W, _CHUNK)
    out = _EMB_KERNEL(x2d, tok_table, pos_table)
    return out.reshape(b, maxlen, _EMBED)

# --- scband reference (transcript-rebuilt; emitter-appended) ---
"""Pipeline reference for scband-token-and-position-embedding-20538533609690 (READ-ONLY COPY).

The authoritative reference and input builder live on the scoring server;
editing this copy changes nothing except your own understanding.
"""

import jax, jax.numpy as jnp
import numpy as np

VOCAB = 100000
MAXLEN = 200
EMBED_DIM = 64
BATCH = 1024

def setup_inputs(seed: int = 0) -> dict:
    key = jax.random.key(seed)
    k1, k2, k3 = jax.random.split(key, 3)
    x = jax.random.randint(k1, (BATCH, MAXLEN), 0, VOCAB, dtype=jnp.int64 if jax.config.jax_enable_x64 else jnp.int32)
    # learned parameters: token embedding table and positional embedding table
    tok_table = jax.random.normal(k2, (VOCAB, EMBED_DIM), dtype=jnp.float32) * 0.05
    pos_table = jax.random.normal(k3, (MAXLEN, EMBED_DIM), dtype=jnp.float32) * 0.05
    return {"x": x, "tok_table": tok_table, "pos_table": pos_table}

def reference(x, tok_table, pos_table):
    # positions = range(0, maxlen); pos_emb(positions)
    maxlen = x.shape[-1]
    positions = jnp.arange(maxlen)
    pos = jnp.take(pos_table, positions, axis=0)          # [maxlen, d]
    tok = jnp.take(tok_table, x, axis=0)                  # [B, maxlen, d]
    return tok + pos[None, :, :]

if __name__ == "__main__":
    import jax
    _d = setup_inputs()
    print(jax.jit(kernel)(*tuple(_d.values())))

</pallas_src>

<mosaic_0001>
#map = affine_map<(d0, d1) -> (0, 0)>
#map1 = affine_map<(d0, d1) -> (0, 0, 0)>
module attributes {stable_mosaic.version = 14 : i64} {
  func.func @emb_kernel(%arg0: i32, %arg1: i32, %arg2: memref<2048x100xi32, #tpu.memory_space<hbm>>, %arg3: memref<100000x64xf32, #tpu.memory_space<hbm>>, %arg4: memref<200x64xf32, #tpu.memory_space<hbm>>, %arg5: memref<256x800x64xf32, #tpu.memory_space<hbm>>, %arg6: memref<64x100xi32, #tpu.memory_space<vmem>>, %arg7: memref<200x64xf32, #tpu.memory_space<vmem>>, %arg8: memref<800x64xf32, #tpu.memory_space<vmem>>, %arg9: memref<800x64xf32, #tpu.memory_space<vmem>>, %arg10: memref<!tpu.dma_semaphore, #tpu.memory_space<semaphore_mem>>, %arg11: memref<!tpu.dma_semaphore, #tpu.memory_space<semaphore_mem>>, %arg12: memref<!tpu.dma_semaphore, #tpu.memory_space<semaphore_mem>>, %arg13: memref<!tpu.dma_semaphore, #tpu.memory_space<semaphore_mem>>, %arg14: memref<!tpu.dma_semaphore, #tpu.memory_space<semaphore_mem>>, %arg15: memref<!tpu.dma_semaphore, #tpu.memory_space<semaphore_mem>>, %arg16: memref<!tpu.dma_semaphore, #tpu.memory_space<semaphore_mem>>, %arg17: memref<!tpu.dma_semaphore, #tpu.memory_space<semaphore_mem>>, %arg18: memref<!tpu.dma_semaphore, #tpu.memory_space<semaphore_mem>>, %arg19: memref<!tpu.dma_semaphore, #tpu.memory_space<semaphore_mem>>) attributes {dimension_semantics = [#tpu.dimension_semantics<core_parallel>, #tpu.dimension_semantics<subcore_parallel>], iteration_bounds = array<i64: 2, 16>, scalar_prefetch = 0 : i64, scratch_operands = 14 : i64, tpu.core_type = #tpu.core_type<sc_vector_subcore>, window_params = [{transform_indices = #map}, {transform_indices = #map}, {transform_indices = #map}, {transform_indices = #map1}]} {
    %mul3A = arith.constant 2 : i32
    %mul3A_0 = arith.muli %arg1, %mul3A : i32
    %add3A = arith.addi %mul3A_0, %arg0 : i32
    %mul3A_1 = arith.constant 64 : i32
    %mul3A_2 = arith.muli %add3A, %mul3A_1 : i32
    %mul3A_3 = arith.constant 8 : i32
    %mul3A_4 = arith.muli %add3A, %mul3A_3 : i32
    "tpu.region"() ({
      %run_scoped3A = tpu.sem_alloc : memref<!tpu.dma_semaphore, #tpu.memory_space<semaphore_mem>>
      tpu.enqueue_dma source(%arg4 : memref<200x64xf32, #tpu.memory_space<hbm>>) target(%arg7 : memref<200x64xf32, #tpu.memory_space<vmem>>) target_semaphore(%run_scoped3A : memref<!tpu.dma_semaphore, #tpu.memory_space<semaphore_mem>>)
      tpu.wait_dma2 semaphore(%run_scoped3A : memref<!tpu.dma_semaphore, #tpu.memory_space<semaphore_mem>>) src(%arg4 : memref<200x64xf32, #tpu.memory_space<hbm>>) dst(%arg7 : memref<200x64xf32, #tpu.memory_space<vmem>>)
      tpu.yield
    }) : () -> ()
    "tpu.region"() ({
      %run_scoped3A = tpu.sem_alloc : memref<!tpu.dma_semaphore, #tpu.memory_space<semaphore_mem>>
      %dma_start3A = arith.constant 0 : i32
      %dma_start3A_10 = tpu.memref_slice %arg2[%mul3A_2, %dma_start3A] : memref<2048x100xi32, #tpu.memory_space<hbm>> -> memref<64x100xi32, #tpu.memory_space<hbm>>
      %dma_start3A_11 = arith.constant 0 : i32
      %dma_start3A_12 = tpu.memref_slice %arg2[%mul3A_2, %dma_start3A_11] : memref<2048x100xi32, #tpu.memory_space<hbm>> -> memref<64x100xi32, #tpu.memory_space<hbm>>
      tpu.enqueue_dma source(%dma_start3A_12 : memref<64x100xi32, #tpu.memory_space<hbm>>) target(%arg6 : memref<64x100xi32, #tpu.memory_space<vmem>>) target_semaphore(%run_scoped3A : memref<!tpu.dma_semaphore, #tpu.memory_space<semaphore_mem>>)
      %dma_wait3A = arith.constant 0 : i32
      %dma_wait3A_13 = tpu.memref_slice %arg2[%mul3A_2, %dma_wait3A] : memref<2048x100xi32, #tpu.memory_space<hbm>> -> memref<64x100xi32, #tpu.memory_space<hbm>>
      %dma_wait3A_14 = arith.constant 0 : i32
      %dma_wait3A_15 = tpu.memref_slice %arg2[%mul3A_2, %dma_wait3A_14] : memref<2048x100xi32, #tpu.memory_space<hbm>> -> memref<64x100xi32, #tpu.memory_space<hbm>>
      tpu.wait_dma2 semaphore(%run_scoped3A : memref<!tpu.dma_semaphore, #tpu.memory_space<semaphore_mem>>) src(%dma_wait3A_15 : memref<64x100xi32, #tpu.memory_space<hbm>>) dst(%arg6 : memref<64x100xi32, #tpu.memory_space<vmem>>)
      tpu.yield
    }) : () -> ()
    %scan3A = arith.constant 0 : i32
    %scan3A_5 = arith.constant 0 : i32
    %scan3A_6 = arith.constant 4 : i32
    %scan3A_7 = arith.addi %scan3A_5, %scan3A_6 : i32
    %scan3A_8 = arith.constant 1 : i32
    scf.for %scan3A_10 = %scan3A_5 to %scan3A_7 step %scan3A_8  : i32 {
      %mul3A_11 = arith.constant 2 : i32
      %mul3A_12 = arith.muli %scan3A_10, %mul3A_11 : i32
      %mul3A_13 = arith.constant 8 : i32
      %mul3A_14 = arith.muli %mul3A_12, %mul3A_13 : i32
      %add3A_15 = arith.constant 0 : i32
      %add3A_16 = arith.addi %mul3A_14, %add3A_15 : i32
      %dma_start3A = arith.constant 0 : i32
      %dma_start3A_17 = arith.constant 0 : i32
      %dma_start3A_18 = tpu.memref_slice %arg8[%dma_start3A, %dma_start3A_17] : memref<800x64xf32, #tpu.memory_space<vmem>> -> memref<100x64xf32, #tpu.memory_space<vmem>>
      %dma_start3A_19 = arith.constant 0 : i32
      %dma_start3A_20 = tpu.memref_slice %arg6[%add3A_16, %dma_start3A_19] : memref<64x100xi32, #tpu.memory_space<vmem>> -> memref<1x100xi32, #tpu.memory_space<vmem>>
      %dma_start3A_21 = tpu.memref_squeeze %dma_start3A_20 : memref<1x100xi32, #tpu.memory_space<vmem>> -> memref<100xi32, #tpu.memory_space<vmem>>
      %dma_start3A_22 = arith.constant 0 : i32
      %dma_start3A_23 = arith.constant 0 : i32
      %dma_start3A_24 = tpu.memref_slice %arg3[%dma_start3A_22, %dma_start3A_23] : memref<100000x64xf32, #tpu.memory_space<hbm>> -> memref<100000x64xf32, #tpu.memory_space<hbm>>
      tpu.enqueue_indirect_dma source(%dma_start3A_24 : memref<100000x64xf32, #tpu.memory_space<hbm>>) target(%dma_start3A_18 : memref<100x64xf32, #tpu.memory_space<vmem>>) offsets(%dma_start3A_21 : memref<100xi32, #tpu.memory_space<vmem>>) semaphore(%arg10 : memref<!tpu.dma_semaphore, #tpu.memory_space<semaphore_mem>>)
      %add3A_25 = arith.constant 1 : i32
      %add3A_26 = arith.addi %mul3A_14, %add3A_25 : i32
      %dma_start3A_27 = arith.constant 100 : i32
      %dma_start3A_28 = arith.constant 0 : i32
      %dma_start3A_29 = tpu.memref_slice %arg8[%dma_start3A_27, %dma_start3A_28] : memref<800x64xf32, #tpu.memory_space<vmem>> -> memref<100x64xf32, #tpu.memory_space<vmem>>
      %dma_start3A_30 = arith.constant 0 : i32
      %dma_start3A_31 = tpu.memref_slice %arg6[%add3A_26, %dma_start3A_30] : memref<64x100xi32, #tpu.memory_space<vmem>> -> memref<1x100xi32, #tpu.memory_space<vmem>>
      %dma_start3A_32 = tpu.memref_squeeze %dma_start3A_31 : memref<1x100xi32, #tpu.memory_space<vmem>> -> memref<100xi32, #tpu.memory_space<vmem>>
      %dma_start3A_33 = arith.constant 0 : i32
      %dma_start3A_34 = arith.constant 0 : i32
      %dma_start3A_35 = tpu.memref_slice %arg3[%dma_start3A_33, %dma_start3A_34] : memref<100000x64xf32, #tpu.memory_space<hbm>> -> memref<100000x64xf32, #tpu.memory_space<hbm>>
      tpu.enqueue_indirect_dma source(%dma_start3A_35 : memref<100000x64xf32, #tpu.memory_space<hbm>>) target(%dma_start3A_29 : memref<100x64xf32, #tpu.memory_space<vmem>>) offsets(%dma_start3A_32 : memref<100xi32, #tpu.memory_space<vmem>>) semaphore(%arg11 : memref<!tpu.dma_semaphore, #tpu.memory_space<semaphore_mem>>)
      %add3A_36 = arith.constant 2 : i32
      %add3A_37 = arith.addi %mul3A_14, %add3A_36 : i32
      %dma_start3A_38 = arith.constant 200 : i32
      %dma_start3A_39 = arith.constant 0 : i32
      %dma_start3A_40 = tpu.memref_slice %arg8[%dma_start3A_38, %dma_start3A_39] : memref<800x64xf32, #tpu.memory_space<vmem>> -> memref<100x64xf32, #tpu.memory_space<vmem>>
      %dma_start3A_41 = arith.constant 0 : i32
      %dma_start3A_42 = tpu.memref_slice %arg6[%add3A_37, %dma_start3A_41] : memref<64x100xi32, #tpu.memory_space<vmem>> -> memref<1x100xi32, #tpu.memory_space<vmem>>
      %dma_start3A_43 = tpu.memref_squeeze %dma_start3A_42 : memref<1x100xi32, #tpu.memory_space<vmem>> -> memref<100xi32, #tpu.memory_space<vmem>>
      %dma_start3A_44 = arith.constant 0 : i32
      %dma_start3A_45 = arith.constant 0 : i32
      %dma_start3A_46 = tpu.memref_slice %arg3[%dma_start3A_44, %dma_start3A_45] : memref<100000x64xf32, #tpu.memory_space<hbm>> -> memref<100000x64xf32, #tpu.memory_space<hbm>>
      tpu.enqueue_indirect_dma source(%dma_start3A_46 : memref<100000x64xf32, #tpu.memory_space<hbm>>) target(%dma_start3A_40 : memref<100x64xf32, #tpu.memory_space<vmem>>) offsets(%dma_start3A_43 : memref<100xi32, #tpu.memory_space<vmem>>) semaphore(%arg12 : memref<!tpu.dma_semaphore, #tpu.memory_space<semaphore_mem>>)
      %add3A_47 = arith.constant 3 : i32
      %add3A_48 = arith.addi %mul3A_14, %add3A_47 : i32
      %dma_start3A_49 = arith.constant 300 : i32
      %dma_start3A_50 = arith.constant 0 : i32
      %dma_start3A_51 = tpu.memref_slice %arg8[%dma_start3A_49, %dma_start3A_50] : memref<800x64xf32, #tpu.memory_space<vmem>> -> memref<100x64xf32, #tpu.memory_space<vmem>>
      %dma_start3A_52 = arith.constant 0 : i32
      %dma_start3A_53 = tpu.memref_slice %arg6[%add3A_48, %dma_start3A_52] : memref<64x100xi32, #tpu.memory_space<vmem>> -> memref<1x100xi32, #tpu.memory_space<vmem>>
      %dma_start3A_54 = tpu.memref_squeeze %dma_start3A_53 : memref<1x100xi32, #tpu.memory_space<vmem>> -> memref<100xi32, #tpu.memory_space<vmem>>
      %dma_start3A_55 = arith.constant 0 : i32
      %dma_start3A_56 = arith.constant 0 : i32
      %dma_start3A_57 = tpu.memref_slice %arg3[%dma_start3A_55, %dma_start3A_56] : memref<100000x64xf32, #tpu.memory_space<hbm>> -> memref<100000x64xf32, #tpu.memory_space<hbm>>
      tpu.enqueue_indirect_dma source(%dma_start3A_57 : memref<100000x64xf32, #tpu.memory_space<hbm>>) target(%dma_start3A_51 : memref<100x64xf32, #tpu.memory_space<vmem>>) offsets(%dma_start3A_54 : memref<100xi32, #tpu.memory_space<vmem>>) semaphore(%arg13 : memref<!tpu.dma_semaphore, #tpu.memory_space<semaphore_mem>>)
      %add3A_58 = arith.constant 4 : i32
      %add3A_59 = arith.addi %mul3A_14, %add3A_58 : i32
      %dma_start3A_60 = arith.constant 400 : i32
      %dma_start3A_61 = arith.constant 0 : i32
      %dma_start3A_62 = tpu.memref_slice %arg8[%dma_start3A_60, %dma_start3A_61] : memref<800x64xf32, #tpu.memory_space<vmem>> -> memref<100x64xf32, #tpu.memory_space<vmem>>
      %dma_start3A_63 = arith.constant 0 : i32
      %dma_start3A_64 = tpu.memref_slice %arg6[%add3A_59, %dma_start3A_63] : memref<64x100xi32, #tpu.memory_space<vmem>> -> memref<1x100xi32, #tpu.memory_space<vmem>>
      %dma_start3A_65 = tpu.memref_squeeze %dma_start3A_64 : memref<1x100xi32, #tpu.memory_space<vmem>> -> memref<100xi32, #tpu.memory_space<vmem>>
      %dma_start3A_66 = arith.constant 0 : i32
      %dma_start3A_67 = arith.constant 0 : i32
      %dma_start3A_68 = tpu.memref_slice %arg3[%dma_start3A_66, %dma_start3A_67] : memref<100000x64xf32, #tpu.memory_space<hbm>> -> memref<100000x64xf32, #tpu.memory_space<hbm>>
      tpu.enqueue_indirect_dma source(%dma_start3A_68 : memref<100000x64xf32, #tpu.memory_space<hbm>>) target(%dma_start3A_62 : memref<100x64xf32, #tpu.memory_space<vmem>>) offsets(%dma_start3A_65 : memref<100xi32, #tpu.memory_space<vmem>>) semaphore(%arg14 : memref<!tpu.dma_semaphore, #tpu.memory_space<semaphore_mem>>)
      %add3A_69 = arith.constant 5 : i32
      %add3A_70 = arith.addi %mul3A_14, %add3A_69 : i32
      %dma_start3A_71 = arith.constant 500 : i32
      %dma_start3A_72 = arith.constant 0 : i32
      %dma_start3A_73 = tpu.memref_slice %arg8[%dma_start3A_71, %dma_start3A_72] : memref<800x64xf32, #tpu.memory_space<vmem>> -> memref<100x64xf32, #tpu.memory_space<vmem>>
      %dma_start3A_74 = arith.constant 0 : i32
      %dma_start3A_75 = tpu.memref_slice %arg6[%add3A_70, %dma_start3A_74] : memref<64x100xi32, #tpu.memory_space<vmem>> -> memref<1x100xi32, #tpu.memory_space<vmem>>
      %dma_start3A_76 = tpu.memref_squeeze %dma_start3A_75 : memref<1x100xi32, #tpu.memory_space<vmem>> -> memref<100xi32, #tpu.memory_space<vmem>>
      %dma_start3A_77 = arith.constant 0 : i32
      %dma_start3A_78 = arith.constant 0 : i32
      %dma_start3A_79 = tpu.memref_slice %arg3[%dma_start3A_77, %dma_start3A_78] : memref<100000x64xf32, #tpu.memory_space<hbm>> -> memref<100000x64xf32, #tpu.memory_space<hbm>>
      tpu.enqueue_indirect_dma source(%dma_start3A_79 : memref<100000x64xf32, #tpu.memory_space<hbm>>) target(%dma_start3A_73 : memref<100x64xf32, #tpu.memory_space<vmem>>) offsets(%dma_start3A_76 : memref<100xi32, #tpu.memory_space<vmem>>) semaphore(%arg15 : memref<!tpu.dma_semaphore, #tpu.memory_space<semaphore_mem>>)
      %add3A_80 = arith.constant 6 : i32
      %add3A_81 = arith.addi %mul3A_14, %add3A_80 : i32
      %dma_start3A_82 = arith.constant 600 : i32
      %dma_start3A_83 = arith.constant 0 : i32
      %dma_start3A_84 = tpu.memref_slice %arg8[%dma_start3A_82, %dma_start3A_83] : memref<800x64xf32, #tpu.memory_space<vmem>> -> memref<100x64xf32, #tpu.memory_space<vmem>>
      %dma_start3A_85 = arith.constant 0 : i32
      %dma_start3A_86 = tpu.memref_slice %arg6[%add3A_81, %dma_start3A_85] : memref<64x100xi32, #tpu.memory_space<vmem>> -> memref<1x100xi32, #tpu.memory_space<vmem>>
      %dma_start3A_87 = tpu.memref_squeeze %dma_start3A_86 : memref<1x100xi32, #tpu.memory_space<vmem>> -> memref<100xi32, #tpu.memory_space<vmem>>
      %dma_start3A_88 = arith.constant 0 : i32
      %dma_start3A_89 = arith.constant 0 : i32
      %dma_start3A_90 = tpu.memref_slice %arg3[%dma_start3A_88, %dma_start3A_89] : memref<100000x64xf32, #tpu.memory_space<hbm>> -> memref<100000x64xf32, #tpu.memory_space<hbm>>
      tpu.enqueue_indirect_dma source(%dma_start3A_90 : memref<100000x64xf32, #tpu.memory_space<hbm>>) target(%dma_start3A_84 : memref<100x64xf32, #tpu.memory_space<vmem>>) offsets(%dma_start3A_87 : memref<100xi32, #tpu.memory_space<vmem>>) semaphore(%arg16 : memref<!tpu.dma_semaphore, #tpu.memory_space<semaphore_mem>>)
      %add3A_91 = arith.constant 7 : i32
      %add3A_92 = arith.addi %mul3A_14, %add3A_91 : i32
      %dma_start3A_93 = arith.constant 700 : i32
      %dma_start3A_94 = arith.constant 0 : i32
      %dma_start3A_95 = tpu.memref_slice %arg8[%dma_start3A_93, %dma_start3A_94] : memref<800x64xf32, #tpu.memory_space<vmem>> -> memref<100x64xf32, #tpu.memory_space<vmem>>
      %dma_start3A_96 = arith.constant 0 : i32
      %dma_start3A_97 = tpu.memref_slice %arg6[%add3A_92, %dma_start3A_96] : memref<64x100xi32, #tpu.memory_space<vmem>> -> memref<1x100xi32, #tpu.memory_space<vmem>>
      %dma_start3A_98 = tpu.memref_squeeze %dma_start3A_97 : memref<1x100xi32, #tpu.memory_space<vmem>> -> memref<100xi32, #tpu.memory_space<vmem>>
      %dma_start3A_99 = arith.constant 0 : i32
      %dma_start3A_100 = arith.constant 0 : i32
      %dma_start3A_101 = tpu.memref_slice %arg3[%dma_start3A_99, %dma_start3A_100] : memref<100000x64xf32, #tpu.memory_space<hbm>> -> memref<100000x64xf32, #tpu.memory_space<hbm>>
      tpu.enqueue_indirect_dma source(%dma_start3A_101 : memref<100000x64xf32, #tpu.memory_space<hbm>>) target(%dma_start3A_95 : memref<100x64xf32, #tpu.memory_space<vmem>>) offsets(%dma_start3A_98 : memref<100xi32, #tpu.memory_space<vmem>>) semaphore(%arg17 : memref<!tpu.dma_semaphore, #tpu.memory_space<semaphore_mem>>)
      %dma_wait3A = arith.constant 0 : i32
      %dma_wait3A_102 = arith.constant 0 : i32
      %dma_wait3A_103 = tpu.memref_slice %arg8[%dma_wait3A, %dma_wait3A_102] : memref<800x64xf32, #tpu.memory_space<vmem>> -> memref<100x64xf32, #tpu.memory_space<vmem>>
      %dma_wait3A_104 = arith.constant 0 : i32
      %dma_wait3A_105 = tpu.memref_slice %arg6[%add3A_16, %dma_wait3A_104] : memref<64x100xi32, #tpu.memory_space<vmem>> -> memref<1x100xi32, #tpu.memory_space<vmem>>
      %dma_wait3A_106 = tpu.memref_squeeze %dma_wait3A_105 : memref<1x100xi32, #tpu.memory_space<vmem>> -> memref<100xi32, #tpu.memory_space<vmem>>
      %dma_wait3A_107 = arith.constant 0 : i32
      %dma_wait3A_108 = arith.constant 0 : i32
      %dma_wait3A_109 = tpu.memref_slice %arg3[%dma_wait3A_107, %dma_wait3A_108] : memref<100000x64xf32, #tpu.memory_space<hbm>> -> memref<100000x64xf32, #tpu.memory_space<hbm>>
      tpu.wait_indirect_dma semaphore(%arg10 : memref<!tpu.dma_semaphore, #tpu.memory_space<semaphore_mem>>) src(%dma_wait3A_109 : memref<100000x64xf32, #tpu.memory_space<hbm>>) dst(%dma_wait3A_103 : memref<100x64xf32, #tpu.memory_space<vmem>>)
      %scan3A_110 = arith.constant 0 : i32
      %scan3A_111 = arith.constant 0 : i32
      %scan3A_112 = arith.constant 100 : i32
      %scan3A_113 = arith.addi %scan3A_111, %scan3A_112 : i32
      %scan3A_114 = arith.constant 1 : i32
      scf.for %scan3A_471 = %scan3A_111 to %scan3A_113 step %scan3A_114  : i32 {
        %add3A_472 = arith.constant 0 : i32
        %add3A_473 = arith.addi %add3A_472, %scan3A_471 : i32
        %get3A = arith.index_cast %add3A_473 : i32 to index
        %get3A_474 = arith.constant 0 : index
        %get3A_475 = tpu.vector_load %arg8[%get3A, %get3A_474] {strides = array<i32>} : memref<800x64xf32, #tpu.memory_space<vmem>>, vector<1x16xf32>,
        %get3A_476 = vector.shape_cast %get3A_475 : vector<1x16xf32> to vector<16xf32>
        %add3A_477 = arith.constant 0 : i32
        %add3A_478 = arith.addi %add3A_477, %scan3A_471 : i32
        %get3A_479 = arith.index_cast %add3A_478 : i32 to index
        %get3A_480 = arith.constant 0 : index
        %get3A_481 = tpu.vector_load %arg7[%get3A_479, %get3A_480] {strides = array<i32>} : memref<200x64xf32, #tpu.memory_space<vmem>>, vector<1x16xf32>,
        %get3A_482 = vector.shape_cast %get3A_481 : vector<1x16xf32> to vector<16xf32>
        %add3A_483 = arith.addf %get3A_476, %get3A_482 : vector<16xf32>
        %add3A_484 = arith.constant 0 : i32
        %add3A_485 = arith.addi %add3A_484, %scan3A_471 : i32
        %swap3A = arith.index_cast %add3A_485 : i32 to index
        %swap3A_486 = arith.constant 0 : index
        %swap3A_487 = tpu.vector_load %arg8[%swap3A, %swap3A_486] {strides = array<i32>} : memref<800x64xf32, #tpu.memory_space<vmem>>, vector<1x16xf32>,
        %swap3A_488 = vector.shape_cast %swap3A_487 : vector<1x16xf32> to vector<16xf32>
        %swap3A_489 = vector.shape_cast %add3A_483 : vector<16xf32> to vector<1x16xf32>
        tpu.vector_store %arg8[%swap3A, %swap3A_486], %swap3A_489 {strides = array<i32>} : memref<800x64xf32, #tpu.memory_space<vmem>>, vector<1x16xf32>,
        %add3A_490 = arith.constant 0 : i32
        %add3A_491 = arith.addi %add3A_490, %scan3A_471 : i32
        %get3A_492 = arith.index_cast %add3A_491 : i32 to index
        %get3A_493 = arith.constant 16 : index
        %get3A_494 = tpu.vector_load %arg8[%get3A_492, %get3A_493] {strides = array<i32>} : memref<800x64xf32, #tpu.memory_space<vmem>>, vector<1x16xf32>,
        %get3A_495 = vector.shape_cast %get3A_494 : vector<1x16xf32> to vector<16xf32>
        %add3A_496 = arith.constant 0 : i32
        %add3A_497 = arith.addi %add3A_496, %scan3A_471 : i32
        %get3A_498 = arith.index_cast %add3A_497 : i32 to index
        %get3A_499 = arith.constant 16 : index
        %get3A_500 = tpu.vector_load %arg7[%get3A_498, %get3A_499] {strides = array<i32>} : memref<200x64xf32, #tpu.memory_space<vmem>>, vector<1x16xf32>,
        %get3A_501 = vector.shape_cast %get3A_500 : vector<1x16xf32> to vector<16xf32>
        %add3A_502 = arith.addf %get3A_495, %get3A_501 : vector<16xf32>
        %add3A_503 = arith.constant 0 : i32
        %add3A_504 = arith.addi %add3A_503, %scan3A_471 : i32
        %swap3A_505 = arith.index_cast %add3A_504 : i32 to index
        %swap3A_506 = arith.constant 16 : index
        %swap3A_507 = tpu.vector_load %arg8[%swap3A_505, %swap3A_506] {strides = array<i32>} : memref<800x64xf32, #tpu.memory_space<vmem>>, vector<1x16xf32>,
        %swap3A_508 = vector.shape_cast %swap3A_507 : vector<1x16xf32> to vector<16xf32>
        %swap3A_509 = vector.shape_cast %add3A_502 : vector<16xf32> to vector<1x16xf32>
        tpu.vector_store %arg8[%swap3A_505, %swap3A_506], %swap3A_509 {strides = array<i32>} : memref<800x64xf32, #tpu.memory_space<vmem>>, vector<1x16xf32>,
        %add3A_510 = arith.constant 0 : i32
        %add3A_511 = arith.addi %add3A_510, %scan3A_471 : i32
        %get3A_512 = arith.index_cast %add3A_511 : i32 to index
        %get3A_513 = arith.constant 32 : index
        %get3A_514 = tpu.vector_load %arg8[%get3A_512, %get3A_513] {strides = array<i32>} : memref<800x64xf32, #tpu.memory_space<vmem>>, vector<1x16xf32>,
        %get3A_515 = vector.shape_cast %get3A_514 : vector<1x16xf32> to vector<16xf32>
        %add3A_516 = arith.constant 0 : i32
        %add3A_517 = arith.addi %add3A_516, %scan3A_471 : i32
        %get3A_518 = arith.index_cast %add3A_517 : i32 to index
        %get3A_519 = arith.constant 32 : index
        %get3A_520 = tpu.vector_load %arg7[%get3A_518, %get3A_519] {strides = array<i32>} : memref<200x64xf32, #tpu.memory_space<vmem>>, vector<1x16xf32>,
        %get3A_521 = vector.shape_cast %get3A_520 : vector<1x16xf32> to vector<16xf32>
        %add3A_522 = arith.addf %get3A_515, %get3A_521 : vector<16xf32>
        %add3A_523 = arith.constant 0 : i32
        %add3A_524 = arith.addi %add3A_523, %scan3A_471 : i32
        %swap3A_525 = arith.index_cast %add3A_524 : i32 to index
        %swap3A_526 = arith.constant 32 : index
        %swap3A_527 = tpu.vector_load %arg8[%swap3A_525, %swap3A_526] {strides = array<i32>} : memref<800x64xf32, #tpu.memory_space<vmem>>, vector<1x16xf32>,
        %swap3A_528 = vector.shape_cast %swap3A_527 : vector<1x16xf32> to vector<16xf32>
        %swap3A_529 = vector.shape_cast %add3A_522 : vector<16xf32> to vector<1x16xf32>
        tpu.vector_store %arg8[%swap3A_525, %swap3A_526], %swap3A_529 {strides = array<i32>} : memref<800x64xf32, #tpu.memory_space<vmem>>, vector<1x16xf32>,
        %add3A_530 = arith.constant 0 : i32
        %add3A_531 = arith.addi %add3A_530, %scan3A_471 : i32
        %get3A_532 = arith.index_cast %add3A_531 : i32 to index
        %get3A_533 = arith.constant 48 : index
        %get3A_534 = tpu.vector_load %arg8[%get3A_532, %get3A_533] {strides = array<i32>} : memref<800x64xf32, #tpu.memory_space<vmem>>, vector<1x16xf32>,
        %get3A_535 = vector.shape_cast %get3A_534 : vector<1x16xf32> to vector<16xf32>
        %add3A_536 = arith.constant 0 : i32
        %add3A_537 = arith.addi %add3A_536, %scan3A_471 : i32
        %get3A_538 = arith.index_cast %add3A_537 : i32 to index
        %get3A_539 = arith.constant 48 : index
        %get3A_540 = tpu.vector_load %arg7[%get3A_538, %get3A_539] {strides = array<i32>} : memref<200x64xf32, #tpu.memory_space<vmem>>, vector<1x16xf32>,
        %get3A_541 = vector.shape_cast %get3A_540 : vector<1x16xf32> to vector<16xf32>
        %add3A_542 = arith.addf %get3A_535, %get3A_541 : vector<16xf32>
        %add3A_543 = arith.constant 0 : i32
        %add3A_544 = arith.addi %add3A_543, %scan3A_471 : i32
        %swap3A_545 = arith.index_cast %add3A_544 : i32 to index
        %swap3A_546 = arith.constant 48 : index
        %swap3A_547 = tpu.vector_load %arg8[%swap3A_545, %swap3A_546] {strides = array<i32>} : memref<800x64xf32, #tpu.memory_space<vmem>>, vector<1x16xf32>,
        %swap3A_548 = vector.shape_cast %swap3A_547 : vector<1x16xf32> to vector<16xf32>
        %swap3A_549 = vector.shape_cast %add3A_542 : vector<16xf32> to vector<1x16xf32>
        tpu.vector_store %arg8[%swap3A_545, %swap3A_546], %swap3A_549 {strides = array<i32>} : memref<800x64xf32, #tpu.memory_space<vmem>>, vector<1x16xf32>,
      }
      %scan3A_115 = arith.constant 100 : i32
      %dma_wait3A_116 = arith.constant 100 : i32
      %dma_wait3A_117 = arith.constant 0 : i32
      %dma_wait3A_118 = tpu.memref_slice %arg8[%dma_wait3A_116, %dma_wait3A_117] : memref<800x64xf32, #tpu.memory_space<vmem>> -> memref<100x64xf32, #tpu.memory_space<vmem>>
      %dma_wait3A_119 = arith.constant 0 : i32
      %dma_wait3A_120 = tpu.memref_slice %arg6[%add3A_26, %dma_wait3A_119] : memref<64x100xi32, #tpu.memory_space<vmem>> -> memref<1x100xi32, #tpu.memory_space<vmem>>
      %dma_wait3A_121 = tpu.memref_squeeze %dma_wait3A_120 : memref<1x100xi32, #tpu.memory_space<vmem>> -> memref<100xi32, #tpu.memory_space<vmem>>
      %dma_wait3A_122 = arith.constant 0 : i32
      %dma_wait3A_123 = arith.constant 0 : i32
      %dma_wait3A_124 = tpu.memref_slice %arg3[%dma_wait3A_122, %dma_wait3A_123] : memref<100000x64xf32, #tpu.memory_space<hbm>> -> memref<100000x64xf32, #tpu.memory_space<hbm>>
      tpu.wait_indirect_dma semaphore(%arg11 : memref<!tpu.dma_semaphore, #tpu.memory_space<semaphore_mem>>) src(%dma_wait3A_124 : memref<100000x64xf32, #tpu.memory_space<hbm>>) dst(%dma_wait3A_118 : memref<100x64xf32, #tpu.memory_space<vmem>>)
      %scan3A_125 = arith.constant 0 : i32
      %scan3A_126 = arith.constant 0 : i32
      %scan3A_127 = arith.constant 100 : i32
      %scan3A_128 = arith.addi %scan3A_126, %scan3A_127 : i32
      %scan3A_129 = arith.constant 1 : i32
      scf.for %scan3A_471 = %scan3A_126 to %scan3A_128 step %scan3A_129  : i32 {
        %add3A_472 = arith.constant 100 : i32
        %add3A_473 = arith.addi %add3A_472, %scan3A_471 : i32
        %get3A = arith.index_cast %add3A_473 : i32 to index
        %get3A_474 = arith.constant 0 : index
        %get3A_475 = tpu.vector_load %arg8[%get3A, %get3A_474] {strides = array<i32>} : memref<800x64xf32, #tpu.memory_space<vmem>>, vector<1x16xf32>,
        %get3A_476 = vector.shape_cast %get3A_475 : vector<1x16xf32> to vector<16xf32>
        %add3A_477 = arith.constant 100 : i32
        %add3A_478 = arith.addi %add3A_477, %scan3A_471 : i32
        %get3A_479 = arith.index_cast %add3A_478 : i32 to index
        %get3A_480 = arith.constant 0 : index
        %get3A_481 = tpu.vector_load %arg7[%get3A_479, %get3A_480] {strides = array<i32>} : memref<200x64xf32, #tpu.memory_space<vmem>>, vector<1x16xf32>,
        %get3A_482 = vector.shape_cast %get3A_481 : vector<1x16xf32> to vector<16xf32>
        %add3A_483 = arith.addf %get3A_476, %get3A_482 : vector<16xf32>
        %add3A_484 = arith.constant 100 : i32
        %add3A_485 = arith.addi %add3A_484, %scan3A_471 : i32
        %swap3A = arith.index_cast %add3A_485 : i32 to index
        %swap3A_486 = arith.constant 0 : index
        %swap3A_487 = tpu.vector_load %arg8[%swap3A, %swap3A_486] {strides = array<i32>} : memref<800x64xf32, #tpu.memory_space<vmem>>, vector<1x16xf32>,
        %swap3A_488 = vector.shape_cast %swap3A_487 : vector<1x16xf32> to vector<16xf32>
        %swap3A_489 = vector.shape_cast %add3A_483 : vector<16xf32> to vector<1x16xf32>
        tpu.vector_store %arg8[%swap3A, %swap3A_486], %swap3A_489 {strides = array<i32>} : memref<800x64xf32, #tpu.memory_space<vmem>>, vector<1x16xf32>,
        %add3A_490 = arith.constant 100 : i32
        %add3A_491 = arith.addi %add3A_490, %scan3A_471 : i32
        %get3A_492 = arith.index_cast %add3A_491 : i32 to index
        %get3A_493 = arith.constant 16 : index
        %get3A_494 = tpu.vector_load %arg8[%get3A_492, %get3A_493] {strides = array<i32>} : memref<800x64xf32, #tpu.memory_space<vmem>>, vector<1x16xf32>,
        %get3A_495 = vector.shape_cast %get3A_494 : vector<1x16xf32> to vector<16xf32>
        %add3A_496 = arith.constant 100 : i32
        %add3A_497 = arith.addi %add3A_496, %scan3A_471 : i32
        %get3A_498 = arith.index_cast %add3A_497 : i32 to index
        %get3A_499 = arith.constant 16 : index
        %get3A_500 = tpu.vector_load %arg7[%get3A_498, %get3A_499] {strides = array<i32>} : memref<200x64xf32, #tpu.memory_space<vmem>>, vector<1x16xf32>,
        %get3A_501 = vector.shape_cast %get3A_500 : vector<1x16xf32> to vector<16xf32>
        %add3A_502 = arith.addf %get3A_495, %get3A_501 : vector<16xf32>
        %add3A_503 = arith.constant 100 : i32
        %add3A_504 = arith.addi %add3A_503, %scan3A_471 : i32
        %swap3A_505 = arith.index_cast %add3A_504 : i32 to index
        %swap3A_506 = arith.constant 16 : index
        %swap3A_507 = tpu.vector_load %arg8[%swap3A_505, %swap3A_506] {strides = array<i32>} : memref<800x64xf32, #tpu.memory_space<vmem>>, vector<1x16xf32>,
        %swap3A_508 = vector.shape_cast %swap3A_507 : vector<1x16xf32> to vector<16xf32>
        %swap3A_509 = vector.shape_cast %add3A_502 : vector<16xf32> to vector<1x16xf32>
        tpu.vector_store %arg8[%swap3A_505, %swap3A_506], %swap3A_509 {strides = array<i32>} : memref<800x64xf32, #tpu.memory_space<vmem>>, vector<1x16xf32>,
        %add3A_510 = arith.constant 100 : i32
        %add3A_511 = arith.addi %add3A_510, %scan3A_471 : i32
        %get3A_512 = arith.index_cast %add3A_511 : i32 to index
        %get3A_513 = arith.constant 32 : index
        %get3A_514 = tpu.vector_load %arg8[%get3A_512, %get3A_513] {strides = array<i32>} : memref<800x64xf32, #tpu.memory_space<vmem>>, vector<1x16xf32>,
        %get3A_515 = vector.shape_cast %get3A_514 : vector<1x16xf32> to vector<16xf32>
        %add3A_516 = arith.constant 100 : i32
        %add3A_517 = arith.addi %add3A_516, %scan3A_471 : i32
        %get3A_518 = arith.index_cast %add3A_517 : i32 to index
        %get3A_519 = arith.constant 32 : index
        %get3A_520 = tpu.vector_load %arg7[%get3A_518, %get3A_519] {strides = array<i32>} : memref<200x64xf32, #tpu.memory_space<vmem>>, vector<1x16xf32>,
        %get3A_521 = vector.shape_cast %get3A_520 : vector<1x16xf32> to vector<16xf32>
        %add3A_522 = arith.addf %get3A_515, %get3A_521 : vector<16xf32>
        %add3A_523 = arith.constant 100 : i32
        %add3A_524 = arith.addi %add3A_523, %scan3A_471 : i32
        %swap3A_525 = arith.index_cast %add3A_524 : i32 to index
        %swap3A_526 = arith.constant 32 : index
        %swap3A_527 = tpu.vector_load %arg8[%swap3A_525, %swap3A_526] {strides = array<i32>} : memref<800x64xf32, #tpu.memory_space<vmem>>, vector<1x16xf32>,
        %swap3A_528 = vector.shape_cast %swap3A_527 : vector<1x16xf32> to vector<16xf32>
        %swap3A_529 = vector.shape_cast %add3A_522 : vector<16xf32> to vector<1x16xf32>
        tpu.vector_store %arg8[%swap3A_525, %swap3A_526], %swap3A_529 {strides = array<i32>} : memref<800x64xf32, #tpu.memory_space<vmem>>, vector<1x16xf32>,
        %add3A_530 = arith.constant 100 : i32
        %add3A_531 = arith.addi %add3A_530, %scan3A_471 : i32
        %get3A_532 = arith.index_cast %add3A_531 : i32 to index
        %get3A_533 = arith.constant 48 : index
        %get3A_534 = tpu.vector_load %arg8[%get3A_532, %get3A_533] {strides = array<i32>} : memref<800x64xf32, #tpu.memory_space<vmem>>, vector<1x16xf32>,
        %get3A_535 = vector.shape_cast %get3A_534 : vector<1x16xf32> to vector<16xf32>
        %add3A_536 = arith.constant 100 : i32
        %add3A_537 = arith.addi %add3A_536, %scan3A_471 : i32
        %get3A_538 = arith.index_cast %add3A_537 : i32 to index
        %get3A_539 = arith.constant 48 : index
        %get3A_540 = tpu.vector_load %arg7[%get3A_538, %get3A_539] {strides = array<i32>} : memref<200x64xf32, #tpu.memory_space<vmem>>, vector<1x16xf32>,
        %get3A_541 = vector.shape_cast %get3A_540 : vector<1x16xf32> to vector<16xf32>
        %add3A_542 = arith.addf %get3A_535, %get3A_541 : vector<16xf32>
        %add3A_543 = arith.constant 100 : i32
        %add3A_544 = arith.addi %add3A_543, %scan3A_471 : i32
        %swap3A_545 = arith.index_cast %add3A_544 : i32 to index
        %swap3A_546 = arith.constant 48 : index
        %swap3A_547 = tpu.vector_load %arg8[%swap3A_545, %swap3A_546] {strides = array<i32>} : memref<800x64xf32, #tpu.memory_space<vmem>>, vector<1x16xf32>,
        %swap3A_548 = vector.shape_cast %swap3A_547 : vector<1x16xf32> to vector<16xf32>
        %swap3A_549 = vector.shape_cast %add3A_542 : vector<16xf32> to vector<1x16xf32>
        tpu.vector_store %arg8[%swap3A_545, %swap3A_546], %swap3A_549 {strides = array<i32>} : memref<800x64xf32, #tpu.memory_space<vmem>>, vector<1x16xf32>,
      }
      %scan3A_130 = arith.constant 100 : i32
      %dma_wait3A_131 = arith.constant 200 : i32
      %dma_wait3A_132 = arith.constant 0 : i32
      %dma_wait3A_133 = tpu.memref_slice %arg8[%dma_wait3A_131, %dma_wait3A_132] : memref<800x64xf32, #tpu.memory_space<vmem>> -> memref<100x64xf32, #tpu.memory_space<vmem>>
      %dma_wait3A_134 = arith.constant 0 : i32
      %dma_wait3A_135 = tpu.memref_slice %arg6[%add3A_37, %dma_wait3A_134] : memref<64x100xi32, #tpu.memory_space<vmem>> -> memref<1x100xi32, #tpu.memory_space<vmem>>
      %dma_wait3A_136 = tpu.memref_squeeze %dma_wait3A_135 : memref<1x100xi32, #tpu.memory_space<vmem>> -> memref<100xi32, #tpu.memory_space<vmem>>
      %dma_wait3A_137 = arith.constant 0 : i32
      %dma_wait3A_138 = arith.constant 0 : i32
      %dma_wait3A_139 = tpu.memref_slice %arg3[%dma_wait3A_137, %dma_wait3A_138] : memref<100000x64xf32, #tpu.memory_space<hbm>> -> memref<100000x64xf32, #tpu.memory_space<hbm>>
      tpu.wait_indirect_dma semaphore(%arg12 : memref<!tpu.dma_semaphore, #tpu.memory_space<semaphore_mem>>) src(%dma_wait3A_139 : memref<100000x64xf32, #tpu.memory_space<hbm>>) dst(%dma_wait3A_133 : memref<100x64xf32, #tpu.memory_space<vmem>>)
      %scan3A_140 = arith.constant 0 : i32
      %scan3A_141 = arith.constant 0 : i32
      %scan3A_142 = arith.constant 100 : i32
      %scan3A_143 = arith.addi %scan3A_141, %scan3A_142 : i32
      %scan3A_144 = arith.constant 1 : i32
      scf.for %scan3A_471 = %scan3A_141 to %scan3A_143 step %scan3A_144  : i32 {
        %add3A_472 = arith.constant 200 : i32
        %add3A_473 = arith.addi %add3A_472, %scan3A_471 : i32
        %get3A = arith.index_cast %add3A_473 : i32 to index
        %get3A_474 = arith.constant 0 : index
        %get3A_475 = tpu.vector_load %arg8[%get3A, %get3A_474] {strides = array<i32>} : memref<800x64xf32, #tpu.memory_space<vmem>>, vector<1x16xf32>,
        %get3A_476 = vector.shape_cast %get3A_475 : vector<1x16xf32> to vector<16xf32>
        %add3A_477 = arith.constant 0 : i32
        %add3A_478 = arith.addi %add3A_477, %scan3A_471 : i32
        %get3A_479 = arith.index_cast %add3A_478 : i32 to index
        %get3A_480 = arith.constant 0 : index
        %get3A_481 = tpu.vector_load %arg7[%get3A_479, %get3A_480] {strides = array<i32>} : memref<200x64xf32, #tpu.memory_space<vmem>>, vector<1x16xf32>,
        %get3A_482 = vector.shape_cast %get3A_481 : vector<1x16xf32> to vector<16xf32>
        %add3A_483 = arith.addf %get3A_476, %get3A_482 : vector<16xf32>
        %add3A_484 = arith.constant 200 : i32
        %add3A_485 = arith.addi %add3A_484, %scan3A_471 : i32
        %swap3A = arith.index_cast %add3A_485 : i32 to index
        %swap3A_486 = arith.constant 0 : index
        %swap3A_487 = tpu.vector_load %arg8[%swap3A, %swap3A_486] {strides = array<i32>} : memref<800x64xf32, #tpu.memory_space<vmem>>, vector<1x16xf32>,
        %swap3A_488 = vector.shape_cast %swap3A_487 : vector<1x16xf32> to vector<16xf32>
        %swap3A_489 = vector.shape_cast %add3A_483 : vector<16xf32> to vector<1x16xf32>
        tpu.vector_store %arg8[%swap3A, %swap3A_486], %swap3A_489 {strides = array<i32>} : memref<800x64xf32, #tpu.memory_space<vmem>>, vector<1x16xf32>,
        %add3A_490 = arith.constant 200 : i32
        %add3A_491 = arith.addi %add3A_490, %scan3A_471 : i32
        %get3A_492 = arith.index_cast %add3A_491 : i32 to index
        %get3A_493 = arith.constant 16 : index
        %get3A_494 = tpu.vector_load %arg8[%get3A_492, %get3A_493] {strides = array<i32>} : memref<800x64xf32, #tpu.memory_space<vmem>>, vector<1x16xf32>,
        %get3A_495 = vector.shape_cast %get3A_494 : vector<1x16xf32> to vector<16xf32>
        %add3A_496 = arith.constant 0 : i32
        %add3A_497 = arith.addi %add3A_496, %scan3A_471 : i32
        %get3A_498 = arith.index_cast %add3A_497 : i32 to index
        %get3A_499 = arith.constant 16 : index
        %get3A_500 = tpu.vector_load %arg7[%get3A_498, %get3A_499] {strides = array<i32>} : memref<200x64xf32, #tpu.memory_space<vmem>>, vector<1x16xf32>,
        %get3A_501 = vector.shape_cast %get3A_500 : vector<1x16xf32> to vector<16xf32>
        %add3A_502 = arith.addf %get3A_495, %get3A_501 : vector<16xf32>
        %add3A_503 = arith.constant 200 : i32
        %add3A_504 = arith.addi %add3A_503, %scan3A_471 : i32
        %swap3A_505 = arith.index_cast %add3A_504 : i32 to index
        %swap3A_506 = arith.constant 16 : index
        %swap3A_507 = tpu.vector_load %arg8[%swap3A_505, %swap3A_506] {strides = array<i32>} : memref<800x64xf32, #tpu.memory_space<vmem>>, vector<1x16xf32>,
        %swap3A_508 = vector.shape_cast %swap3A_507 : vector<1x16xf32> to vector<16xf32>
        %swap3A_509 = vector.shape_cast %add3A_502 : vector<16xf32> to vector<1x16xf32>
        tpu.vector_store %arg8[%swap3A_505, %swap3A_506], %swap3A_509 {strides = array<i32>} : memref<800x64xf32, #tpu.memory_space<vmem>>, vector<1x16xf32>,
        %add3A_510 = arith.constant 200 : i32
        %add3A_511 = arith.addi %add3A_510, %scan3A_471 : i32
        %get3A_512 = arith.index_cast %add3A_511 : i32 to index
        %get3A_513 = arith.constant 32 : index
        %get3A_514 = tpu.vector_load %arg8[%get3A_512, %get3A_513] {strides = array<i32>} : memref<800x64xf32, #tpu.memory_space<vmem>>, vector<1x16xf32>,
        %get3A_515 = vector.shape_cast %get3A_514 : vector<1x16xf32> to vector<16xf32>
        %add3A_516 = arith.constant 0 : i32
        %add3A_517 = arith.addi %add3A_516, %scan3A_471 : i32
        %get3A_518 = arith.index_cast %add3A_517 : i32 to index
        %get3A_519 = arith.constant 32 : index
        %get3A_520 = tpu.vector_load %arg7[%get3A_518, %get3A_519] {strides = array<i32>} : memref<200x64xf32, #tpu.memory_space<vmem>>, vector<1x16xf32>,
        %get3A_521 = vector.shape_cast %get3A_520 : vector<1x16xf32> to vector<16xf32>
        %add3A_522 = arith.addf %get3A_515, %get3A_521 : vector<16xf32>
        %add3A_523 = arith.constant 200 : i32
        %add3A_524 = arith.addi %add3A_523, %scan3A_471 : i32
        %swap3A_525 = arith.index_cast %add3A_524 : i32 to index
        %swap3A_526 = arith.constant 32 : index
        %swap3A_527 = tpu.vector_load %arg8[%swap3A_525, %swap3A_526] {strides = array<i32>} : memref<800x64xf32, #tpu.memory_space<vmem>>, vector<1x16xf32>,
        %swap3A_528 = vector.shape_cast %swap3A_527 : vector<1x16xf32> to vector<16xf32>
        %swap3A_529 = vector.shape_cast %add3A_522 : vector<16xf32> to vector<1x16xf32>
        tpu.vector_store %arg8[%swap3A_525, %swap3A_526], %swap3A_529 {strides = array<i32>} : memref<800x64xf32, #tpu.memory_space<vmem>>, vector<1x16xf32>,
        %add3A_530 = arith.constant 200 : i32
        %add3A_531 = arith.addi %add3A_530, %scan3A_471 : i32
        %get3A_532 = arith.index_cast %add3A_531 : i32 to index
        %get3A_533 = arith.constant 48 : index
        %get3A_534 = tpu.vector_load %arg8[%get3A_532, %get3A_533] {strides = array<i32>} : memref<800x64xf32, #tpu.memory_space<vmem>>, vector<1x16xf32>,
        %get3A_535 = vector.shape_cast %get3A_534 : vector<1x16xf32> to vector<16xf32>
        %add3A_536 = arith.constant 0 : i32
        %add3A_537 = arith.addi %add3A_536, %scan3A_471 : i32
        %get3A_538 = arith.index_cast %add3A_537 : i32 to index
        %get3A_539 = arith.constant 48 : index
        %get3A_540 = tpu.vector_load %arg7[%get3A_538, %get3A_539] {strides = array<i32>} : memref<200x64xf32, #tpu.memory_space<vmem>>, vector<1x16xf32>,
        %get3A_541 = vector.shape_cast %get3A_540 : vector<1x16xf32> to vector<16xf32>
        %add3A_542 = arith.addf %get3A_535, %get3A_541 : vector<16xf32>
        %add3A_543 = arith.constant 200 : i32
        %add3A_544 = arith.addi %add3A_543, %scan3A_471 : i32
        %swap3A_545 = arith.index_cast %add3A_544 : i32 to index
        %swap3A_546 = arith.constant 48 : index
        %swap3A_547 = tpu.vector_load %arg8[%swap3A_545, %swap3A_546] {strides = array<i32>} : memref<800x64xf32, #tpu.memory_space<vmem>>, vector<1x16xf32>,
        %swap3A_548 = vector.shape_cast %swap3A_547 : vector<1x16xf32> to vector<16xf32>
        %swap3A_549 = vector.shape_cast %add3A_542 : vector<16xf32> to vector<1x16xf32>
        tpu.vector_store %arg8[%swap3A_545, %swap3A_546], %swap3A_549 {strides = array<i32>} : memref<800x64xf32, #tpu.memory_space<vmem>>, vector<1x16xf32>,
      }
      %scan3A_145 = arith.constant 100 : i32
      %dma_wait3A_146 = arith.constant 300 : i32
      %dma_wait3A_147 = arith.constant 0 : i32
      %dma_wait3A_148 = tpu.memref_slice %arg8[%dma_wait3A_146, %dma_wait3A_147] : memref<800x64xf32, #tpu.memory_space<vmem>> -> memref<100x64xf32, #tpu.memory_space<vmem>>
      %dma_wait3A_149 = arith.constant 0 : i32
      %dma_wait3A_150 = tpu.memref_slice %arg6[%add3A_48, %dma_wait3A_149] : memref<64x100xi32, #tpu.memory_space<vmem>> -> memref<1x100xi32, #tpu.memory_space<vmem>>
      %dma_wait3A_151 = tpu.memref_squeeze %dma_wait3A_150 : memref<1x100xi32, #tpu.memory_space<vmem>> -> memref<100xi32, #tpu.memory_space<vmem>>
      %dma_wait3A_152 = arith.constant 0 : i32
      %dma_wait3A_153 = arith.constant 0 : i32
      %dma_wait3A_154 = tpu.memref_slice %arg3[%dma_wait3A_152, %dma_wait3A_153] : memref<100000x64xf32, #tpu.memory_space<hbm>> -> memref<100000x64xf32, #tpu.memory_space<hbm>>
      tpu.wait_indirect_dma semaphore(%arg13 : memref<!tpu.dma_semaphore, #tpu.memory_space<semaphore_mem>>) src(%dma_wait3A_154 : memref<100000x64xf32, #tpu.memory_space<hbm>>) dst(%dma_wait3A_148 : memref<100x64xf32, #tpu.memory_space<vmem>>)
      %scan3A_155 = arith.constant 0 : i32
      %scan3A_156 = arith.constant 0 : i32
      %scan3A_157 = arith.constant 100 : i32
      %scan3A_158 = arith.addi %scan3A_156, %scan3A_157 : i32
      %scan3A_159 = arith.constant 1 : i32
      scf.for %scan3A_471 = %scan3A_156 to %scan3A_158 step %scan3A_159  : i32 {
        %add3A_472 = arith.constant 300 : i32
        %add3A_473 = arith.addi %add3A_472, %scan3A_471 : i32
        %get3A = arith.index_cast %add3A_473 : i32 to index
        %get3A_474 = arith.constant 0 : index
        %get3A_475 = tpu.vector_load %arg8[%get3A, %get3A_474] {strides = array<i32>} : memref<800x64xf32, #tpu.memory_space<vmem>>, vector<1x16xf32>,
        %get3A_476 = vector.shape_cast %get3A_475 : vector<1x16xf32> to vector<16xf32>
        %add3A_477 = arith.constant 100 : i32
        %add3A_478 = arith.addi %add3A_477, %scan3A_471 : i32
        %get3A_479 = arith.index_cast %add3A_478 : i32 to index
        %get3A_480 = arith.constant 0 : index
        %get3A_481 = tpu.vector_load %arg7[%get3A_479, %get3A_480] {strides = array<i32>} : memref<200x64xf32, #tpu.memory_space<vmem>>, vector<1x16xf32>,
        %get3A_482 = vector.shape_cast %get3A_481 : vector<1x16xf32> to vector<16xf32>
        %add3A_483 = arith.addf %get3A_476, %get3A_482 : vector<16xf32>
        %add3A_484 = arith.constant 300 : i32
        %add3A_485 = arith.addi %add3A_484, %scan3A_471 : i32
        %swap3A = arith.index_cast %add3A_485 : i32 to index
        %swap3A_486 = arith.constant 0 : index
        %swap3A_487 = tpu.vector_load %arg8[%swap3A, %swap3A_486] {strides = array<i32>} : memref<800x64xf32, #tpu.memory_space<vmem>>, vector<1x16xf32>,
        %swap3A_488 = vector.shape_cast %swap3A_487 : vector<1x16xf32> to vector<16xf32>
        %swap3A_489 = vector.shape_cast %add3A_483 : vector<16xf32> to vector<1x16xf32>
        tpu.vector_store %arg8[%swap3A, %swap3A_486], %swap3A_489 {strides = array<i32>} : memref<800x64xf32, #tpu.memory_space<vmem>>, vector<1x16xf32>,
        %add3A_490 = arith.constant 300 : i32
        %add3A_491 = arith.addi %add3A_490, %scan3A_471 : i32
        %get3A_492 = arith.index_cast %add3A_491 : i32 to index
        %get3A_493 = arith.constant 16 : index
        %get3A_494 = tpu.vector_load %arg8[%get3A_492, %get3A_493] {strides = array<i32>} : memref<800x64xf32, #tpu.memory_space<vmem>>, vector<1x16xf32>,
        %get3A_495 = vector.shape_cast %get3A_494 : vector<1x16xf32> to vector<16xf32>
        %add3A_496 = arith.constant 100 : i32
        %add3A_497 = arith.addi %add3A_496, %scan3A_471 : i32
        %get3A_498 = arith.index_cast %add3A_497 : i32 to index
        %get3A_499 = arith.constant 16 : index
        %get3A_500 = tpu.vector_load %arg7[%get3A_498, %get3A_499] {strides = array<i32>} : memref<200x64xf32, #tpu.memory_space<vmem>>, vector<1x16xf32>,
        %get3A_501 = vector.shape_cast %get3A_500 : vector<1x16xf32> to vector<16xf32>
        %add3A_502 = arith.addf %get3A_495, %get3A_501 : vector<16xf32>
        %add3A_503 = arith.constant 300 : i32
        %add3A_504 = arith.addi %add3A_503, %scan3A_471 : i32
        %swap3A_505 = arith.index_cast %add3A_504 : i32 to index
        %swap3A_506 = arith.constant 16 : index
        %swap3A_507 = tpu.vector_load %arg8[%swap3A_505, %swap3A_506] {strides = array<i32>} : memref<800x64xf32, #tpu.memory_space<vmem>>, vector<1x16xf32>,
        %swap3A_508 = vector.shape_cast %swap3A_507 : vector<1x16xf32> to vector<16xf32>
        %swap3A_509 = vector.shape_cast %add3A_502 : vector<16xf32> to vector<1x16xf32>
        tpu.vector_store %arg8[%swap3A_505, %swap3A_506], %swap3A_509 {strides = array<i32>} : memref<800x64xf32, #tpu.memory_space<vmem>>, vector<1x16xf32>,
        %add3A_510 = arith.constant 300 : i32
        %add3A_511 = arith.addi %add3A_510, %scan3A_471 : i32
        %get3A_512 = arith.index_cast %add3A_511 : i32 to index
        %get3A_513 = arith.constant 32 : index
        %get3A_514 = tpu.vector_load %arg8[%get3A_512, %get3A_513] {strides = array<i32>} : memref<800x64xf32, #tpu.memory_space<vmem>>, vector<1x16xf32>,
        %get3A_515 = vector.shape_cast %get3A_514 : vector<1x16xf32> to vector<16xf32>
        %add3A_516 = arith.constant 100 : i32
        %add3A_517 = arith.addi %add3A_516, %scan3A_471 : i32
        %get3A_518 = arith.index_cast %add3A_517 : i32 to index
        %get3A_519 = arith.constant 32 : index
        %get3A_520 = tpu.vector_load %arg7[%get3A_518, %get3A_519] {strides = array<i32>} : memref<200x64xf32, #tpu.memory_space<vmem>>, vector<1x16xf32>,
        %get3A_521 = vector.shape_cast %get3A_520 : vector<1x16xf32> to vector<16xf32>
        %add3A_522 = arith.addf %get3A_515, %get3A_521 : vector<16xf32>
        %add3A_523 = arith.constant 300 : i32
        %add3A_524 = arith.addi %add3A_523, %scan3A_471 : i32
        %swap3A_525 = arith.index_cast %add3A_524 : i32 to index
        %swap3A_526 = arith.constant 32 : index
        %swap3A_527 = tpu.vector_load %arg8[%swap3A_525, %swap3A_526] {strides = array<i32>} : memref<800x64xf32, #tpu.memory_space<vmem>>, vector<1x16xf32>,
        %swap3A_528 = vector.shape_cast %swap3A_527 : vector<1x16xf32> to vector<16xf32>
        %swap3A_529 = vector.shape_cast %add3A_522 : vector<16xf32> to vector<1x16xf32>
        tpu.vector_store %arg8[%swap3A_525, %swap3A_526], %swap3A_529 {strides = array<i32>} : memref<800x64xf32, #tpu.memory_space<vmem>>, vector<1x16xf32>,
        %add3A_530 = arith.constant 300 : i32
        %add3A_531 = arith.addi %add3A_530, %scan3A_471 : i32
        %get3A_532 = arith.index_cast %add3A_531 : i32 to index
        %get3A_533 = arith.constant 48 : index
        %get3A_534 = tpu.vector_load %arg8[%get3A_532, %get3A_533] {strides = array<i32>} : memref<800x64xf32, #tpu.memory_space<vmem>>, vector<1x16xf32>,
        %get3A_535 = vector.shape_cast %get3A_534 : vector<1x16xf32> to vector<16xf32>
        %add3A_536 = arith.constant 100 : i32
        %add3A_537 = arith.addi %add3A_536, %scan3A_471 : i32
        %get3A_538 = arith.index_cast %add3A_537 : i32 to index
        %get3A_539 = arith.constant 48 : index
        %get3A_540 = tpu.vector_load %arg7[%get3A_538, %get3A_539] {strides = array<i32>} : memref<200x64xf32, #tpu.memory_space<vmem>>, vector<1x16xf32>,
        %get3A_541 = vector.shape_cast %get3A_540 : vector<1x16xf32> to vector<16xf32>
        %add3A_542 = arith.addf %get3A_535, %get3A_541 : vector<16xf32>
        %add3A_543 = arith.constant 300 : i32
        %add3A_544 = arith.addi %add3A_543, %scan3A_471 : i32
        %swap3A_545 = arith.index_cast %add3A_544 : i32 to index
        %swap3A_546 = arith.constant 48 : index
        %swap3A_547 = tpu.vector_load %arg8[%swap3A_545, %swap3A_546] {strides = array<i32>} : memref<800x64xf32, #tpu.memory_space<vmem>>, vector<1x16xf32>,
        %swap3A_548 = vector.shape_cast %swap3A_547 : vector<1x16xf32> to vector<16xf32>
        %swap3A_549 = vector.shape_cast %add3A_542 : vector<16xf32> to vector<1x16xf32>
        tpu.vector_store %arg8[%swap3A_545, %swap3A_546], %swap3A_549 {strides = array<i32>} : memref<800x64xf32, #tpu.memory_space<vmem>>, vector<1x16xf32>,
      }
      %scan3A_160 = arith.constant 100 : i32
      %dma_wait3A_161 = arith.constant 400 : i32
      %dma_wait3A_162 = arith.constant 0 : i32
      %dma_wait3A_163 = tpu.memref_slice %arg8[%dma_wait3A_161, %dma_wait3A_162] : memref<800x64xf32, #tpu.memory_space<vmem>> -> memref<100x64xf32, #tpu.memory_space<vmem>>
      %dma_wait3A_164 = arith.constant 0 : i32
      %dma_wait3A_165 = tpu.memref_slice %arg6[%add3A_59, %dma_wait3A_164] : memref<64x100xi32, #tpu.memory_space<vmem>> -> memref<1x100xi32, #tpu.memory_space<vmem>>
      %dma_wait3A_166 = tpu.memref_squeeze %dma_wait3A_165 : memref<1x100xi32, #tpu.memory_space<vmem>> -> memref<100xi32, #tpu.memory_space<vmem>>
      %dma_wait3A_167 = arith.constant 0 : i32
      %dma_wait3A_168 = arith.constant 0 : i32
      %dma_wait3A_169 = tpu.memref_slice %arg3[%dma_wait3A_167, %dma_wait3A_168] : memref<100000x64xf32, #tpu.memory_space<hbm>> -> memref<100000x64xf32, #tpu.memory_space<hbm>>
      tpu.wait_indirect_dma semaphore(%arg14 : memref<!tpu.dma_semaphore, #tpu.memory_space<semaphore_mem>>) src(%dma_wait3A_169 : memref<100000x64xf32, #tpu.memory_space<hbm>>) dst(%dma_wait3A_163 : memref<100x64xf32, #tpu.memory_space<vmem>>)
      %scan3A_170 = arith.constant 0 : i32
      %scan3A_171 = arith.constant 0 : i32
      %scan3A_172 = arith.constant 100 : i32
      %scan3A_173 = arith.addi %scan3A_171, %scan3A_172 : i32
      %scan3A_174 = arith.constant 1 : i32
      scf.for %scan3A_471 = %scan3A_171 to %scan3A_173 step %scan3A_174  : i32 {
        %add3A_472 = arith.constant 400 : i32
        %add3A_473 = arith.addi %add3A_472, %scan3A_471 : i32
        %get3A = arith.index_cast %add3A_473 : i32 to index
        %get3A_474 = arith.constant 0 : index
        %get3A_475 = tpu.vector_load %arg8[%get3A, %get3A_474] {strides = array<i32>} : memref<800x64xf32, #tpu.memory_space<vmem>>, vector<1x16xf32>,
        %get3A_476 = vector.shape_cast %get3A_475 : vector<1x16xf32> to vector<16xf32>
        %add3A_477 = arith.constant 0 : i32
        %add3A_478 = arith.addi %add3A_477, %scan3A_471 : i32
        %get3A_479 = arith.index_cast %add3A_478 : i32 to index
        %get3A_480 = arith.constant 0 : index
        %get3A_481 = tpu.vector_load %arg7[%get3A_479, %get3A_480] {strides = array<i32>} : memref<200x64xf32, #tpu.memory_space<vmem>>, vector<1x16xf32>,
        %get3A_482 = vector.shape_cast %get3A_481 : vector<1x16xf32> to vector<16xf32>
        %add3A_483 = arith.addf %get3A_476, %get3A_482 : vector<16xf32>
        %add3A_484 = arith.constant 400 : i32
        %add3A_485 = arith.addi %add3A_484, %scan3A_471 : i32
        %swap3A = arith.index_cast %add3A_485 : i32 to index
        %swap3A_486 = arith.constant 0 : index
        %swap3A_487 = tpu.vector_load %arg8[%swap3A, %swap3A_486] {strides = array<i32>} : memref<800x64xf32, #tpu.memory_space<vmem>>, vector<1x16xf32>,
        %swap3A_488 = vector.shape_cast %swap3A_487 : vector<1x16xf32> to vector<16xf32>
        %swap3A_489 = vector.shape_cast %add3A_483 : vector<16xf32> to vector<1x16xf32>
        tpu.vector_store %arg8[%swap3A, %swap3A_486], %swap3A_489 {strides = array<i32>} : memref<800x64xf32, #tpu.memory_space<vmem>>, vector<1x16xf32>,
        %add3A_490 = arith.constant 400 : i32
        %add3A_491 = arith.addi %add3A_490, %scan3A_471 : i32
        %get3A_492 = arith.index_cast %add3A_491 : i32 to index
        %get3A_493 = arith.constant 16 : index
        %get3A_494 = tpu.vector_load %arg8[%get3A_492, %get3A_493] {strides = array<i32>} : memref<800x64xf32, #tpu.memory_space<vmem>>, vector<1x16xf32>,
        %get3A_495 = vector.shape_cast %get3A_494 : vector<1x16xf32> to vector<16xf32>
        %add3A_496 = arith.constant 0 : i32
        %add3A_497 = arith.addi %add3A_496, %scan3A_471 : i32
        %get3A_498 = arith.index_cast %add3A_497 : i32 to index
        %get3A_499 = arith.constant 16 : index
        %get3A_500 = tpu.vector_load %arg7[%get3A_498, %get3A_499] {strides = array<i32>} : memref<200x64xf32, #tpu.memory_space<vmem>>, vector<1x16xf32>,
        %get3A_501 = vector.shape_cast %get3A_500 : vector<1x16xf32> to vector<16xf32>
        %add3A_502 = arith.addf %get3A_495, %get3A_501 : vector<16xf32>
        %add3A_503 = arith.constant 400 : i32
        %add3A_504 = arith.addi %add3A_503, %scan3A_471 : i32
        %swap3A_505 = arith.index_cast %add3A_504 : i32 to index
        %swap3A_506 = arith.constant 16 : index
        %swap3A_507 = tpu.vector_load %arg8[%swap3A_505, %swap3A_506] {strides = array<i32>} : memref<800x64xf32, #tpu.memory_space<vmem>>, vector<1x16xf32>,
        %swap3A_508 = vector.shape_cast %swap3A_507 : vector<1x16xf32> to vector<16xf32>
        %swap3A_509 = vector.shape_cast %add3A_502 : vector<16xf32> to vector<1x16xf32>
        tpu.vector_store %arg8[%swap3A_505, %swap3A_506], %swap3A_509 {strides = array<i32>} : memref<800x64xf32, #tpu.memory_space<vmem>>, vector<1x16xf32>,
        %add3A_510 = arith.constant 400 : i32
        %add3A_511 = arith.addi %add3A_510, %scan3A_471 : i32
        %get3A_512 = arith.index_cast %add3A_511 : i32 to index
        %get3A_513 = arith.constant 32 : index
        %get3A_514 = tpu.vector_load %arg8[%get3A_512, %get3A_513] {strides = array<i32>} : memref<800x64xf32, #tpu.memory_space<vmem>>, vector<1x16xf32>,
        %get3A_515 = vector.shape_cast %get3A_514 : vector<1x16xf32> to vector<16xf32>
        %add3A_516 = arith.constant 0 : i32
        %add3A_517 = arith.addi %add3A_516, %scan3A_471 : i32
        %get3A_518 = arith.index_cast %add3A_517 : i32 to index
        %get3A_519 = arith.constant 32 : index
        %get3A_520 = tpu.vector_load %arg7[%get3A_518, %get3A_519] {strides = array<i32>} : memref<200x64xf32, #tpu.memory_space<vmem>>, vector<1x16xf32>,
        %get3A_521 = vector.shape_cast %get3A_520 : vector<1x16xf32> to vector<16xf32>
        %add3A_522 = arith.addf %get3A_515, %get3A_521 : vector<16xf32>
        %add3A_523 = arith.constant 400 : i32
        %add3A_524 = arith.addi %add3A_523, %scan3A_471 : i32
        %swap3A_525 = arith.index_cast %add3A_524 : i32 to index
        %swap3A_526 = arith.constant 32 : index
        %swap3A_527 = tpu.vector_load %arg8[%swap3A_525, %swap3A_526] {strides = array<i32>} : memref<800x64xf32, #tpu.memory_space<vmem>>, vector<1x16xf32>,
        %swap3A_528 = vector.shape_cast %swap3A_527 : vector<1x16xf32> to vector<16xf32>
        %swap3A_529 = vector.shape_cast %add3A_522 : vector<16xf32> to vector<1x16xf32>
        tpu.vector_store %arg8[%swap3A_525, %swap3A_526], %swap3A_529 {strides = array<i32>} : memref<800x64xf32, #tpu.memory_space<vmem>>, vector<1x16xf32>,
        %add3A_530 = arith.constant 400 : i32
        %add3A_531 = arith.addi %add3A_530, %scan3A_471 : i32
        %get3A_532 = arith.index_cast %add3A_531 : i32 to index
        %get3A_533 = arith.constant 48 : index
        %get3A_534 = tpu.vector_load %arg8[%get3A_532, %get3A_533] {strides = array<i32>} : memref<800x64xf32, #tpu.memory_space<vmem>>, vector<1x16xf32>,
        %get3A_535 = vector.shape_cast %get3A_534 : vector<1x16xf32> to vector<16xf32>
        %add3A_536 = arith.constant 0 : i32
        %add3A_537 = arith.addi %add3A_536, %scan3A_471 : i32
        %get3A_538 = arith.index_cast %add3A_537 : i32 to index
        %get3A_539 = arith.constant 48 : index
        %get3A_540 = tpu.vector_load %arg7[%get3A_538, %get3A_539] {strides = array<i32>} : memref<200x64xf32, #tpu.memory_space<vmem>>, vector<1x16xf32>,
        %get3A_541 = vector.shape_cast %get3A_540 : vector<1x16xf32> to vector<16xf32>
        %add3A_542 = arith.addf %get3A_535, %get3A_541 : vector<16xf32>
        %add3A_543 = arith.constant 400 : i32
        %add3A_544 = arith.addi %add3A_543, %scan3A_471 : i32
        %swap3A_545 = arith.index_cast %add3A_544 : i32 to index
        %swap3A_546 = arith.constant 48 : index
        %swap3A_547 = tpu.vector_load %arg8[%swap3A_545, %swap3A_546] {strides = array<i32>} : memref<800x64xf32, #tpu.memory_space<vmem>>, vector<1x16xf32>,
        %swap3A_548 = vector.shape_cast %swap3A_547 : vector<1x16xf32> to vector<16xf32>
        %swap3A_549 = vector.shape_cast %add3A_542 : vector<16xf32> to vector<1x16xf32>
        tpu.vector_store %arg8[%swap3A_545, %swap3A_546], %swap3A_549 {strides = array<i32>} : memref<800x64xf32, #tpu.memory_space<vmem>>, vector<1x16xf32>,
      }
      %scan3A_175 = arith.constant 100 : i32
      %dma_wait3A_176 = arith.constant 500 : i32
      %dma_wait3A_177 = arith.constant 0 : i32
      %dma_wait3A_178 = tpu.memref_slice %arg8[%dma_wait3A_176, %dma_wait3A_177] : memref<800x64xf32, #tpu.memory_space<vmem>> -> memref<100x64xf32, #tpu.memory_space<vmem>>
      %dma_wait3A_179 = arith.constant 0 : i32
      %dma_wait3A_180 = tpu.memref_slice %arg6[%add3A_70, %dma_wait3A_179] : memref<64x100xi32, #tpu.memory_space<vmem>> -> memref<1x100xi32, #tpu.memory_space<vmem>>
      %dma_wait3A_181 = tpu.memref_squeeze %dma_wait3A_180 : memref<1x100xi32, #tpu.memory_space<vmem>> -> memref<100xi32, #tpu.memory_space<vmem>>
      %dma_wait3A_182 = arith.constant 0 : i32
      %dma_wait3A_183 = arith.constant 0 : i32
      %dma_wait3A_184 = tpu.memref_slice %arg3[%dma_wait3A_182, %dma_wait3A_183] : memref<100000x64xf32, #tpu.memory_space<hbm>> -> memref<100000x64xf32, #tpu.memory_space<hbm>>
      tpu.wait_indirect_dma semaphore(%arg15 : memref<!tpu.dma_semaphore, #tpu.memory_space<semaphore_mem>>) src(%dma_wait3A_184 : memref<100000x64xf32, #tpu.memory_space<hbm>>) dst(%dma_wait3A_178 : memref<100x64xf32, #tpu.memory_space<vmem>>)
      %scan3A_185 = arith.constant 0 : i32
      %scan3A_186 = arith.constant 0 : i32
      %scan3A_187 = arith.constant 100 : i32
      %scan3A_188 = arith.addi %scan3A_186, %scan3A_187 : i32
      %scan3A_189 = arith.constant 1 : i32
      scf.for %scan3A_471 = %scan3A_186 to %scan3A_188 step %scan3A_189  : i32 {
        %add3A_472 = arith.constant 500 : i32
        %add3A_473 = arith.addi %add3A_472, %scan3A_471 : i32
        %get3A = arith.index_cast %add3A_473 : i32 to index
        %get3A_474 = arith.constant 0 : index
        %get3A_475 = tpu.vector_load %arg8[%get3A, %get3A_474] {strides = array<i32>} : memref<800x64xf32, #tpu.memory_space<vmem>>, vector<1x16xf32>,
        %get3A_476 = vector.shape_cast %get3A_475 : vector<1x16xf32> to vector<16xf32>
        %add3A_477 = arith.constant 100 : i32
        %add3A_478 = arith.addi %add3A_477, %scan3A_471 : i32
        %get3A_479 = arith.index_cast %add3A_478 : i32 to index
        %get3A_480 = arith.constant 0 : index
        %get3A_481 = tpu.vector_load %arg7[%get3A_479, %get3A_480] {strides = array<i32>} : memref<200x64xf32, #tpu.memory_space<vmem>>, vector<1x16xf32>,
        %get3A_482 = vector.shape_cast %get3A_481 : vector<1x16xf32> to vector<16xf32>
        %add3A_483 = arith.addf %get3A_476, %get3A_482 : vector<16xf32>
        %add3A_484 = arith.constant 500 : i32
        %add3A_485 = arith.addi %add3A_484, %scan3A_471 : i32
        %swap3A = arith.index_cast %add3A_485 : i32 to index
        %swap3A_486 = arith.constant 0 : index
        %swap3A_487 = tpu.vector_load %arg8[%swap3A, %swap3A_486] {strides = array<i32>} : memref<800x64xf32, #tpu.memory_space<vmem>>, vector<1x16xf32>,
        %swap3A_488 = vector.shape_cast %swap3A_487 : vector<1x16xf32> to vector<16xf32>
        %swap3A_489 = vector.shape_cast %add3A_483 : vector<16xf32> to vector<1x16xf32>
        tpu.vector_store %arg8[%swap3A, %swap3A_486], %swap3A_489 {strides = array<i32>} : memref<800x64xf32, #tpu.memory_space<vmem>>, vector<1x16xf32>,
        %add3A_490 = arith.constant 500 : i32
        %add3A_491 = arith.addi %add3A_490, %scan3A_471 : i32
        %get3A_492 = arith.index_cast %add3A_491 : i32 to index
        %get3A_493 = arith.constant 16 : index
        %get3A_494 = tpu.vector_load %arg8[%get3A_492, %get3A_493] {strides = array<i32>} : memref<800x64xf32, #tpu.memory_space<vmem>>, vector<1x16xf32>,
        %get3A_495 = vector.shape_cast %get3A_494 : vector<1x16xf32> to vector<16xf32>
        %add3A_496 = arith.constant 100 : i32
        %add3A_497 = arith.addi %add3A_496, %scan3A_471 : i32
        %get3A_498 = arith.index_cast %add3A_497 : i32 to index
        %get3A_499 = arith.constant 16 : index
        %get3A_500 = tpu.vector_load %arg7[%get3A_498, %get3A_499] {strides = array<i32>} : memref<200x64xf32, #tpu.memory_space<vmem>>, vector<1x16xf32>,
        %get3A_501 = vector.shape_cast %get3A_500 : vector<1x16xf32> to vector<16xf32>
        %add3A_502 = arith.addf %get3A_495, %get3A_501 : vector<16xf32>
        %add3A_503 = arith.constant 500 : i32
        %add3A_504 = arith.addi %add3A_503, %scan3A_471 : i32
        %swap3A_505 = arith.index_cast %add3A_504 : i32 to index
        %swap3A_506 = arith.constant 16 : index
        %swap3A_507 = tpu.vector_load %arg8[%swap3A_505, %swap3A_506] {strides = array<i32>} : memref<800x64xf32, #tpu.memory_space<vmem>>, vector<1x16xf32>,
        %swap3A_508 = vector.shape_cast %swap3A_507 : vector<1x16xf32> to vector<16xf32>
        %swap3A_509 = vector.shape_cast %add3A_502 : vector<16xf32> to vector<1x16xf32>
        tpu.vector_store %arg8[%swap3A_505, %swap3A_506], %swap3A_509 {strides = array<i32>} : memref<800x64xf32, #tpu.memory_space<vmem>>, vector<1x16xf32>,
        %add3A_510 = arith.constant 500 : i32
        %add3A_511 = arith.addi %add3A_510, %scan3A_471 : i32
        %get3A_512 = arith.index_cast %add3A_511 : i32 to index
        %get3A_513 = arith.constant 32 : index
        %get3A_514 = tpu.vector_load %arg8[%get3A_512, %get3A_513] {strides = array<i32>} : memref<800x64xf32, #tpu.memory_space<vmem>>, vector<1x16xf32>,
        %get3A_515 = vector.shape_cast %get3A_514 : vector<1x16xf32> to vector<16xf32>
        %add3A_516 = arith.constant 100 : i32
        %add3A_517 = arith.addi %add3A_516, %scan3A_471 : i32
        %get3A_518 = arith.index_cast %add3A_517 : i32 to index
        %get3A_519 = arith.constant 32 : index
        %get3A_520 = tpu.vector_load %arg7[%get3A_518, %get3A_519] {strides = array<i32>} : memref<200x64xf32, #tpu.memory_space<vmem>>, vector<1x16xf32>,
        %get3A_521 = vector.shape_cast %get3A_520 : vector<1x16xf32> to vector<16xf32>
        %add3A_522 = arith.addf %get3A_515, %get3A_521 : vector<16xf32>
        %add3A_523 = arith.constant 500 : i32
        %add3A_524 = arith.addi %add3A_523, %scan3A_471 : i32
        %swap3A_525 = arith.index_cast %add3A_524 : i32 to index
        %swap3A_526 = arith.constant 32 : index
        %swap3A_527 = tpu.vector_load %arg8[%swap3A_525, %swap3A_526] {strides = array<i32>} : memref<800x64xf32, #tpu.memory_space<vmem>>, vector<1x16xf32>,
        %swap3A_528 = vector.shape_cast %swap3A_527 : vector<1x16xf32> to vector<16xf32>
        %swap3A_529 = vector.shape_cast %add3A_522 : vector<16xf32> to vector<1x16xf32>
        tpu.vector_store %arg8[%swap3A_525, %swap3A_526], %swap3A_529 {strides = array<i32>} : memref<800x64xf32, #tpu.memory_space<vmem>>, vector<1x16xf32>,
        %add3A_530 = arith.constant 500 : i32
        %add3A_531 = arith.addi %add3A_530, %scan3A_471 : i32
        %get3A_532 = arith.index_cast %add3A_531 : i32 to index
        %get3A_533 = arith.constant 48 : index
        %get3A_534 = tpu.vector_load %arg8[%get3A_532, %get3A_533] {strides = array<i32>} : memref<800x64xf32, #tpu.memory_space<vmem>>, vector<1x16xf32>,
        %get3A_535 = vector.shape_cast %get3A_534 : vector<1x16xf32> to vector<16xf32>
        %add3A_536 = arith.constant 100 : i32
        %add3A_537 = arith.addi %add3A_536, %scan3A_471 : i32
        %get3A_538 = arith.index_cast %add3A_537 : i32 to index
        %get3A_539 = arith.constant 48 : index
        %get3A_540 = tpu.vector_load %arg7[%get3A_538, %get3A_539] {strides = array<i32>} : memref<200x64xf32, #tpu.memory_space<vmem>>, vector<1x16xf32>,
        %get3A_541 = vector.shape_cast %get3A_540 : vector<1x16xf32> to vector<16xf32>
        %add3A_542 = arith.addf %get3A_535, %get3A_541 : vector<16xf32>
        %add3A_543 = arith.constant 500 : i32
        %add3A_544 = arith.addi %add3A_543, %scan3A_471 : i32
        %swap3A_545 = arith.index_cast %add3A_544 : i32 to index
        %swap3A_546 = arith.constant 48 : index
        %swap3A_547 = tpu.vector_load %arg8[%swap3A_545, %swap3A_546] {strides = array<i32>} : memref<800x64xf32, #tpu.memory_space<vmem>>, vector<1x16xf32>,
        %swap3A_548 = vector.shape_cast %swap3A_547 : vector<1x16xf32> to vector<16xf32>
        %swap3A_549 = vector.shape_cast %add3A_542 : vector<16xf32> to vector<1x16xf32>
        tpu.vector_store %arg8[%swap3A_545, %swap3A_546], %swap3A_549 {strides = array<i32>} : memref<800x64xf32, #tpu.memory_space<vmem>>, vector<1x16xf32>,
      }
      %scan3A_190 = arith.constant 100 : i32
      %dma_wait3A_191 = arith.constant 600 : i32
      %dma_wait3A_192 = arith.constant 0 : i32
      %dma_wait3A_193 = tpu.memref_slice %arg8[%dma_wait3A_191, %dma_wait3A_192] : memref<800x64xf32, #tpu.memory_space<vmem>> -> memref<100x64xf32, #tpu.memory_space<vmem>>
      %dma_wait3A_194 = arith.constant 0 : i32
      %dma_wait3A_195 = tpu.memref_slice %arg6[%add3A_81, %dma_wait3A_194] : memref<64x100xi32, #tpu.memory_space<vmem>> -> memref<1x100xi32, #tpu.memory_space<vmem>>
      %dma_wait3A_196 = tpu.memref_squeeze %dma_wait3A_195 : memref<1x100xi32, #tpu.memory_space<vmem>> -> memref<100xi32, #tpu.memory_space<vmem>>
      %dma_wait3A_197 = arith.constant 0 : i32
      %dma_wait3A_198 = arith.constant 0 : i32
      %dma_wait3A_199 = tpu.memref_slice %arg3[%dma_wait3A_197, %dma_wait3A_198] : memref<100000x64xf32, #tpu.memory_space<hbm>> -> memref<100000x64xf32, #tpu.memory_space<hbm>>
      tpu.wait_indirect_dma semaphore(%arg16 : memref<!tpu.dma_semaphore, #tpu.memory_space<semaphore_mem>>) src(%dma_wait3A_199 : memref<100000x64xf32, #tpu.memory_space<hbm>>) dst(%dma_wait3A_193 : memref<100x64xf32, #tpu.memory_space<vmem>>)
      %scan3A_200 = arith.constant 0 : i32
      %scan3A_201 = arith.constant 0 : i32
      %scan3A_202 = arith.constant 100 : i32
      %scan3A_203 = arith.addi %scan3A_201, %scan3A_202 : i32
      %scan3A_204 = arith.constant 1 : i32
      scf.for %scan3A_471 = %scan3A_201 to %scan3A_203 step %scan3A_204  : i32 {
        %add3A_472 = arith.constant 600 : i32
        %add3A_473 = arith.addi %add3A_472, %scan3A_471 : i32
        %get3A = arith.index_cast %add3A_473 : i32 to index
        %get3A_474 = arith.constant 0 : index
        %get3A_475 = tpu.vector_load %arg8[%get3A, %get3A_474] {strides = array<i32>} : memref<800x64xf32, #tpu.memory_space<vmem>>, vector<1x16xf32>,
        %get3A_476 = vector.shape_cast %get3A_475 : vector<1x16xf32> to vector<16xf32>
        %add3A_477 = arith.constant 0 : i32
        %add3A_478 = arith.addi %add3A_477, %scan3A_471 : i32
        %get3A_479 = arith.index_cast %add3A_478 : i32 to index
        %get3A_480 = arith.constant 0 : index
        %get3A_481 = tpu.vector_load %arg7[%get3A_479, %get3A_480] {strides = array<i32>} : memref<200x64xf32, #tpu.memory_space<vmem>>, vector<1x16xf32>,
        %get3A_482 = vector.shape_cast %get3A_481 : vector<1x16xf32> to vector<16xf32>
        %add3A_483 = arith.addf %get3A_476, %get3A_482 : vector<16xf32>
        %add3A_484 = arith.constant 600 : i32
        %add3A_485 = arith.addi %add3A_484, %scan3A_471 : i32
        %swap3A = arith.index_cast %add3A_485 : i32 to index
        %swap3A_486 = arith.constant 0 : index
        %swap3A_487 = tpu.vector_load %arg8[%swap3A, %swap3A_486] {strides = array<i32>} : memref<800x64xf32, #tpu.memory_space<vmem>>, vector<1x16xf32>,
        %swap3A_488 = vector.shape_cast %swap3A_487 : vector<1x16xf32> to vector<16xf32>
        %swap3A_489 = vector.shape_cast %add3A_483 : vector<16xf32> to vector<1x16xf32>
        tpu.vector_store %arg8[%swap3A, %swap3A_486], %swap3A_489 {strides = array<i32>} : memref<800x64xf32, #tpu.memory_space<vmem>>, vector<1x16xf32>,
        %add3A_490 = arith.constant 600 : i32
        %add3A_491 = arith.addi %add3A_490, %scan3A_471 : i32
        %get3A_492 = arith.index_cast %add3A_491 : i32 to index
        %get3A_493 = arith.constant 16 : index
        %get3A_494 = tpu.vector_load %arg8[%get3A_492, %get3A_493] {strides = array<i32>} : memref<800x64xf32, #tpu.memory_space<vmem>>, vector<1x16xf32>,
        %get3A_495 = vector.shape_cast %get3A_494 : vector<1x16xf32> to vector<16xf32>
        %add3A_496 = arith.constant 0 : i32
        %add3A_497 = arith.addi %add3A_496, %scan3A_471 : i32
        %get3A_498 = arith.index_cast %add3A_497 : i32 to index
        %get3A_499 = arith.constant 16 : index
        %get3A_500 = tpu.vector_load %arg7[%get3A_498, %get3A_499] {strides = array<i32>} : memref<200x64xf32, #tpu.memory_space<vmem>>, vector<1x16xf32>,
        %get3A_501 = vector.shape_cast %get3A_500 : vector<1x16xf32> to vector<16xf32>
        %add3A_502 = arith.addf %get3A_495, %get3A_501 : vector<16xf32>
        %add3A_503 = arith.constant 600 : i32
        %add3A_504 = arith.addi %add3A_503, %scan3A_471 : i32
        %swap3A_505 = arith.index_cast %add3A_504 : i32 to index
        %swap3A_506 = arith.constant 16 : index
        %swap3A_507 = tpu.vector_load %arg8[%swap3A_505, %swap3A_506] {strides = array<i32>} : memref<800x64xf32, #tpu.memory_space<vmem>>, vector<1x16xf32>,
        %swap3A_508 = vector.shape_cast %swap3A_507 : vector<1x16xf32> to vector<16xf32>
        %swap3A_509 = vector.shape_cast %add3A_502 : vector<16xf32> to vector<1x16xf32>
        tpu.vector_store %arg8[%swap3A_505, %swap3A_506], %swap3A_509 {strides = array<i32>} : memref<800x64xf32, #tpu.memory_space<vmem>>, vector<1x16xf32>,
        %add3A_510 = arith.constant 600 : i32
        %add3A_511 = arith.addi %add3A_510, %scan3A_471 : i32
        %get3A_512 = arith.index_cast %add3A_511 : i32 to index
        %get3A_513 = arith.constant 32 : index
        %get3A_514 = tpu.vector_load %arg8[%get3A_512, %get3A_513] {strides = array<i32>} : memref<800x64xf32, #tpu.memory_space<vmem>>, vector<1x16xf32>,
        %get3A_515 = vector.shape_cast %get3A_514 : vector<1x16xf32> to vector<16xf32>
        %add3A_516 = arith.constant 0 : i32
        %add3A_517 = arith.addi %add3A_516, %scan3A_471 : i32
        %get3A_518 = arith.index_cast %add3A_517 : i32 to index
        %get3A_519 = arith.constant 32 : index
        %get3A_520 = tpu.vector_load %arg7[%get3A_518, %get3A_519] {strides = array<i32>} : memref<200x64xf32, #tpu.memory_space<vmem>>, vector<1x16xf32>,
        %get3A_521 = vector.shape_cast %get3A_520 : vector<1x16xf32> to vector<16xf32>
        %add3A_522 = arith.addf %get3A_515, %get3A_521 : vector<16xf32>
        %add3A_523 = arith.constant 600 : i32
        %add3A_524 = arith.addi %add3A_523, %scan3A_471 : i32
        %swap3A_525 = arith.index_cast %add3A_524 : i32 to index
        %swap3A_526 = arith.constant 32 : index
        %swap3A_527 = tpu.vector_load %arg8[%swap3A_525, %swap3A_526] {strides = array<i32>} : memref<800x64xf32, #tpu.memory_space<vmem>>, vector<1x16xf32>,
        %swap3A_528 = vector.shape_cast %swap3A_527 : vector<1x16xf32> to vector<16xf32>
        %swap3A_529 = vector.shape_cast %add3A_522 : vector<16xf32> to vector<1x16xf32>
        tpu.vector_store %arg8[%swap3A_525, %swap3A_526], %swap3A_529 {strides = array<i32>} : memref<800x64xf32, #tpu.memory_space<vmem>>, vector<1x16xf32>,
        %add3A_530 = arith.constant 600 : i32
        %add3A_531 = arith.addi %add3A_530, %scan3A_471 : i32
        %get3A_532 = arith.index_cast %add3A_531 : i32 to index
        %get3A_533 = arith.constant 48 : index
        %get3A_534 = tpu.vector_load %arg8[%get3A_532, %get3A_533] {strides = array<i32>} : memref<800x64xf32, #tpu.memory_space<vmem>>, vector<1x16xf32>,
        %get3A_535 = vector.shape_cast %get3A_534 : vector<1x16xf32> to vector<16xf32>
        %add3A_536 = arith.constant 0 : i32
        %add3A_537 = arith.addi %add3A_536, %scan3A_471 : i32
        %get3A_538 = arith.index_cast %add3A_537 : i32 to index
        %get3A_539 = arith.constant 48 : index
        %get3A_540 = tpu.vector_load %arg7[%get3A_538, %get3A_539] {strides = array<i32>} : memref<200x64xf32, #tpu.memory_space<vmem>>, vector<1x16xf32>,
        %get3A_541 = vector.shape_cast %get3A_540 : vector<1x16xf32> to vector<16xf32>
        %add3A_542 = arith.addf %get3A_535, %get3A_541 : vector<16xf32>
        %add3A_543 = arith.constant 600 : i32
        %add3A_544 = arith.addi %add3A_543, %scan3A_471 : i32
        %swap3A_545 = arith.index_cast %add3A_544 : i32 to index
        %swap3A_546 = arith.constant 48 : index
        %swap3A_547 = tpu.vector_load %arg8[%swap3A_545, %swap3A_546] {strides = array<i32>} : memref<800x64xf32, #tpu.memory_space<vmem>>, vector<1x16xf32>,
        %swap3A_548 = vector.shape_cast %swap3A_547 : vector<1x16xf32> to vector<16xf32>
        %swap3A_549 = vector.shape_cast %add3A_542 : vector<16xf32> to vector<1x16xf32>
        tpu.vector_store %arg8[%swap3A_545, %swap3A_546], %swap3A_549 {strides = array<i32>} : memref<800x64xf32, #tpu.memory_space<vmem>>, vector<1x16xf32>,
      }
      %scan3A_205 = arith.constant 100 : i32
      %dma_wait3A_206 = arith.constant 700 : i32
      %dma_wait3A_207 = arith.constant 0 : i32
      %dma_wait3A_208 = tpu.memref_slice %arg8[%dma_wait3A_206, %dma_wait3A_207] : memref<800x64xf32, #tpu.memory_space<vmem>> -> memref<100x64xf32, #tpu.memory_space<vmem>>
      %dma_wait3A_209 = arith.constant 0 : i32
      %dma_wait3A_210 = tpu.memref_slice %arg6[%add3A_92, %dma_wait3A_209] : memref<64x100xi32, #tpu.memory_space<vmem>> -> memref<1x100xi32, #tpu.memory_space<vmem>>
      %dma_wait3A_211 = tpu.memref_squeeze %dma_wait3A_210 : memref<1x100xi32, #tpu.memory_space<vmem>> -> memref<100xi32, #tpu.memory_space<vmem>>
      %dma_wait3A_212 = arith.constant 0 : i32
      %dma_wait3A_213 = arith.constant 0 : i32
      %dma_wait3A_214 = tpu.memref_slice %arg3[%dma_wait3A_212, %dma_wait3A_213] : memref<100000x64xf32, #tpu.memory_space<hbm>> -> memref<100000x64xf32, #tpu.memory_space<hbm>>
      tpu.wait_indirect_dma semaphore(%arg17 : memref<!tpu.dma_semaphore, #tpu.memory_space<semaphore_mem>>) src(%dma_wait3A_214 : memref<100000x64xf32, #tpu.memory_space<hbm>>) dst(%dma_wait3A_208 : memref<100x64xf32, #tpu.memory_space<vmem>>)
      %scan3A_215 = arith.constant 0 : i32
      %scan3A_216 = arith.constant 0 : i32
      %scan3A_217 = arith.constant 100 : i32
      %scan3A_218 = arith.addi %scan3A_216, %scan3A_217 : i32
      %scan3A_219 = arith.constant 1 : i32
      scf.for %scan3A_471 = %scan3A_216 to %scan3A_218 step %scan3A_219  : i32 {
        %add3A_472 = arith.constant 700 : i32
        %add3A_473 = arith.addi %add3A_472, %scan3A_471 : i32
        %get3A = arith.index_cast %add3A_473 : i32 to index
        %get3A_474 = arith.constant 0 : index
        %get3A_475 = tpu.vector_load %arg8[%get3A, %get3A_474] {strides = array<i32>} : memref<800x64xf32, #tpu.memory_space<vmem>>, vector<1x16xf32>,
        %get3A_476 = vector.shape_cast %get3A_475 : vector<1x16xf32> to vector<16xf32>
        %add3A_477 = arith.constant 100 : i32
        %add3A_478 = arith.addi %add3A_477, %scan3A_471 : i32
        %get3A_479 = arith.index_cast %add3A_478 : i32 to index
        %get3A_480 = arith.constant 0 : index
        %get3A_481 = tpu.vector_load %arg7[%get3A_479, %get3A_480] {strides = array<i32>} : memref<200x64xf32, #tpu.memory_space<vmem>>, vector<1x16xf32>,
        %get3A_482 = vector.shape_cast %get3A_481 : vector<1x16xf32> to vector<16xf32>
        %add3A_483 = arith.addf %get3A_476, %get3A_482 : vector<16xf32>
        %add3A_484 = arith.constant 700 : i32
        %add3A_485 = arith.addi %add3A_484, %scan3A_471 : i32
        %swap3A = arith.index_cast %add3A_485 : i32 to index
        %swap3A_486 = arith.constant 0 : index
        %swap3A_487 = tpu.vector_load %arg8[%swap3A, %swap3A_486] {strides = array<i32>} : memref<800x64xf32, #tpu.memory_space<vmem>>, vector<1x16xf32>,
        %swap3A_488 = vector.shape_cast %swap3A_487 : vector<1x16xf32> to vector<16xf32>
        %swap3A_489 = vector.shape_cast %add3A_483 : vector<16xf32> to vector<1x16xf32>
        tpu.vector_store %arg8[%swap3A, %swap3A_486], %swap3A_489 {strides = array<i32>} : memref<800x64xf32, #tpu.memory_space<vmem>>, vector<1x16xf32>,
        %add3A_490 = arith.constant 700 : i32
        %add3A_491 = arith.addi %add3A_490, %scan3A_471 : i32
        %get3A_492 = arith.index_cast %add3A_491 : i32 to index
        %get3A_493 = arith.constant 16 : index
        %get3A_494 = tpu.vector_load %arg8[%get3A_492, %get3A_493] {strides = array<i32>} : memref<800x64xf32, #tpu.memory_space<vmem>>, vector<1x16xf32>,
        %get3A_495 = vector.shape_cast %get3A_494 : vector<1x16xf32> to vector<16xf32>
        %add3A_496 = arith.constant 100 : i32
        %add3A_497 = arith.addi %add3A_496, %scan3A_471 : i32
        %get3A_498 = arith.index_cast %add3A_497 : i32 to index
        %get3A_499 = arith.constant 16 : index
        %get3A_500 = tpu.vector_load %arg7[%get3A_498, %get3A_499] {strides = array<i32>} : memref<200x64xf32, #tpu.memory_space<vmem>>, vector<1x16xf32>,
        %get3A_501 = vector.shape_cast %get3A_500 : vector<1x16xf32> to vector<16xf32>
        %add3A_502 = arith.addf %get3A_495, %get3A_501 : vector<16xf32>
        %add3A_503 = arith.constant 700 : i32
        %add3A_504 = arith.addi %add3A_503, %scan3A_471 : i32
        %swap3A_505 = arith.index_cast %add3A_504 : i32 to index
        %swap3A_506 = arith.constant 16 : index
        %swap3A_507 = tpu.vector_load %arg8[%swap3A_505, %swap3A_506] {strides = array<i32>} : memref<800x64xf32, #tpu.memory_space<vmem>>, vector<1x16xf32>,
        %swap3A_508 = vector.shape_cast %swap3A_507 : vector<1x16xf32> to vector<16xf32>
        %swap3A_509 = vector.shape_cast %add3A_502 : vector<16xf32> to vector<1x16xf32>
        tpu.vector_store %arg8[%swap3A_505, %swap3A_506], %swap3A_509 {strides = array<i32>} : memref<800x64xf32, #tpu.memory_space<vmem>>, vector<1x16xf32>,
        %add3A_510 = arith.constant 700 : i32
        %add3A_511 = arith.addi %add3A_510, %scan3A_471 : i32
        %get3A_512 = arith.index_cast %add3A_511 : i32 to index
        %get3A_513 = arith.constant 32 : index
        %get3A_514 = tpu.vector_load %arg8[%get3A_512, %get3A_513] {strides = array<i32>} : memref<800x64xf32, #tpu.memory_space<vmem>>, vector<1x16xf32>,
        %get3A_515 = vector.shape_cast %get3A_514 : vector<1x16xf32> to vector<16xf32>
        %add3A_516 = arith.constant 100 : i32
        %add3A_517 = arith.addi %add3A_516, %scan3A_471 : i32
        %get3A_518 = arith.index_cast %add3A_517 : i32 to index
        %get3A_519 = arith.constant 32 : index
        %get3A_520 = tpu.vector_load %arg7[%get3A_518, %get3A_519] {strides = array<i32>} : memref<200x64xf32, #tpu.memory_space<vmem>>, vector<1x16xf32>,
        %get3A_521 = vector.shape_cast %get3A_520 : vector<1x16xf32> to vector<16xf32>
        %add3A_522 = arith.addf %get3A_515, %get3A_521 : vector<16xf32>
        %add3A_523 = arith.constant 700 : i32
        %add3A_524 = arith.addi %add3A_523, %scan3A_471 : i32
        %swap3A_525 = arith.index_cast %add3A_524 : i32 to index
        %swap3A_526 = arith.constant 32 : index
        %swap3A_527 = tpu.vector_load %arg8[%swap3A_525, %swap3A_526] {strides = array<i32>} : memref<800x64xf32, #tpu.memory_space<vmem>>, vector<1x16xf32>,
        %swap3A_528 = vector.shape_cast %swap3A_527 : vector<1x16xf32> to vector<16xf32>
        %swap3A_529 = vector.shape_cast %add3A_522 : vector<16xf32> to vector<1x16xf32>
        tpu.vector_store %arg8[%swap3A_525, %swap3A_526], %swap3A_529 {strides = array<i32>} : memref<800x64xf32, #tpu.memory_space<vmem>>, vector<1x16xf32>,
        %add3A_530 = arith.constant 700 : i32
        %add3A_531 = arith.addi %add3A_530, %scan3A_471 : i32
        %get3A_532 = arith.index_cast %add3A_531 : i32 to index
        %get3A_533 = arith.constant 48 : index
        %get3A_534 = tpu.vector_load %arg8[%get3A_532, %get3A_533] {strides = array<i32>} : memref<800x64xf32, #tpu.memory_space<vmem>>, vector<1x16xf32>,
        %get3A_535 = vector.shape_cast %get3A_534 : vector<1x16xf32> to vector<16xf32>
        %add3A_536 = arith.constant 100 : i32
        %add3A_537 = arith.addi %add3A_536, %scan3A_471 : i32
        %get3A_538 = arith.index_cast %add3A_537 : i32 to index
        %get3A_539 = arith.constant 48 : index
        %get3A_540 = tpu.vector_load %arg7[%get3A_538, %get3A_539] {strides = array<i32>} : memref<200x64xf32, #tpu.memory_space<vmem>>, vector<1x16xf32>,
        %get3A_541 = vector.shape_cast %get3A_540 : vector<1x16xf32> to vector<16xf32>
        %add3A_542 = arith.addf %get3A_535, %get3A_541 : vector<16xf32>
        %add3A_543 = arith.constant 700 : i32
        %add3A_544 = arith.addi %add3A_543, %scan3A_471 : i32
        %swap3A_545 = arith.index_cast %add3A_544 : i32 to index
        %swap3A_546 = arith.constant 48 : index
        %swap3A_547 = tpu.vector_load %arg8[%swap3A_545, %swap3A_546] {strides = array<i32>} : memref<800x64xf32, #tpu.memory_space<vmem>>, vector<1x16xf32>,
        %swap3A_548 = vector.shape_cast %swap3A_547 : vector<1x16xf32> to vector<16xf32>
        %swap3A_549 = vector.shape_cast %add3A_542 : vector<16xf32> to vector<1x16xf32>
        tpu.vector_store %arg8[%swap3A_545, %swap3A_546], %swap3A_549 {strides = array<i32>} : memref<800x64xf32, #tpu.memory_space<vmem>>, vector<1x16xf32>,
      }
      %scan3A_220 = arith.constant 100 : i32
      %mul3A_221 = arith.constant 2 : i32
      %mul3A_222 = arith.muli %mul3A_221, %scan3A_10 : i32
      %add3A_223 = arith.addi %mul3A_4, %mul3A_222 : i32
      %dma_start3A_224 = arith.constant 0 : i32
      %dma_start3A_225 = arith.constant 0 : i32
      %dma_start3A_226 = tpu.memref_slice %arg5[%add3A_223, %dma_start3A_224, %dma_start3A_225] : memref<256x800x64xf32, #tpu.memory_space<hbm>> -> memref<1x800x64xf32, #tpu.memory_space<hbm>>
      %dma_start3A_227 = tpu.memref_squeeze %dma_start3A_226 : memref<1x800x64xf32, #tpu.memory_space<hbm>> -> memref<800x64xf32, #tpu.memory_space<hbm>>
      %dma_start3A_228 = arith.constant 0 : i32
      %dma_start3A_229 = arith.constant 0 : i32
      %dma_start3A_230 = tpu.memref_slice %arg5[%add3A_223, %dma_start3A_228, %dma_start3A_229] : memref<256x800x64xf32, #tpu.memory_space<hbm>> -> memref<1x800x64xf32, #tpu.memory_space<hbm>>
      %dma_start3A_231 = tpu.memref_squeeze %dma_start3A_230 : memref<1x800x64xf32, #tpu.memory_space<hbm>> -> memref<800x64xf32, #tpu.memory_space<hbm>>
      tpu.enqueue_dma source(%arg8 : memref<800x64xf32, #tpu.memory_space<vmem>>) target(%dma_start3A_231 : memref<800x64xf32, #tpu.memory_space<hbm>>) target_semaphore(%arg18 : memref<!tpu.dma_semaphore, #tpu.memory_space<semaphore_mem>>)
      %add3A_232 = arith.constant 8 : i32
      %add3A_233 = arith.addi %mul3A_14, %add3A_232 : i32
      %add3A_234 = arith.constant 0 : i32
      %add3A_235 = arith.addi %add3A_233, %add3A_234 : i32
      %dma_start3A_236 = arith.constant 0 : i32
      %dma_start3A_237 = arith.constant 0 : i32
      %dma_start3A_238 = tpu.memref_slice %arg9[%dma_start3A_236, %dma_start3A_237] : memref<800x64xf32, #tpu.memory_space<vmem>> -> memref<100x64xf32, #tpu.memory_space<vmem>>
      %dma_start3A_239 = arith.constant 0 : i32
      %dma_start3A_240 = tpu.memref_slice %arg6[%add3A_235, %dma_start3A_239] : memref<64x100xi32, #tpu.memory_space<vmem>> -> memref<1x100xi32, #tpu.memory_space<vmem>>
      %dma_start3A_241 = tpu.memref_squeeze %dma_start3A_240 : memref<1x100xi32, #tpu.memory_space<vmem>> -> memref<100xi32, #tpu.memory_space<vmem>>
      %dma_start3A_242 = arith.constant 0 : i32
      %dma_start3A_243 = arith.constant 0 : i32
      %dma_start3A_244 = tpu.memref_slice %arg3[%dma_start3A_242, %dma_start3A_243] : memref<100000x64xf32, #tpu.memory_space<hbm>> -> memref<100000x64xf32, #tpu.memory_space<hbm>>
      tpu.enqueue_indirect_dma source(%dma_start3A_244 : memref<100000x64xf32, #tpu.memory_space<hbm>>) target(%dma_start3A_238 : memref<100x64xf32, #tpu.memory_space<vmem>>) offsets(%dma_start3A_241 : memref<100xi32, #tpu.memory_space<vmem>>) semaphore(%arg10 : memref<!tpu.dma_semaphore, #tpu.memory_space<semaphore_mem>>)
      %add3A_245 = arith.constant 1 : i32
      %add3A_246 = arith.addi %add3A_233, %add3A_245 : i32
      %dma_start3A_247 = arith.constant 100 : i32
      %dma_start3A_248 = arith.constant 0 : i32
      %dma_start3A_249 = tpu.memref_slice %arg9[%dma_start3A_247, %dma_start3A_248] : memref<800x64xf32, #tpu.memory_space<vmem>> -> memref<100x64xf32, #tpu.memory_space<vmem>>
      %dma_start3A_250 = arith.constant 0 : i32
      %dma_start3A_251 = tpu.memref_slice %arg6[%add3A_246, %dma_start3A_250] : memref<64x100xi32, #tpu.memory_space<vmem>> -> memref<1x100xi32, #tpu.memory_space<vmem>>
      %dma_start3A_252 = tpu.memref_squeeze %dma_start3A_251 : memref<1x100xi32, #tpu.memory_space<vmem>> -> memref<100xi32, #tpu.memory_space<vmem>>
      %dma_start3A_253 = arith.constant 0 : i32
      %dma_start3A_254 = arith.constant 0 : i32
      %dma_start3A_255 = tpu.memref_slice %arg3[%dma_start3A_253, %dma_start3A_254] : memref<100000x64xf32, #tpu.memory_space<hbm>> -> memref<100000x64xf32, #tpu.memory_space<hbm>>
      tpu.enqueue_indirect_dma source(%dma_start3A_255 : memref<100000x64xf32, #tpu.memory_space<hbm>>) target(%dma_start3A_249 : memref<100x64xf32, #tpu.memory_space<vmem>>) offsets(%dma_start3A_252 : memref<100xi32, #tpu.memory_space<vmem>>) semaphore(%arg11 : memref<!tpu.dma_semaphore, #tpu.memory_space<semaphore_mem>>)
      %add3A_256 = arith.constant 2 : i32
      %add3A_257 = arith.addi %add3A_233, %add3A_256 : i32
      %dma_start3A_258 = arith.constant 200 : i32
      %dma_start3A_259 = arith.constant 0 : i32
      %dma_start3A_260 = tpu.memref_slice %arg9[%dma_start3A_258, %dma_start3A_259] : memref<800x64xf32, #tpu.memory_space<vmem>> -> memref<100x64xf32, #tpu.memory_space<vmem>>
      %dma_start3A_261 = arith.constant 0 : i32
      %dma_start3A_262 = tpu.memref_slice %arg6[%add3A_257, %dma_start3A_261] : memref<64x100xi32, #tpu.memory_space<vmem>> -> memref<1x100xi32, #tpu.memory_space<vmem>>
      %dma_start3A_263 = tpu.memref_squeeze %dma_start3A_262 : memref<1x100xi32, #tpu.memory_space<vmem>> -> memref<100xi32, #tpu.memory_space<vmem>>
      %dma_start3A_264 = arith.constant 0 : i32
      %dma_start3A_265 = arith.constant 0 : i32
      %dma_start3A_266 = tpu.memref_slice %arg3[%dma_start3A_264, %dma_start3A_265] : memref<100000x64xf32, #tpu.memory_space<hbm>> -> memref<100000x64xf32, #tpu.memory_space<hbm>>
      tpu.enqueue_indirect_dma source(%dma_start3A_266 : memref<100000x64xf32, #tpu.memory_space<hbm>>) target(%dma_start3A_260 : memref<100x64xf32, #tpu.memory_space<vmem>>) offsets(%dma_start3A_263 : memref<100xi32, #tpu.memory_space<vmem>>) semaphore(%arg12 : memref<!tpu.dma_semaphore, #tpu.memory_space<semaphore_mem>>)
      %add3A_267 = arith.constant 3 : i32
      %add3A_268 = arith.addi %add3A_233, %add3A_267 : i32
      %dma_start3A_269 = arith.constant 300 : i32
      %dma_start3A_270 = arith.constant 0 : i32
      %dma_start3A_271 = tpu.memref_slice %arg9[%dma_start3A_269, %dma_start3A_270] : memref<800x64xf32, #tpu.memory_space<vmem>> -> memref<100x64xf32, #tpu.memory_space<vmem>>
      %dma_start3A_272 = arith.constant 0 : i32
      %dma_start3A_273 = tpu.memref_slice %arg6[%add3A_268, %dma_start3A_272] : memref<64x100xi32, #tpu.memory_space<vmem>> -> memref<1x100xi32, #tpu.memory_space<vmem>>
      %dma_start3A_274 = tpu.memref_squeeze %dma_start3A_273 : memref<1x100xi32, #tpu.memory_space<vmem>> -> memref<100xi32, #tpu.memory_space<vmem>>
      %dma_start3A_275 = arith.constant 0 : i32
      %dma_start3A_276 = arith.constant 0 : i32
      %dma_start3A_277 = tpu.memref_slice %arg3[%dma_start3A_275, %dma_start3A_276] : memref<100000x64xf32, #tpu.memory_space<hbm>> -> memref<100000x64xf32, #tpu.memory_space<hbm>>
      tpu.enqueue_indirect_dma source(%dma_start3A_277 : memref<100000x64xf32, #tpu.memory_space<hbm>>) target(%dma_start3A_271 : memref<100x64xf32, #tpu.memory_space<vmem>>) offsets(%dma_start3A_274 : memref<100xi32, #tpu.memory_space<vmem>>) semaphore(%arg13 : memref<!tpu.dma_semaphore, #tpu.memory_space<semaphore_mem>>)
      %add3A_278 = arith.constant 4 : i32
      %add3A_279 = arith.addi %add3A_233, %add3A_278 : i32
      %dma_start3A_280 = arith.constant 400 : i32
      %dma_start3A_281 = arith.constant 0 : i32
      %dma_start3A_282 = tpu.memref_slice %arg9[%dma_start3A_280, %dma_start3A_281] : memref<800x64xf32, #tpu.memory_space<vmem>> -> memref<100x64xf32, #tpu.memory_space<vmem>>
      %dma_start3A_283 = arith.constant 0 : i32
      %dma_start3A_284 = tpu.memref_slice %arg6[%add3A_279, %dma_start3A_283] : memref<64x100xi32, #tpu.memory_space<vmem>> -> memref<1x100xi32, #tpu.memory_space<vmem>>
      %dma_start3A_285 = tpu.memref_squeeze %dma_start3A_284 : memref<1x100xi32, #tpu.memory_space<vmem>> -> memref<100xi32, #tpu.memory_space<vmem>>
      %dma_start3A_286 = arith.constant 0 : i32
      %dma_start3A_287 = arith.constant 0 : i32
      %dma_start3A_288 = tpu.memref_slice %arg3[%dma_start3A_286, %dma_start3A_287] : memref<100000x64xf32, #tpu.memory_space<hbm>> -> memref<100000x64xf32, #tpu.memory_space<hbm>>
      tpu.enqueue_indirect_dma source(%dma_start3A_288 : memref<100000x64xf32, #tpu.memory_space<hbm>>) target(%dma_start3A_282 : memref<100x64xf32, #tpu.memory_space<vmem>>) offsets(%dma_start3A_285 : memref<100xi32, #tpu.memory_space<vmem>>) semaphore(%arg14 : memref<!tpu.dma_semaphore, #tpu.memory_space<semaphore_mem>>)
      %add3A_289 = arith.constant 5 : i32
      %add3A_290 = arith.addi %add3A_233, %add3A_289 : i32
      %dma_start3A_291 = arith.constant 500 : i32
      %dma_start3A_292 = arith.constant 0 : i32
      %dma_start3A_293 = tpu.memref_slice %arg9[%dma_start3A_291, %dma_start3A_292] : memref<800x64xf32, #tpu.memory_space<vmem>> -> memref<100x64xf32, #tpu.memory_space<vmem>>
      %dma_start3A_294 = arith.constant 0 : i32
      %dma_start3A_295 = tpu.memref_slice %arg6[%add3A_290, %dma_start3A_294] : memref<64x100xi32, #tpu.memory_space<vmem>> -> memref<1x100xi32, #tpu.memory_space<vmem>>
      %dma_start3A_296 = tpu.memref_squeeze %dma_start3A_295 : memref<1x100xi32, #tpu.memory_space<vmem>> -> memref<100xi32, #tpu.memory_space<vmem>>
      %dma_start3A_297 = arith.constant 0 : i32
      %dma_start3A_298 = arith.constant 0 : i32
      %dma_start3A_299 = tpu.memref_slice %arg3[%dma_start3A_297, %dma_start3A_298] : memref<100000x64xf32, #tpu.memory_space<hbm>> -> memref<100000x64xf32, #tpu.memory_space<hbm>>
      tpu.enqueue_indirect_dma source(%dma_start3A_299 : memref<100000x64xf32, #tpu.memory_space<hbm>>) target(%dma_start3A_293 : memref<100x64xf32, #tpu.memory_space<vmem>>) offsets(%dma_start3A_296 : memref<100xi32, #tpu.memory_space<vmem>>) semaphore(%arg15 : memref<!tpu.dma_semaphore, #tpu.memory_space<semaphore_mem>>)
      %add3A_300 = arith.constant 6 : i32
      %add3A_301 = arith.addi %add3A_233, %add3A_300 : i32
      %dma_start3A_302 = arith.constant 600 : i32
      %dma_start3A_303 = arith.constant 0 : i32
      %dma_start3A_304 = tpu.memref_slice %arg9[%dma_start3A_302, %dma_start3A_303] : memref<800x64xf32, #tpu.memory_space<vmem>> -> memref<100x64xf32, #tpu.memory_space<vmem>>
      %dma_start3A_305 = arith.constant 0 : i32
      %dma_start3A_306 = tpu.memref_slice %arg6[%add3A_301, %dma_start3A_305] : memref<64x100xi32, #tpu.memory_space<vmem>> -> memref<1x100xi32, #tpu.memory_space<vmem>>
      %dma_start3A_307 = tpu.memref_squeeze %dma_start3A_306 : memref<1x100xi32, #tpu.memory_space<vmem>> -> memref<100xi32, #tpu.memory_space<vmem>>
      %dma_start3A_308 = arith.constant 0 : i32
      %dma_start3A_309 = arith.constant 0 : i32
      %dma_start3A_310 = tpu.memref_slice %arg3[%dma_start3A_308, %dma_start3A_309] : memref<100000x64xf32, #tpu.memory_space<hbm>> -> memref<100000x64xf32, #tpu.memory_space<hbm>>
      tpu.enqueue_indirect_dma source(%dma_start3A_310 : memref<100000x64xf32, #tpu.memory_space<hbm>>) target(%dma_start3A_304 : memref<100x64xf32, #tpu.memory_space<vmem>>) offsets(%dma_start3A_307 : memref<100xi32, #tpu.memory_space<vmem>>) semaphore(%arg16 : memref<!tpu.dma_semaphore, #tpu.memory_space<semaphore_mem>>)
      %add3A_311 = arith.constant 7 : i32
      %add3A_312 = arith.addi %add3A_233, %add3A_311 : i32
      %dma_start3A_313 = arith.constant 700 : i32
      %dma_start3A_314 = arith.constant 0 : i32
      %dma_start3A_315 = tpu.memref_slice %arg9[%dma_start3A_313, %dma_start3A_314] : memref<800x64xf32, #tpu.memory_space<vmem>> -> memref<100x64xf32, #tpu.memory_space<vmem>>
      %dma_start3A_316 = arith.constant 0 : i32
      %dma_start3A_317 = tpu.memref_slice %arg6[%add3A_312, %dma_start3A_316] : memref<64x100xi32, #tpu.memory_space<vmem>> -> memref<1x100xi32, #tpu.memory_space<vmem>>
      %dma_start3A_318 = tpu.memref_squeeze %dma_start3A_317 : memref<1x100xi32, #tpu.memory_space<vmem>> -> memref<100xi32, #tpu.memory_space<vmem>>
      %dma_start3A_319 = arith.constant 0 : i32
      %dma_start3A_320 = arith.constant 0 : i32
      %dma_start3A_321 = tpu.memref_slice %arg3[%dma_start3A_319, %dma_start3A_320] : memref<100000x64xf32, #tpu.memory_space<hbm>> -> memref<100000x64xf32, #tpu.memory_space<hbm>>
      tpu.enqueue_indirect_dma source(%dma_start3A_321 : memref<100000x64xf32, #tpu.memory_space<hbm>>) target(%dma_start3A_315 : memref<100x64xf32, #tpu.memory_space<vmem>>) offsets(%dma_start3A_318 : memref<100xi32, #tpu.memory_space<vmem>>) semaphore(%arg17 : memref<!tpu.dma_semaphore, #tpu.memory_space<semaphore_mem>>)
      %dma_wait3A_322 = arith.constant 0 : i32
      %dma_wait3A_323 = arith.constant 0 : i32
      %dma_wait3A_324 = tpu.memref_slice %arg9[%dma_wait3A_322, %dma_wait3A_323] : memref<800x64xf32, #tpu.memory_space<vmem>> -> memref<100x64xf32, #tpu.memory_space<vmem>>
      %dma_wait3A_325 = arith.constant 0 : i32
      %dma_wait3A_326 = tpu.memref_slice %arg6[%add3A_235, %dma_wait3A_325] : memref<64x100xi32, #tpu.memory_space<vmem>> -> memref<1x100xi32, #tpu.memory_space<vmem>>
      %dma_wait3A_327 = tpu.memref_squeeze %dma_wait3A_326 : memref<1x100xi32, #tpu.memory_space<vmem>> -> memref<100xi32, #tpu.memory_space<vmem>>
      %dma_wait3A_328 = arith.constant 0 : i32
      %dma_wait3A_329 = arith.constant 0 : i32
      %dma_wait3A_330 = tpu.memref_slice %arg3[%dma_wait3A_328, %dma_wait3A_329] : memref<100000x64xf32, #tpu.memory_space<hbm>> -> memref<100000x64xf32, #tpu.memory_space<hbm>>
      tpu.wait_indirect_dma semaphore(%arg10 : memref<!tpu.dma_semaphore, #tpu.memory_space<semaphore_mem>>) src(%dma_wait3A_330 : memref<100000x64xf32, #tpu.memory_space<hbm>>) dst(%dma_wait3A_324 : memref<100x64xf32, #tpu.memory_space<vmem>>)
      %scan3A_331 = arith.constant 0 : i32
      %scan3A_332 = arith.constant 0 : i32
      %scan3A_333 = arith.constant 100 : i32
      %scan3A_334 = arith.addi %scan3A_332, %scan3A_333 : i32
      %scan3A_335 = arith.constant 1 : i32
      scf.for %scan3A_471 = %scan3A_332 to %scan3A_334 step %scan3A_335  : i32 {
        %add3A_472 = arith.constant 0 : i32
        %add3A_473 = arith.addi %add3A_472, %scan3A_471 : i32
        %get3A = arith.index_cast %add3A_473 : i32 to index
        %get3A_474 = arith.constant 0 : index
        %get3A_475 = tpu.vector_load %arg9[%get3A, %get3A_474] {strides = array<i32>} : memref<800x64xf32, #tpu.memory_space<vmem>>, vector<1x16xf32>,
        %get3A_476 = vector.shape_cast %get3A_475 : vector<1x16xf32> to vector<16xf32>
        %add3A_477 = arith.constant 0 : i32
        %add3A_478 = arith.addi %add3A_477, %scan3A_471 : i32
        %get3A_479 = arith.index_cast %add3A_478 : i32 to index
        %get3A_480 = arith.constant 0 : index
        %get3A_481 = tpu.vector_load %arg7[%get3A_479, %get3A_480] {strides = array<i32>} : memref<200x64xf32, #tpu.memory_space<vmem>>, vector<1x16xf32>,
        %get3A_482 = vector.shape_cast %get3A_481 : vector<1x16xf32> to vector<16xf32>
        %add3A_483 = arith.addf %get3A_476, %get3A_482 : vector<16xf32>
        %add3A_484 = arith.constant 0 : i32
        %add3A_485 = arith.addi %add3A_484, %scan3A_471 : i32
        %swap3A = arith.index_cast %add3A_485 : i32 to index
        %swap3A_486 = arith.constant 0 : index
        %swap3A_487 = tpu.vector_load %arg9[%swap3A, %swap3A_486] {strides = array<i32>} : memref<800x64xf32, #tpu.memory_space<vmem>>, vector<1x16xf32>,
        %swap3A_488 = vector.shape_cast %swap3A_487 : vector<1x16xf32> to vector<16xf32>
        %swap3A_489 = vector.shape_cast %add3A_483 : vector<16xf32> to vector<1x16xf32>
        tpu.vector_store %arg9[%swap3A, %swap3A_486], %swap3A_489 {strides = array<i32>} : memref<800x64xf32, #tpu.memory_space<vmem>>, vector<1x16xf32>,
        %add3A_490 = arith.constant 0 : i32
        %add3A_491 = arith.addi %add3A_490, %scan3A_471 : i32
        %get3A_492 = arith.index_cast %add3A_491 : i32 to index
        %get3A_493 = arith.constant 16 : index
        %get3A_494 = tpu.vector_load %arg9[%get3A_492, %get3A_493] {strides = array<i32>} : memref<800x64xf32, #tpu.memory_space<vmem>>, vector<1x16xf32>,
        %get3A_495 = vector.shape_cast %get3A_494 : vector<1x16xf32> to vector<16xf32>
        %add3A_496 = arith.constant 0 : i32
        %add3A_497 = arith.addi %add3A_496, %scan3A_471 : i32
        %get3A_498 = arith.index_cast %add3A_497 : i32 to index
        %get3A_499 = arith.constant 16 : index
        %get3A_500 = tpu.vector_load %arg7[%get3A_498, %get3A_499] {strides = array<i32>} : memref<200x64xf32, #tpu.memory_space<vmem>>, vector<1x16xf32>,
        %get3A_501 = vector.shape_cast %get3A_500 : vector<1x16xf32> to vector<16xf32>
        %add3A_502 = arith.addf %get3A_495, %get3A_501 : vector<16xf32>
        %add3A_503 = arith.constant 0 : i32
        %add3A_504 = arith.addi %add3A_503, %scan3A_471 : i32
        %swap3A_505 = arith.index_cast %add3A_504 : i32 to index
        %swap3A_506 = arith.constant 16 : index
        %swap3A_507 = tpu.vector_load %arg9[%swap3A_505, %swap3A_506] {strides = array<i32>} : memref<800x64xf32, #tpu.memory_space<vmem>>, vector<1x16xf32>,
        %swap3A_508 = vector.shape_cast %swap3A_507 : vector<1x16xf32> to vector<16xf32>
        %swap3A_509 = vector.shape_cast %add3A_502 : vector<16xf32> to vector<1x16xf32>
        tpu.vector_store %arg9[%swap3A_505, %swap3A_506], %swap3A_509 {strides = array<i32>} : memref<800x64xf32, #tpu.memory_space<vmem>>, vector<1x16xf32>,
        %add3A_510 = arith.constant 0 : i32
        %add3A_511 = arith.addi %add3A_510, %scan3A_471 : i32
        %get3A_512 = arith.index_cast %add3A_511 : i32 to index
        %get3A_513 = arith.constant 32 : index
        %get3A_514 = tpu.vector_load %arg9[%get3A_512, %get3A_513] {strides = array<i32>} : memref<800x64xf32, #tpu.memory_space<vmem>>, vector<1x16xf32>,
        %get3A_515 = vector.shape_cast %get3A_514 : vector<1x16xf32> to vector<16xf32>
        %add3A_516 = arith.constant 0 : i32
        %add3A_517 = arith.addi %add3A_516, %scan3A_471 : i32
        %get3A_518 = arith.index_cast %add3A_517 : i32 to index
        %get3A_519 = arith.constant 32 : index
        %get3A_520 = tpu.vector_load %arg7[%get3A_518, %get3A_519] {strides = array<i32>} : memref<200x64xf32, #tpu.memory_space<vmem>>, vector<1x16xf32>,
        %get3A_521 = vector.shape_cast %get3A_520 : vector<1x16xf32> to vector<16xf32>
        %add3A_522 = arith.addf %get3A_515, %get3A_521 : vector<16xf32>
        %add3A_523 = arith.constant 0 : i32
        %add3A_524 = arith.addi %add3A_523, %scan3A_471 : i32
        %swap3A_525 = arith.index_cast %add3A_524 : i32 to index
        %swap3A_526 = arith.constant 32 : index
        %swap3A_527 = tpu.vector_load %arg9[%swap3A_525, %swap3A_526] {strides = array<i32>} : memref<800x64xf32, #tpu.memory_space<vmem>>, vector<1x16xf32>,
        %swap3A_528 = vector.shape_cast %swap3A_527 : vector<1x16xf32> to vector<16xf32>
        %swap3A_529 = vector.shape_cast %add3A_522 : vector<16xf32> to vector<1x16xf32>
        tpu.vector_store %arg9[%swap3A_525, %swap3A_526], %swap3A_529 {strides = array<i32>} : memref<800x64xf32, #tpu.memory_space<vmem>>, vector<1x16xf32>,
        %add3A_530 = arith.constant 0 : i32
        %add3A_531 = arith.addi %add3A_530, %scan3A_471 : i32
        %get3A_532 = arith.index_cast %add3A_531 : i32 to index
        %get3A_533 = arith.constant 48 : index
        %get3A_534 = tpu.vector_load %arg9[%get3A_532, %get3A_533] {strides = array<i32>} : memref<800x64xf32, #tpu.memory_space<vmem>>, vector<1x16xf32>,
        %get3A_535 = vector.shape_cast %get3A_534 : vector<1x16xf32> to vector<16xf32>
        %add3A_536 = arith.constant 0 : i32
        %add3A_537 = arith.addi %add3A_536, %scan3A_471 : i32
        %get3A_538 = arith.index_cast %add3A_537 : i32 to index
        %get3A_539 = arith.constant 48 : index
        %get3A_540 = tpu.vector_load %arg7[%get3A_538, %get3A_539] {strides = array<i32>} : memref<200x64xf32, #tpu.memory_space<vmem>>, vector<1x16xf32>,
        %get3A_541 = vector.shape_cast %get3A_540 : vector<1x16xf32> to vector<16xf32>
        %add3A_542 = arith.addf %get3A_535, %get3A_541 : vector<16xf32>
        %add3A_543 = arith.constant 0 : i32
        %add3A_544 = arith.addi %add3A_543, %scan3A_471 : i32
        %swap3A_545 = arith.index_cast %add3A_544 : i32 to index
        %swap3A_546 = arith.constant 48 : index
        %swap3A_547 = tpu.vector_load %arg9[%swap3A_545, %swap3A_546] {strides = array<i32>} : memref<800x64xf32, #tpu.memory_space<vmem>>, vector<1x16xf32>,
        %swap3A_548 = vector.shape_cast %swap3A_547 : vector<1x16xf32> to vector<16xf32>
        %swap3A_549 = vector.shape_cast %add3A_542 : vector<16xf32> to vector<1x16xf32>
        tpu.vector_store %arg9[%swap3A_545, %swap3A_546], %swap3A_549 {strides = array<i32>} : memref<800x64xf32, #tpu.memory_space<vmem>>, vector<1x16xf32>,
      }
      %scan3A_336 = arith.constant 100 : i32
      %dma_wait3A_337 = arith.constant 100 : i32
      %dma_wait3A_338 = arith.constant 0 : i32
      %dma_wait3A_339 = tpu.memref_slice %arg9[%dma_wait3A_337, %dma_wait3A_338] : memref<800x64xf32, #tpu.memory_space<vmem>> -> memref<100x64xf32, #tpu.memory_space<vmem>>
      %dma_wait3A_340 = arith.constant 0 : i32
      %dma_wait3A_341 = tpu.memref_slice %arg6[%add3A_246, %dma_wait3A_340] : memref<64x100xi32, #tpu.memory_space<vmem>> -> memref<1x100xi32, #tpu.memory_space<vmem>>
      %dma_wait3A_342 = tpu.memref_squeeze %dma_wait3A_341 : memref<1x100xi32, #tpu.memory_space<vmem>> -> memref<100xi32, #tpu.memory_space<vmem>>
      %dma_wait3A_343 = arith.constant 0 : i32
      %dma_wait3A_344 = arith.constant 0 : i32
      %dma_wait3A_345 = tpu.memref_slice %arg3[%dma_wait3A_343, %dma_wait3A_344] : memref<100000x64xf32, #tpu.memory_space<hbm>> -> memref<100000x64xf32, #tpu.memory_space<hbm>>
      tpu.wait_indirect_dma semaphore(%arg11 : memref<!tpu.dma_semaphore, #tpu.memory_space<semaphore_mem>>) src(%dma_wait3A_345 : memref<100000x64xf32, #tpu.memory_space<hbm>>) dst(%dma_wait3A_339 : memref<100x64xf32, #tpu.memory_space<vmem>>)
      %scan3A_346 = arith.constant 0 : i32
      %scan3A_347 = arith.constant 0 : i32
      %scan3A_348 = arith.constant 100 : i32
      %scan3A_349 = arith.addi %scan3A_347, %scan3A_348 : i32
      %scan3A_350 = arith.constant 1 : i32
      scf.for %scan3A_471 = %scan3A_347 to %scan3A_349 step %scan3A_350  : i32 {
        %add3A_472 = arith.constant 100 : i32
        %add3A_473 = arith.addi %add3A_472, %scan3A_471 : i32
        %get3A = arith.index_cast %add3A_473 : i32 to index
        %get3A_474 = arith.constant 0 : index
        %get3A_475 = tpu.vector_load %arg9[%get3A, %get3A_474] {strides = array<i32>} : memref<800x64xf32, #tpu.memory_space<vmem>>, vector<1x16xf32>,
        %get3A_476 = vector.shape_cast %get3A_475 : vector<1x16xf32> to vector<16xf32>
        %add3A_477 = arith.constant 100 : i32
        %add3A_478 = arith.addi %add3A_477, %scan3A_471 : i32
        %get3A_479 = arith.index_cast %add3A_478 : i32 to index
        %get3A_480 = arith.constant 0 : index
        %get3A_481 = tpu.vector_load %arg7[%get3A_479, %get3A_480] {strides = array<i32>} : memref<200x64xf32, #tpu.memory_space<vmem>>, vector<1x16xf32>,
        %get3A_482 = vector.shape_cast %get3A_481 : vector<1x16xf32> to vector<16xf32>
        %add3A_483 = arith.addf %get3A_476, %get3A_482 : vector<16xf32>
        %add3A_484 = arith.constant 100 : i32
        %add3A_485 = arith.addi %add3A_484, %scan3A_471 : i32
        %swap3A = arith.index_cast %add3A_485 : i32 to index
        %swap3A_486 = arith.constant 0 : index
        %swap3A_487 = tpu.vector_load %arg9[%swap3A, %swap3A_486] {strides = array<i32>} : memref<800x64xf32, #tpu.memory_space<vmem>>, vector<1x16xf32>,
        %swap3A_488 = vector.shape_cast %swap3A_487 : vector<1x16xf32> to vector<16xf32>
        %swap3A_489 = vector.shape_cast %add3A_483 : vector<16xf32> to vector<1x16xf32>
        tpu.vector_store %arg9[%swap3A, %swap3A_486], %swap3A_489 {strides = array<i32>} : memref<800x64xf32, #tpu.memory_space<vmem>>, vector<1x16xf32>,
        %add3A_490 = arith.constant 100 : i32
        %add3A_491 = arith.addi %add3A_490, %scan3A_471 : i32
        %get3A_492 = arith.index_cast %add3A_491 : i32 to index
        %get3A_493 = arith.constant 16 : index
        %get3A_494 = tpu.vector_load %arg9[%get3A_492, %get3A_493] {strides = array<i32>} : memref<800x64xf32, #tpu.memory_space<vmem>>, vector<1x16xf32>,
        %get3A_495 = vector.shape_cast %get3A_494 : vector<1x16xf32> to vector<16xf32>
        %add3A_496 = arith.constant 100 : i32
        %add3A_497 = arith.addi %add3A_496, %scan3A_471 : i32
        %get3A_498 = arith.index_cast %add3A_497 : i32 to index
        %get3A_499 = arith.constant 16 : index
        %get3A_500 = tpu.vector_load %arg7[%get3A_498, %get3A_499] {strides = array<i32>} : memref<200x64xf32, #tpu.memory_space<vmem>>, vector<1x16xf32>,
        %get3A_501 = vector.shape_cast %get3A_500 : vector<1x16xf32> to vector<16xf32>
        %add3A_502 = arith.addf %get3A_495, %get3A_501 : vector<16xf32>
        %add3A_503 = arith.constant 100 : i32
        %add3A_504 = arith.addi %add3A_503, %scan3A_471 : i32
        %swap3A_505 = arith.index_cast %add3A_504 : i32 to index
        %swap3A_506 = arith.constant 16 : index
        %swap3A_507 = tpu.vector_load %arg9[%swap3A_505, %swap3A_506] {strides = array<i32>} : memref<800x64xf32, #tpu.memory_space<vmem>>, vector<1x16xf32>,
        %swap3A_508 = vector.shape_cast %swap3A_507 : vector<1x16xf32> to vector<16xf32>
        %swap3A_509 = vector.shape_cast %add3A_502 : vector<16xf32> to vector<1x16xf32>
        tpu.vector_store %arg9[%swap3A_505, %swap3A_506], %swap3A_509 {strides = array<i32>} : memref<800x64xf32, #tpu.memory_space<vmem>>, vector<1x16xf32>,
        %add3A_510 = arith.constant 100 : i32
        %add3A_511 = arith.addi %add3A_510, %scan3A_471 : i32
        %get3A_512 = arith.index_cast %add3A_511 : i32 to index
        %get3A_513 = arith.constant 32 : index
        %get3A_514 = tpu.vector_load %arg9[%get3A_512, %get3A_513] {strides = array<i32>} : memref<800x64xf32, #tpu.memory_space<vmem>>, vector<1x16xf32>,
        %get3A_515 = vector.shape_cast %get3A_514 : vector<1x16xf32> to vector<16xf32>
        %add3A_516 = arith.constant 100 : i32
        %add3A_517 = arith.addi %add3A_516, %scan3A_471 : i32
        %get3A_518 = arith.index_cast %add3A_517 : i32 to index
        %get3A_519 = arith.constant 32 : index
        %get3A_520 = tpu.vector_load %arg7[%get3A_518, %get3A_519] {strides = array<i32>} : memref<200x64xf32, #tpu.memory_space<vmem>>, vector<1x16xf32>,
        %get3A_521 = vector.shape_cast %get3A_520 : vector<1x16xf32> to vector<16xf32>
        %add3A_522 = arith.addf %get3A_515, %get3A_521 : vector<16xf32>
        %add3A_523 = arith.constant 100 : i32
        %add3A_524 = arith.addi %add3A_523, %scan3A_471 : i32
        %swap3A_525 = arith.index_cast %add3A_524 : i32 to index
        %swap3A_526 = arith.constant 32 : index
        %swap3A_527 = tpu.vector_load %arg9[%swap3A_525, %swap3A_526] {strides = array<i32>} : memref<800x64xf32, #tpu.memory_space<vmem>>, vector<1x16xf32>,
        %swap3A_528 = vector.shape_cast %swap3A_527 : vector<1x16xf32> to vector<16xf32>
        %swap3A_529 = vector.shape_cast %add3A_522 : vector<16xf32> to vector<1x16xf32>
        tpu.vector_store %arg9[%swap3A_525, %swap3A_526], %swap3A_529 {strides = array<i32>} : memref<800x64xf32, #tpu.memory_space<vmem>>, vector<1x16xf32>,
        %add3A_530 = arith.constant 100 : i32
        %add3A_531 = arith.addi %add3A_530, %scan3A_471 : i32
        %get3A_532 = arith.index_cast %add3A_531 : i32 to index
        %get3A_533 = arith.constant 48 : index
        %get3A_534 = tpu.vector_load %arg9[%get3A_532, %get3A_533] {strides = array<i32>} : memref<800x64xf32, #tpu.memory_space<vmem>>, vector<1x16xf32>,
        %get3A_535 = vector.shape_cast %get3A_534 : vector<1x16xf32> to vector<16xf32>
        %add3A_536 = arith.constant 100 : i32
        %add3A_537 = arith.addi %add3A_536, %scan3A_471 : i32
        %get3A_538 = arith.index_cast %add3A_537 : i32 to index
        %get3A_539 = arith.constant 48 : index
        %get3A_540 = tpu.vector_load %arg7[%get3A_538, %get3A_539] {strides = array<i32>} : memref<200x64xf32, #tpu.memory_space<vmem>>, vector<1x16xf32>,
        %get3A_541 = vector.shape_cast %get3A_540 : vector<1x16xf32> to vector<16xf32>
        %add3A_542 = arith.addf %get3A_535, %get3A_541 : vector<16xf32>
        %add3A_543 = arith.constant 100 : i32
        %add3A_544 = arith.addi %add3A_543, %scan3A_471 : i32
        %swap3A_545 = arith.index_cast %add3A_544 : i32 to index
        %swap3A_546 = arith.constant 48 : index
        %swap3A_547 = tpu.vector_load %arg9[%swap3A_545, %swap3A_546] {strides = array<i32>} : memref<800x64xf32, #tpu.memory_space<vmem>>, vector<1x16xf32>,
        %swap3A_548 = vector.shape_cast %swap3A_547 : vector<1x16xf32> to vector<16xf32>
        %swap3A_549 = vector.shape_cast %add3A_542 : vector<16xf32> to vector<1x16xf32>
        tpu.vector_store %arg9[%swap3A_545, %swap3A_546], %swap3A_549 {strides = array<i32>} : memref<800x64xf32, #tpu.memory_space<vmem>>, vector<1x16xf32>,
      }
      %scan3A_351 = arith.constant 100 : i32
      %dma_wait3A_352 = arith.constant 200 : i32
      %dma_wait3A_353 = arith.constant 0 : i32
      %dma_wait3A_354 = tpu.memref_slice %arg9[%dma_wait3A_352, %dma_wait3A_353] : memref<800x64xf32, #tpu.memory_space<vmem>> -> memref<100x64xf32, #tpu.memory_space<vmem>>
      %dma_wait3A_355 = arith.constant 0 : i32
      %dma_wait3A_356 = tpu.memref_slice %arg6[%add3A_257, %dma_wait3A_355] : memref<64x100xi32, #tpu.memory_space<vmem>> -> memref<1x100xi32, #tpu.memory_space<vmem>>
      %dma_wait3A_357 = tpu.memref_squeeze %dma_wait3A_356 : memref<1x100xi32, #tpu.memory_space<vmem>> -> memref<100xi32, #tpu.memory_space<vmem>>
      %dma_wait3A_358 = arith.constant 0 : i32
      %dma_wait3A_359 = arith.constant 0 : i32
      %dma_wait3A_360 = tpu.memref_slice %arg3[%dma_wait3A_358, %dma_wait3A_359] : memref<100000x64xf32, #tpu.memory_space<hbm>> -> memref<100000x64xf32, #tpu.memory_space<hbm>>
      tpu.wait_indirect_dma semaphore(%arg12 : memref<!tpu.dma_semaphore, #tpu.memory_space<semaphore_mem>>) src(%dma_wait3A_360 : memref<100000x64xf32, #tpu.memory_space<hbm>>) dst(%dma_wait3A_354 : memref<100x64xf32, #tpu.memory_space<vmem>>)
      %scan3A_361 = arith.constant 0 : i32
      %scan3A_362 = arith.constant 0 : i32
      %scan3A_363 = arith.constant 100 : i32
      %scan3A_364 = arith.addi %scan3A_362, %scan3A_363 : i32
      %scan3A_365 = arith.constant 1 : i32
      scf.for %scan3A_471 = %scan3A_362 to %scan3A_364 step %scan3A_365  : i32 {
        %add3A_472 = arith.constant 200 : i32
        %add3A_473 = arith.addi %add3A_472, %scan3A_471 : i32
        %get3A = arith.index_cast %add3A_473 : i32 to index
        %get3A_474 = arith.constant 0 : index
        %get3A_475 = tpu.vector_load %arg9[%get3A, %get3A_474] {strides = array<i32>} : memref<800x64xf32, #tpu.memory_space<vmem>>, vector<1x16xf32>,
        %get3A_476 = vector.shape_cast %get3A_475 : vector<1x16xf32> to vector<16xf32>
        %add3A_477 = arith.constant 0 : i32
        %add3A_478 = arith.addi %add3A_477, %scan3A_471 : i32
        %get3A_479 = arith.index_cast %add3A_478 : i32 to index
        %get3A_480 = arith.constant 0 : index
        %get3A_481 = tpu.vector_load %arg7[%get3A_479, %get3A_480] {strides = array<i32>} : memref<200x64xf32, #tpu.memory_space<vmem>>, vector<1x16xf32>,
        %get3A_482 = vector.shape_cast %get3A_481 : vector<1x16xf32> to vector<16xf32>
        %add3A_483 = arith.addf %get3A_476, %get3A_482 : vector<16xf32>
        %add3A_484 = arith.constant 200 : i32
        %add3A_485 = arith.addi %add3A_484, %scan3A_471 : i32
        %swap3A = arith.index_cast %add3A_485 : i32 to index
        %swap3A_486 = arith.constant 0 : index
        %swap3A_487 = tpu.vector_load %arg9[%swap3A, %swap3A_486] {strides = array<i32>} : memref<800x64xf32, #tpu.memory_space<vmem>>, vector<1x16xf32>,
        %swap3A_488 = vector.shape_cast %swap3A_487 : vector<1x16xf32> to vector<16xf32>
        %swap3A_489 = vector.shape_cast %add3A_483 : vector<16xf32> to vector<1x16xf32>
        tpu.vector_store %arg9[%swap3A, %swap3A_486], %swap3A_489 {strides = array<i32>} : memref<800x64xf32, #tpu.memory_space<vmem>>, vector<1x16xf32>,
        %add3A_490 = arith.constant 200 : i32
        %add3A_491 = arith.addi %add3A_490, %scan3A_471 : i32
        %get3A_492 = arith.index_cast %add3A_491 : i32 to index
        %get3A_493 = arith.constant 16 : index
        %get3A_494 = tpu.vector_load %arg9[%get3A_492, %get3A_493] {strides = array<i32>} : memref<800x64xf32, #tpu.memory_space<vmem>>, vector<1x16xf32>,
        %get3A_495 = vector.shape_cast %get3A_494 : vector<1x16xf32> to vector<16xf32>
        %add3A_496 = arith.constant 0 : i32
        %add3A_497 = arith.addi %add3A_496, %scan3A_471 : i32
        %get3A_498 = arith.index_cast %add3A_497 : i32 to index
        %get3A_499 = arith.constant 16 : index
        %get3A_500 = tpu.vector_load %arg7[%get3A_498, %get3A_499] {strides = array<i32>} : memref<200x64xf32, #tpu.memory_space<vmem>>, vector<1x16xf32>,
        %get3A_501 = vector.shape_cast %get3A_500 : vector<1x16xf32> to vector<16xf32>
        %add3A_502 = arith.addf %get3A_495, %get3A_501 : vector<16xf32>
        %add3A_503 = arith.constant 200 : i32
        %add3A_504 = arith.addi %add3A_503, %scan3A_471 : i32
        %swap3A_505 = arith.index_cast %add3A_504 : i32 to index
        %swap3A_506 = arith.constant 16 : index
        %swap3A_507 = tpu.vector_load %arg9[%swap3A_505, %swap3A_506] {strides = array<i32>} : memref<800x64xf32, #tpu.memory_space<vmem>>, vector<1x16xf32>,
        %swap3A_508 = vector.shape_cast %swap3A_507 : vector<1x16xf32> to vector<16xf32>
        %swap3A_509 = vector.shape_cast %add3A_502 : vector<16xf32> to vector<1x16xf32>
        tpu.vector_store %arg9[%swap3A_505, %swap3A_506], %swap3A_509 {strides = array<i32>} : memref<800x64xf32, #tpu.memory_space<vmem>>, vector<1x16xf32>,
        %add3A_510 = arith.constant 200 : i32
        %add3A_511 = arith.addi %add3A_510, %scan3A_471 : i32
        %get3A_512 = arith.index_cast %add3A_511 : i32 to index
        %get3A_513 = arith.constant 32 : index
        %get3A_514 = tpu.vector_load %arg9[%get3A_512, %get3A_513] {strides = array<i32>} : memref<800x64xf32, #tpu.memory_space<vmem>>, vector<1x16xf32>,
        %get3A_515 = vector.shape_cast %get3A_514 : vector<1x16xf32> to vector<16xf32>
        %add3A_516 = arith.constant 0 : i32
        %add3A_517 = arith.addi %add3A_516, %scan3A_471 : i32
        %get3A_518 = arith.index_cast %add3A_517 : i32 to index
        %get3A_519 = arith.constant 32 : index
        %get3A_520 = tpu.vector_load %arg7[%get3A_518, %get3A_519] {strides = array<i32>} : memref<200x64xf32, #tpu.memory_space<vmem>>, vector<1x16xf32>,
        %get3A_521 = vector.shape_cast %get3A_520 : vector<1x16xf32> to vector<16xf32>
        %add3A_522 = arith.addf %get3A_515, %get3A_521 : vector<16xf32>
        %add3A_523 = arith.constant 200 : i32
        %add3A_524 = arith.addi %add3A_523, %scan3A_471 : i32
        %swap3A_525 = arith.index_cast %add3A_524 : i32 to index
        %swap3A_526 = arith.constant 32 : index
        %swap3A_527 = tpu.vector_load %arg9[%swap3A_525, %swap3A_526] {strides = array<i32>} : memref<800x64xf32, #tpu.memory_space<vmem>>, vector<1x16xf32>,
        %swap3A_528 = vector.shape_cast %swap3A_527 : vector<1x16xf32> to vector<16xf32>
        %swap3A_529 = vector.shape_cast %add3A_522 : vector<16xf32> to vector<1x16xf32>
        tpu.vector_store %arg9[%swap3A_525, %swap3A_526], %swap3A_529 {strides = array<i32>} : memref<800x64xf32, #tpu.memory_space<vmem>>, vector<1x16xf32>,
        %add3A_530 = arith.constant 200 : i32
        %add3A_531 = arith.addi %add3A_530, %scan3A_471 : i32
        %get3A_532 = arith.index_cast %add3A_531 : i32 to index
        %get3A_533 = arith.constant 48 : index
        %get3A_534 = tpu.vector_load %arg9[%get3A_532, %get3A_533] {strides = array<i32>} : memref<800x64xf32, #tpu.memory_space<vmem>>, vector<1x16xf32>,
        %get3A_535 = vector.shape_cast %get3A_534 : vector<1x16xf32> to vector<16xf32>
        %add3A_536 = arith.constant 0 : i32
        %add3A_537 = arith.addi %add3A_536, %scan3A_471 : i32
        %get3A_538 = arith.index_cast %add3A_537 : i32 to index
        %get3A_539 = arith.constant 48 : index
        %get3A_540 = tpu.vector_load %arg7[%get3A_538, %get3A_539] {strides = array<i32>} : memref<200x64xf32, #tpu.memory_space<vmem>>, vector<1x16xf32>,
        %get3A_541 = vector.shape_cast %get3A_540 : vector<1x16xf32> to vector<16xf32>
        %add3A_542 = arith.addf %get3A_535, %get3A_541 : vector<16xf32>
        %add3A_543 = arith.constant 200 : i32
        %add3A_544 = arith.addi %add3A_543, %scan3A_471 : i32
        %swap3A_545 = arith.index_cast %add3A_544 : i32 to index
        %swap3A_546 = arith.constant 48 : index
        %swap3A_547 = tpu.vector_load %arg9[%swap3A_545, %swap3A_546] {strides = array<i32>} : memref<800x64xf32, #tpu.memory_space<vmem>>, vector<1x16xf32>,
        %swap3A_548 = vector.shape_cast %swap3A_547 : vector<1x16xf32> to vector<16xf32>
        %swap3A_549 = vector.shape_cast %add3A_542 : vector<16xf32> to vector<1x16xf32>
        tpu.vector_store %arg9[%swap3A_545, %swap3A_546], %swap3A_549 {strides = array<i32>} : memref<800x64xf32, #tpu.memory_space<vmem>>, vector<1x16xf32>,
      }
      %scan3A_366 = arith.constant 100 : i32
      %dma_wait3A_367 = arith.constant 300 : i32
      %dma_wait3A_368 = arith.constant 0 : i32
      %dma_wait3A_369 = tpu.memref_slice %arg9[%dma_wait3A_367, %dma_wait3A_368] : memref<800x64xf32, #tpu.memory_space<vmem>> -> memref<100x64xf32, #tpu.memory_space<vmem>>
      %dma_wait3A_370 = arith.constant 0 : i32
      %dma_wait3A_371 = tpu.memref_slice %arg6[%add3A_268, %dma_wait3A_370] : memref<64x100xi32, #tpu.memory_space<vmem>> -> memref<1x100xi32, #tpu.memory_space<vmem>>
      %dma_wait3A_372 = tpu.memref_squeeze %dma_wait3A_371 : memref<1x100xi32, #tpu.memory_space<vmem>> -> memref<100xi32, #tpu.memory_space<vmem>>
      %dma_wait3A_373 = arith.constant 0 : i32
      %dma_wait3A_374 = arith.constant 0 : i32
      %dma_wait3A_375 = tpu.memref_slice %arg3[%dma_wait3A_373, %dma_wait3A_374] : memref<100000x64xf32, #tpu.memory_space<hbm>> -> memref<100000x64xf32, #tpu.memory_space<hbm>>
      tpu.wait_indirect_dma semaphore(%arg13 : memref<!tpu.dma_semaphore, #tpu.memory_space<semaphore_mem>>) src(%dma_wait3A_375 : memref<100000x64xf32, #tpu.memory_space<hbm>>) dst(%dma_wait3A_369 : memref<100x64xf32, #tpu.memory_space<vmem>>)
      %scan3A_376 = arith.constant 0 : i32
      %scan3A_377 = arith.constant 0 : i32
      %scan3A_378 = arith.constant 100 : i32
      %scan3A_379 = arith.addi %scan3A_377, %scan3A_378 : i32
      %scan3A_380 = arith.constant 1 : i32
      scf.for %scan3A_471 = %scan3A_377 to %scan3A_379 step %scan3A_380  : i32 {
        %add3A_472 = arith.constant 300 : i32
        %add3A_473 = arith.addi %add3A_472, %scan3A_471 : i32
        %get3A = arith.index_cast %add3A_473 : i32 to index
        %get3A_474 = arith.constant 0 : index
        %get3A_475 = tpu.vector_load %arg9[%get3A, %get3A_474] {strides = array<i32>} : memref<800x64xf32, #tpu.memory_space<vmem>>, vector<1x16xf32>,
        %get3A_476 = vector.shape_cast %get3A_475 : vector<1x16xf32> to vector<16xf32>
        %add3A_477 = arith.constant 100 : i32
        %add3A_478 = arith.addi %add3A_477, %scan3A_471 : i32
        %get3A_479 = arith.index_cast %add3A_478 : i32 to index
        %get3A_480 = arith.constant 0 : index
        %get3A_481 = tpu.vector_load %arg7[%get3A_479, %get3A_480] {strides = array<i32>} : memref<200x64xf32, #tpu.memory_space<vmem>>, vector<1x16xf32>,
        %get3A_482 = vector.shape_cast %get3A_481 : vector<1x16xf32> to vector<16xf32>
        %add3A_483 = arith.addf %get3A_476, %get3A_482 : vector<16xf32>
        %add3A_484 = arith.constant 300 : i32
        %add3A_485 = arith.addi %add3A_484, %scan3A_471 : i32
        %swap3A = arith.index_cast %add3A_485 : i32 to index
        %swap3A_486 = arith.constant 0 : index
        %swap3A_487 = tpu.vector_load %arg9[%swap3A, %swap3A_486] {strides = array<i32>} : memref<800x64xf32, #tpu.memory_space<vmem>>, vector<1x16xf32>,
        %swap3A_488 = vector.shape_cast %swap3A_487 : vector<1x16xf32> to vector<16xf32>
        %swap3A_489 = vector.shape_cast %add3A_483 : vector<16xf32> to vector<1x16xf32>
        tpu.vector_store %arg9[%swap3A, %swap3A_486], %swap3A_489 {strides = array<i32>} : memref<800x64xf32, #tpu.memory_space<vmem>>, vector<1x16xf32>,
        %add3A_490 = arith.constant 300 : i32
        %add3A_491 = arith.addi %add3A_490, %scan3A_471 : i32
        %get3A_492 = arith.index_cast %add3A_491 : i32 to index
        %get3A_493 = arith.constant 16 : index
        %get3A_494 = tpu.vector_load %arg9[%get3A_492, %get3A_493] {strides = array<i32>} : memref<800x64xf32, #tpu.memory_space<vmem>>, vector<1x16xf32>,
        %get3A_495 = vector.shape_cast %get3A_494 : vector<1x16xf32> to vector<16xf32>
        %add3A_496 = arith.constant 100 : i32
        %add3A_497 = arith.addi %add3A_496, %scan3A_471 : i32
        %get3A_498 = arith.index_cast %add3A_497 : i32 to index
        %get3A_499 = arith.constant 16 : index
        %get3A_500 = tpu.vector_load %arg7[%get3A_498, %get3A_499] {strides = array<i32>} : memref<200x64xf32, #tpu.memory_space<vmem>>, vector<1x16xf32>,
        %get3A_501 = vector.shape_cast %get3A_500 : vector<1x16xf32> to vector<16xf32>
        %add3A_502 = arith.addf %get3A_495, %get3A_501 : vector<16xf32>
        %add3A_503 = arith.constant 300 : i32
        %add3A_504 = arith.addi %add3A_503, %scan3A_471 : i32
        %swap3A_505 = arith.index_cast %add3A_504 : i32 to index
        %swap3A_506 = arith.constant 16 : index
        %swap3A_507 = tpu.vector_load %arg9[%swap3A_505, %swap3A_506] {strides = array<i32>} : memref<800x64xf32, #tpu.memory_space<vmem>>, vector<1x16xf32>,
        %swap3A_508 = vector.shape_cast %swap3A_507 : vector<1x16xf32> to vector<16xf32>
        %swap3A_509 = vector.shape_cast %add3A_502 : vector<16xf32> to vector<1x16xf32>
        tpu.vector_store %arg9[%swap3A_505, %swap3A_506], %swap3A_509 {strides = array<i32>} : memref<800x64xf32, #tpu.memory_space<vmem>>, vector<1x16xf32>,
        %add3A_510 = arith.constant 300 : i32
        %add3A_511 = arith.addi %add3A_510, %scan3A_471 : i32
        %get3A_512 = arith.index_cast %add3A_511 : i32 to index
        %get3A_513 = arith.constant 32 : index
        %get3A_514 = tpu.vector_load %arg9[%get3A_512, %get3A_513] {strides = array<i32>} : memref<800x64xf32, #tpu.memory_space<vmem>>, vector<1x16xf32>,
        %get3A_515 = vector.shape_cast %get3A_514 : vector<1x16xf32> to vector<16xf32>
        %add3A_516 = arith.constant 100 : i32
        %add3A_517 = arith.addi %add3A_516, %scan3A_471 : i32
        %get3A_518 = arith.index_cast %add3A_517 : i32 to index
        %get3A_519 = arith.constant 32 : index
        %get3A_520 = tpu.vector_load %arg7[%get3A_518, %get3A_519] {strides = array<i32>} : memref<200x64xf32, #tpu.memory_space<vmem>>, vector<1x16xf32>,
        %get3A_521 = vector.shape_cast %get3A_520 : vector<1x16xf32> to vector<16xf32>
        %add3A_522 = arith.addf %get3A_515, %get3A_521 : vector<16xf32>
        %add3A_523 = arith.constant 300 : i32
        %add3A_524 = arith.addi %add3A_523, %scan3A_471 : i32
        %swap3A_525 = arith.index_cast %add3A_524 : i32 to index
        %swap3A_526 = arith.constant 32 : index
        %swap3A_527 = tpu.vector_load %arg9[%swap3A_525, %swap3A_526] {strides = array<i32>} : memref<800x64xf32, #tpu.memory_space<vmem>>, vector<1x16xf32>,
        %swap3A_528 = vector.shape_cast %swap3A_527 : vector<1x16xf32> to vector<16xf32>
        %swap3A_529 = vector.shape_cast %add3A_522 : vector<16xf32> to vector<1x16xf32>
        tpu.vector_store %arg9[%swap3A_525, %swap3A_526], %swap3A_529 {strides = array<i32>} : memref<800x64xf32, #tpu.memory_space<vmem>>, vector<1x16xf32>,
        %add3A_530 = arith.constant 300 : i32
        %add3A_531 = arith.addi %add3A_530, %scan3A_471 : i32
        %get3A_532 = arith.index_cast %add3A_531 : i32 to index
        %get3A_533 = arith.constant 48 : index
        %get3A_534 = tpu.vector_load %arg9[%get3A_532, %get3A_533] {strides = array<i32>} : memref<800x64xf32, #tpu.memory_space<vmem>>, vector<1x16xf32>,
        %get3A_535 = vector.shape_cast %get3A_534 : vector<1x16xf32> to vector<16xf32>
        %add3A_536 = arith.constant 100 : i32
        %add3A_537 = arith.addi %add3A_536, %scan3A_471 : i32
        %get3A_538 = arith.index_cast %add3A_537 : i32 to index
        %get3A_539 = arith.constant 48 : index
        %get3A_540 = tpu.vector_load %arg7[%get3A_538, %get3A_539] {strides = array<i32>} : memref<200x64xf32, #tpu.memory_space<vmem>>, vector<1x16xf32>,
        %get3A_541 = vector.shape_cast %get3A_540 : vector<1x16xf32> to vector<16xf32>
        %add3A_542 = arith.addf %get3A_535, %get3A_541 : vector<16xf32>
        %add3A_543 = arith.constant 300 : i32
        %add3A_544 = arith.addi %add3A_543, %scan3A_471 : i32
        %swap3A_545 = arith.index_cast %add3A_544 : i32 to index
        %swap3A_546 = arith.constant 48 : index
        %swap3A_547 = tpu.vector_load %arg9[%swap3A_545, %swap3A_546] {strides = array<i32>} : memref<800x64xf32, #tpu.memory_space<vmem>>, vector<1x16xf32>,
        %swap3A_548 = vector.shape_cast %swap3A_547 : vector<1x16xf32> to vector<16xf32>
        %swap3A_549 = vector.shape_cast %add3A_542 : vector<16xf32> to vector<1x16xf32>
        tpu.vector_store %arg9[%swap3A_545, %swap3A_546], %swap3A_549 {strides = array<i32>} : memref<800x64xf32, #tpu.memory_space<vmem>>, vector<1x16xf32>,
      }
      %scan3A_381 = arith.constant 100 : i32
      %dma_wait3A_382 = arith.constant 400 : i32
      %dma_wait3A_383 = arith.constant 0 : i32
      %dma_wait3A_384 = tpu.memref_slice %arg9[%dma_wait3A_382, %dma_wait3A_383] : memref<800x64xf32, #tpu.memory_space<vmem>> -> memref<100x64xf32, #tpu.memory_space<vmem>>
      %dma_wait3A_385 = arith.constant 0 : i32
      %dma_wait3A_386 = tpu.memref_slice %arg6[%add3A_279, %dma_wait3A_385] : memref<64x100xi32, #tpu.memory_space<vmem>> -> memref<1x100xi32, #tpu.memory_space<vmem>>
      %dma_wait3A_387 = tpu.memref_squeeze %dma_wait3A_386 : memref<1x100xi32, #tpu.memory_space<vmem>> -> memref<100xi32, #tpu.memory_space<vmem>>
      %dma_wait3A_388 = arith.constant 0 : i32
      %dma_wait3A_389 = arith.constant 0 : i32
      %dma_wait3A_390 = tpu.memref_slice %arg3[%dma_wait3A_388, %dma_wait3A_389] : memref<100000x64xf32, #tpu.memory_space<hbm>> -> memref<100000x64xf32, #tpu.memory_space<hbm>>
      tpu.wait_indirect_dma semaphore(%arg14 : memref<!tpu.dma_semaphore, #tpu.memory_space<semaphore_mem>>) src(%dma_wait3A_390 : memref<100000x64xf32, #tpu.memory_space<hbm>>) dst(%dma_wait3A_384 : memref<100x64xf32, #tpu.memory_space<vmem>>)
      %scan3A_391 = arith.constant 0 : i32
      %scan3A_392 = arith.constant 0 : i32
      %scan3A_393 = arith.constant 100 : i32
      %scan3A_394 = arith.addi %scan3A_392, %scan3A_393 : i32
      %scan3A_395 = arith.constant 1 : i32
      scf.for %scan3A_471 = %scan3A_392 to %scan3A_394 step %scan3A_395  : i32 {
        %add3A_472 = arith.constant 400 : i32
        %add3A_473 = arith.addi %add3A_472, %scan3A_471 : i32
        %get3A = arith.index_cast %add3A_473 : i32 to index
        %get3A_474 = arith.constant 0 : index
        %get3A_475 = tpu.vector_load %arg9[%get3A, %get3A_474] {strides = array<i32>} : memref<800x64xf32, #tpu.memory_space<vmem>>, vector<1x16xf32>,
        %get3A_476 = vector.shape_cast %get3A_475 : vector<1x16xf32> to vector<16xf32>
        %add3A_477 = arith.constant 0 : i32
        %add3A_478 = arith.addi %add3A_477, %scan3A_471 : i32
        %get3A_479 = arith.index_cast %add3A_478 : i32 to index
        %get3A_480 = arith.constant 0 : index
        %get3A_481 = tpu.vector_load %arg7[%get3A_479, %get3A_480] {strides = array<i32>} : memref<200x64xf32, #tpu.memory_space<vmem>>, vector<1x16xf32>,
        %get3A_482 = vector.shape_cast %get3A_481 : vector<1x16xf32> to vector<16xf32>
        %add3A_483 = arith.addf %get3A_476, %get3A_482 : vector<16xf32>
        %add3A_484 = arith.constant 400 : i32
        %add3A_485 = arith.addi %add3A_484, %scan3A_471 : i32
        %swap3A = arith.index_cast %add3A_485 : i32 to index
        %swap3A_486 = arith.constant 0 : index
        %swap3A_487 = tpu.vector_load %arg9[%swap3A, %swap3A_486] {strides = array<i32>} : memref<800x64xf32, #tpu.memory_space<vmem>>, vector<1x16xf32>,
        %swap3A_488 = vector.shape_cast %swap3A_487 : vector<1x16xf32> to vector<16xf32>
        %swap3A_489 = vector.shape_cast %add3A_483 : vector<16xf32> to vector<1x16xf32>
        tpu.vector_store %arg9[%swap3A, %swap3A_486], %swap3A_489 {strides = array<i32>} : memref<800x64xf32, #tpu.memory_space<vmem>>, vector<1x16xf32>,
        %add3A_490 = arith.constant 400 : i32
        %add3A_491 = arith.addi %add3A_490, %scan3A_471 : i32
        %get3A_492 = arith.index_cast %add3A_491 : i32 to index
        %get3A_493 = arith.constant 16 : index
        %get3A_494 = tpu.vector_load %arg9[%get3A_492, %get3A_493] {strides = array<i32>} : memref<800x64xf32, #tpu.memory_space<vmem>>, vector<1x16xf32>,
        %get3A_495 = vector.shape_cast %get3A_494 : vector<1x16xf32> to vector<16xf32>
        %add3A_496 = arith.constant 0 : i32
        %add3A_497 = arith.addi %add3A_496, %scan3A_471 : i32
        %get3A_498 = arith.index_cast %add3A_497 : i32 to index
        %get3A_499 = arith.constant 16 : index
        %get3A_500 = tpu.vector_load %arg7[%get3A_498, %get3A_499] {strides = array<i32>} : memref<200x64xf32, #tpu.memory_space<vmem>>, vector<1x16xf32>,
        %get3A_501 = vector.shape_cast %get3A_500 : vector<1x16xf32> to vector<16xf32>
        %add3A_502 = arith.addf %get3A_495, %get3A_501 : vector<16xf32>
        %add3A_503 = arith.constant 400 : i32
        %add3A_504 = arith.addi %add3A_503, %scan3A_471 : i32
        %swap3A_505 = arith.index_cast %add3A_504 : i32 to index
        %swap3A_506 = arith.constant 16 : index
        %swap3A_507 = tpu.vector_load %arg9[%swap3A_505, %swap3A_506] {strides = array<i32>} : memref<800x64xf32, #tpu.memory_space<vmem>>, vector<1x16xf32>,
        %swap3A_508 = vector.shape_cast %swap3A_507 : vector<1x16xf32> to vector<16xf32>
        %swap3A_509 = vector.shape_cast %add3A_502 : vector<16xf32> to vector<1x16xf32>
        tpu.vector_store %arg9[%swap3A_505, %swap3A_506], %swap3A_509 {strides = array<i32>} : memref<800x64xf32, #tpu.memory_space<vmem>>, vector<1x16xf32>,
        %add3A_510 = arith.constant 400 : i32
        %add3A_511 = arith.addi %add3A_510, %scan3A_471 : i32
        %get3A_512 = arith.index_cast %add3A_511 : i32 to index
        %get3A_513 = arith.constant 32 : index
        %get3A_514 = tpu.vector_load %arg9[%get3A_512, %get3A_513] {strides = array<i32>} : memref<800x64xf32, #tpu.memory_space<vmem>>, vector<1x16xf32>,
        %get3A_515 = vector.shape_cast %get3A_514 : vector<1x16xf32> to vector<16xf32>
        %add3A_516 = arith.constant 0 : i32
        %add3A_517 = arith.addi %add3A_516, %scan3A_471 : i32
        %get3A_518 = arith.index_cast %add3A_517 : i32 to index
        %get3A_519 = arith.constant 32 : index
        %get3A_520 = tpu.vector_load %arg7[%get3A_518, %get3A_519] {strides = array<i32>} : memref<200x64xf32, #tpu.memory_space<vmem>>, vector<1x16xf32>,
        %get3A_521 = vector.shape_cast %get3A_520 : vector<1x16xf32> to vector<16xf32>
        %add3A_522 = arith.addf %get3A_515, %get3A_521 : vector<16xf32>
        %add3A_523 = arith.constant 400 : i32
        %add3A_524 = arith.addi %add3A_523, %scan3A_471 : i32
        %swap3A_525 = arith.index_cast %add3A_524 : i32 to index
        %swap3A_526 = arith.constant 32 : index
        %swap3A_527 = tpu.vector_load %arg9[%swap3A_525, %swap3A_526] {strides = array<i32>} : memref<800x64xf32, #tpu.memory_space<vmem>>, vector<1x16xf32>,
        %swap3A_528 = vector.shape_cast %swap3A_527 : vector<1x16xf32> to vector<16xf32>
        %swap3A_529 = vector.shape_cast %add3A_522 : vector<16xf32> to vector<1x16xf32>
        tpu.vector_store %arg9[%swap3A_525, %swap3A_526], %swap3A_529 {strides = array<i32>} : memref<800x64xf32, #tpu.memory_space<vmem>>, vector<1x16xf32>,
        %add3A_530 = arith.constant 400 : i32
        %add3A_531 = arith.addi %add3A_530, %scan3A_471 : i32
        %get3A_532 = arith.index_cast %add3A_531 : i32 to index
        %get3A_533 = arith.constant 48 : index
        %get3A_534 = tpu.vector_load %arg9[%get3A_532, %get3A_533] {strides = array<i32>} : memref<800x64xf32, #tpu.memory_space<vmem>>, vector<1x16xf32>,
        %get3A_535 = vector.shape_cast %get3A_534 : vector<1x16xf32> to vector<16xf32>
        %add3A_536 = arith.constant 0 : i32
        %add3A_537 = arith.addi %add3A_536, %scan3A_471 : i32
        %get3A_538 = arith.index_cast %add3A_537 : i32 to index
        %get3A_539 = arith.constant 48 : index
        %get3A_540 = tpu.vector_load %arg7[%get3A_538, %get3A_539] {strides = array<i32>} : memref<200x64xf32, #tpu.memory_space<vmem>>, vector<1x16xf32>,
        %get3A_541 = vector.shape_cast %get3A_540 : vector<1x16xf32> to vector<16xf32>
        %add3A_542 = arith.addf %get3A_535, %get3A_541 : vector<16xf32>
        %add3A_543 = arith.constant 400 : i32
        %add3A_544 = arith.addi %add3A_543, %scan3A_471 : i32
        %swap3A_545 = arith.index_cast %add3A_544 : i32 to index
        %swap3A_546 = arith.constant 48 : index
        %swap3A_547 = tpu.vector_load %arg9[%swap3A_545, %swap3A_546] {strides = array<i32>} : memref<800x64xf32, #tpu.memory_space<vmem>>, vector<1x16xf32>,
        %swap3A_548 = vector.shape_cast %swap3A_547 : vector<1x16xf32> to vector<16xf32>
        %swap3A_549 = vector.shape_cast %add3A_542 : vector<16xf32> to vector<1x16xf32>
        tpu.vector_store %arg9[%swap3A_545, %swap3A_546], %swap3A_549 {strides = array<i32>} : memref<800x64xf32, #tpu.memory_space<vmem>>, vector<1x16xf32>,
      }
      %scan3A_396 = arith.constant 100 : i32
      %dma_wait3A_397 = arith.constant 500 : i32
      %dma_wait3A_398 = arith.constant 0 : i32
      %dma_wait3A_399 = tpu.memref_slice %arg9[%dma_wait3A_397, %dma_wait3A_398] : memref<800x64xf32, #tpu.memory_space<vmem>> -> memref<100x64xf32, #tpu.memory_space<vmem>>
      %dma_wait3A_400 = arith.constant 0 : i32
      %dma_wait3A_401 = tpu.memref_slice %arg6[%add3A_290, %dma_wait3A_400] : memref<64x100xi32, #tpu.memory_space<vmem>> -> memref<1x100xi32, #tpu.memory_space<vmem>>
      %dma_wait3A_402 = tpu.memref_squeeze %dma_wait3A_401 : memref<1x100xi32, #tpu.memory_space<vmem>> -> memref<100xi32, #tpu.memory_space<vmem>>
      %dma_wait3A_403 = arith.constant 0 : i32
      %dma_wait3A_404 = arith.constant 0 : i32
      %dma_wait3A_405 = tpu.memref_slice %arg3[%dma_wait3A_403, %dma_wait3A_404] : memref<100000x64xf32, #tpu.memory_space<hbm>> -> memref<100000x64xf32, #tpu.memory_space<hbm>>
      tpu.wait_indirect_dma semaphore(%arg15 : memref<!tpu.dma_semaphore, #tpu.memory_space<semaphore_mem>>) src(%dma_wait3A_405 : memref<100000x64xf32, #tpu.memory_space<hbm>>) dst(%dma_wait3A_399 : memref<100x64xf32, #tpu.memory_space<vmem>>)
      %scan3A_406 = arith.constant 0 : i32
      %scan3A_407 = arith.constant 0 : i32
      %scan3A_408 = arith.constant 100 : i32
      %scan3A_409 = arith.addi %scan3A_407, %scan3A_408 : i32
      %scan3A_410 = arith.constant 1 : i32
      scf.for %scan3A_471 = %scan3A_407 to %scan3A_409 step %scan3A_410  : i32 {
        %add3A_472 = arith.constant 500 : i32
        %add3A_473 = arith.addi %add3A_472, %scan3A_471 : i32
        %get3A = arith.index_cast %add3A_473 : i32 to index
        %get3A_474 = arith.constant 0 : index
        %get3A_475 = tpu.vector_load %arg9[%get3A, %get3A_474] {strides = array<i32>} : memref<800x64xf32, #tpu.memory_space<vmem>>, vector<1x16xf32>,
        %get3A_476 = vector.shape_cast %get3A_475 : vector<1x16xf32> to vector<16xf32>
        %add3A_477 = arith.constant 100 : i32
        %add3A_478 = arith.addi %add3A_477, %scan3A_471 : i32
        %get3A_479 = arith.index_cast %add3A_478 : i32 to index
        %get3A_480 = arith.constant 0 : index
        %get3A_481 = tpu.vector_load %arg7[%get3A_479, %get3A_480] {strides = array<i32>} : memref<200x64xf32, #tpu.memory_space<vmem>>, vector<1x16xf32>,
        %get3A_482 = vector.shape_cast %get3A_481 : vector<1x16xf32> to vector<16xf32>
        %add3A_483 = arith.addf %get3A_476, %get3A_482 : vector<16xf32>
        %add3A_484 = arith.constant 500 : i32
        %add3A_485 = arith.addi %add3A_484, %scan3A_471 : i32
        %swap3A = arith.index_cast %add3A_485 : i32 to index
        %swap3A_486 = arith.constant 0 : index
        %swap3A_487 = tpu.vector_load %arg9[%swap3A, %swap3A_486] {strides = array<i32>} : memref<800x64xf32, #tpu.memory_space<vmem>>, vector<1x16xf32>,
        %swap3A_488 = vector.shape_cast %swap3A_487 : vector<1x16xf32> to vector<16xf32>
        %swap3A_489 = vector.shape_cast %add3A_483 : vector<16xf32> to vector<1x16xf32>
        tpu.vector_store %arg9[%swap3A, %swap3A_486], %swap3A_489 {strides = array<i32>} : memref<800x64xf32, #tpu.memory_space<vmem>>, vector<1x16xf32>,
        %add3A_490 = arith.constant 500 : i32
        %add3A_491 = arith.addi %add3A_490, %scan3A_471 : i32
        %get3A_492 = arith.index_cast %add3A_491 : i32 to index
        %get3A_493 = arith.constant 16 : index
        %get3A_494 = tpu.vector_load %arg9[%get3A_492, %get3A_493] {strides = array<i32>} : memref<800x64xf32, #tpu.memory_space<vmem>>, vector<1x16xf32>,
        %get3A_495 = vector.shape_cast %get3A_494 : vector<1x16xf32> to vector<16xf32>
        %add3A_496 = arith.constant 100 : i32
        %add3A_497 = arith.addi %add3A_496, %scan3A_471 : i32
        %get3A_498 = arith.index_cast %add3A_497 : i32 to index
        %get3A_499 = arith.constant 16 : index
        %get3A_500 = tpu.vector_load %arg7[%get3A_498, %get3A_499] {strides = array<i32>} : memref<200x64xf32, #tpu.memory_space<vmem>>, vector<1x16xf32>,
        %get3A_501 = vector.shape_cast %get3A_500 : vector<1x16xf32> to vector<16xf32>
        %add3A_502 = arith.addf %get3A_495, %get3A_501 : vector<16xf32>
        %add3A_503 = arith.constant 500 : i32
        %add3A_504 = arith.addi %add3A_503, %scan3A_471 : i32
        %swap3A_505 = arith.index_cast %add3A_504 : i32 to index
        %swap3A_506 = arith.constant 16 : index
        %swap3A_507 = tpu.vector_load %arg9[%swap3A_505, %swap3A_506] {strides = array<i32>} : memref<800x64xf32, #tpu.memory_space<vmem>>, vector<1x16xf32>,
        %swap3A_508 = vector.shape_cast %swap3A_507 : vector<1x16xf32> to vector<16xf32>
        %swap3A_509 = vector.shape_cast %add3A_502 : vector<16xf32> to vector<1x16xf32>
        tpu.vector_store %arg9[%swap3A_505, %swap3A_506], %swap3A_509 {strides = array<i32>} : memref<800x64xf32, #tpu.memory_space<vmem>>, vector<1x16xf32>,
        %add3A_510 = arith.constant 500 : i32
        %add3A_511 = arith.addi %add3A_510, %scan3A_471 : i32
        %get3A_512 = arith.index_cast %add3A_511 : i32 to index
        %get3A_513 = arith.constant 32 : index
        %get3A_514 = tpu.vector_load %arg9[%get3A_512, %get3A_513] {strides = array<i32>} : memref<800x64xf32, #tpu.memory_space<vmem>>, vector<1x16xf32>,
        %get3A_515 = vector.shape_cast %get3A_514 : vector<1x16xf32> to vector<16xf32>
        %add3A_516 = arith.constant 100 : i32
        %add3A_517 = arith.addi %add3A_516, %scan3A_471 : i32
        %get3A_518 = arith.index_cast %add3A_517 : i32 to index
        %get3A_519 = arith.constant 32 : index
        %get3A_520 = tpu.vector_load %arg7[%get3A_518, %get3A_519] {strides = array<i32>} : memref<200x64xf32, #tpu.memory_space<vmem>>, vector<1x16xf32>,
        %get3A_521 = vector.shape_cast %get3A_520 : vector<1x16xf32> to vector<16xf32>
        %add3A_522 = arith.addf %get3A_515, %get3A_521 : vector<16xf32>
        %add3A_523 = arith.constant 500 : i32
        %add3A_524 = arith.addi %add3A_523, %scan3A_471 : i32
        %swap3A_525 = arith.index_cast %add3A_524 : i32 to index
        %swap3A_526 = arith.constant 32 : index
        %swap3A_527 = tpu.vector_load %arg9[%swap3A_525, %swap3A_526] {strides = array<i32>} : memref<800x64xf32, #tpu.memory_space<vmem>>, vector<1x16xf32>,
        %swap3A_528 = vector.shape_cast %swap3A_527 : vector<1x16xf32> to vector<16xf32>
        %swap3A_529 = vector.shape_cast %add3A_522 : vector<16xf32> to vector<1x16xf32>
        tpu.vector_store %arg9[%swap3A_525, %swap3A_526], %swap3A_529 {strides = array<i32>} : memref<800x64xf32, #tpu.memory_space<vmem>>, vector<1x16xf32>,
        %add3A_530 = arith.constant 500 : i32
        %add3A_531 = arith.addi %add3A_530, %scan3A_471 : i32
        %get3A_532 = arith.index_cast %add3A_531 : i32 to index
        %get3A_533 = arith.constant 48 : index
        %get3A_534 = tpu.vector_load %arg9[%get3A_532, %get3A_533] {strides = array<i32>} : memref<800x64xf32, #tpu.memory_space<vmem>>, vector<1x16xf32>,
        %get3A_535 = vector.shape_cast %get3A_534 : vector<1x16xf32> to vector<16xf32>
        %add3A_536 = arith.constant 100 : i32
        %add3A_537 = arith.addi %add3A_536, %scan3A_471 : i32
        %get3A_538 = arith.index_cast %add3A_537 : i32 to index
        %get3A_539 = arith.constant 48 : index
        %get3A_540 = tpu.vector_load %arg7[%get3A_538, %get3A_539] {strides = array<i32>} : memref<200x64xf32, #tpu.memory_space<vmem>>, vector<1x16xf32>,
        %get3A_541 = vector.shape_cast %get3A_540 : vector<1x16xf32> to vector<16xf32>
        %add3A_542 = arith.addf %get3A_535, %get3A_541 : vector<16xf32>
        %add3A_543 = arith.constant 500 : i32
        %add3A_544 = arith.addi %add3A_543, %scan3A_471 : i32
        %swap3A_545 = arith.index_cast %add3A_544 : i32 to index
        %swap3A_546 = arith.constant 48 : index
        %swap3A_547 = tpu.vector_load %arg9[%swap3A_545, %swap3A_546] {strides = array<i32>} : memref<800x64xf32, #tpu.memory_space<vmem>>, vector<1x16xf32>,
        %swap3A_548 = vector.shape_cast %swap3A_547 : vector<1x16xf32> to vector<16xf32>
        %swap3A_549 = vector.shape_cast %add3A_542 : vector<16xf32> to vector<1x16xf32>
        tpu.vector_store %arg9[%swap3A_545, %swap3A_546], %swap3A_549 {strides = array<i32>} : memref<800x64xf32, #tpu.memory_space<vmem>>, vector<1x16xf32>,
      }
      %scan3A_411 = arith.constant 100 : i32
      %dma_wait3A_412 = arith.constant 600 : i32
      %dma_wait3A_413 = arith.constant 0 : i32
      %dma_wait3A_414 = tpu.memref_slice %arg9[%dma_wait3A_412, %dma_wait3A_413] : memref<800x64xf32, #tpu.memory_space<vmem>> -> memref<100x64xf32, #tpu.memory_space<vmem>>
      %dma_wait3A_415 = arith.constant 0 : i32
      %dma_wait3A_416 = tpu.memref_slice %arg6[%add3A_301, %dma_wait3A_415] : memref<64x100xi32, #tpu.memory_space<vmem>> -> memref<1x100xi32, #tpu.memory_space<vmem>>
      %dma_wait3A_417 = tpu.memref_squeeze %dma_wait3A_416 : memref<1x100xi32, #tpu.memory_space<vmem>> -> memref<100xi32, #tpu.memory_space<vmem>>
      %dma_wait3A_418 = arith.constant 0 : i32
      %dma_wait3A_419 = arith.constant 0 : i32
      %dma_wait3A_420 = tpu.memref_slice %arg3[%dma_wait3A_418, %dma_wait3A_419] : memref<100000x64xf32, #tpu.memory_space<hbm>> -> memref<100000x64xf32, #tpu.memory_space<hbm>>
      tpu.wait_indirect_dma semaphore(%arg16 : memref<!tpu.dma_semaphore, #tpu.memory_space<semaphore_mem>>) src(%dma_wait3A_420 : memref<100000x64xf32, #tpu.memory_space<hbm>>) dst(%dma_wait3A_414 : memref<100x64xf32, #tpu.memory_space<vmem>>)
      %scan3A_421 = arith.constant 0 : i32
      %scan3A_422 = arith.constant 0 : i32
      %scan3A_423 = arith.constant 100 : i32
      %scan3A_424 = arith.addi %scan3A_422, %scan3A_423 : i32
      %scan3A_425 = arith.constant 1 : i32
      scf.for %scan3A_471 = %scan3A_422 to %scan3A_424 step %scan3A_425  : i32 {
        %add3A_472 = arith.constant 600 : i32
        %add3A_473 = arith.addi %add3A_472, %scan3A_471 : i32
        %get3A = arith.index_cast %add3A_473 : i32 to index
        %get3A_474 = arith.constant 0 : index
        %get3A_475 = tpu.vector_load %arg9[%get3A, %get3A_474] {strides = array<i32>} : memref<800x64xf32, #tpu.memory_space<vmem>>, vector<1x16xf32>,
        %get3A_476 = vector.shape_cast %get3A_475 : vector<1x16xf32> to vector<16xf32>
        %add3A_477 = arith.constant 0 : i32
        %add3A_478 = arith.addi %add3A_477, %scan3A_471 : i32
        %get3A_479 = arith.index_cast %add3A_478 : i32 to index
        %get3A_480 = arith.constant 0 : index
        %get3A_481 = tpu.vector_load %arg7[%get3A_479, %get3A_480] {strides = array<i32>} : memref<200x64xf32, #tpu.memory_space<vmem>>, vector<1x16xf32>,
        %get3A_482 = vector.shape_cast %get3A_481 : vector<1x16xf32> to vector<16xf32>
        %add3A_483 = arith.addf %get3A_476, %get3A_482 : vector<16xf32>
        %add3A_484 = arith.constant 600 : i32
        %add3A_485 = arith.addi %add3A_484, %scan3A_471 : i32
        %swap3A = arith.index_cast %add3A_485 : i32 to index
        %swap3A_486 = arith.constant 0 : index
        %swap3A_487 = tpu.vector_load %arg9[%swap3A, %swap3A_486] {strides = array<i32>} : memref<800x64xf32, #tpu.memory_space<vmem>>, vector<1x16xf32>,
        %swap3A_488 = vector.shape_cast %swap3A_487 : vector<1x16xf32> to vector<16xf32>
        %swap3A_489 = vector.shape_cast %add3A_483 : vector<16xf32> to vector<1x16xf32>
        tpu.vector_store %arg9[%swap3A, %swap3A_486], %swap3A_489 {strides = array<i32>} : memref<800x64xf32, #tpu.memory_space<vmem>>, vector<1x16xf32>,
        %add3A_490 = arith.constant 600 : i32
        %add3A_491 = arith.addi %add3A_490, %scan3A_471 : i32
        %get3A_492 = arith.index_cast %add3A_491 : i32 to index
        %get3A_493 = arith.constant 16 : index
        %get3A_494 = tpu.vector_load %arg9[%get3A_492, %get3A_493] {strides = array<i32>} : memref<800x64xf32, #tpu.memory_space<vmem>>, vector<1x16xf32>,
        %get3A_495 = vector.shape_cast %get3A_494 : vector<1x16xf32> to vector<16xf32>
        %add3A_496 = arith.constant 0 : i32
        %add3A_497 = arith.addi %add3A_496, %scan3A_471 : i32
        %get3A_498 = arith.index_cast %add3A_497 : i32 to index
        %get3A_499 = arith.constant 16 : index
        %get3A_500 = tpu.vector_load %arg7[%get3A_498, %get3A_499] {strides = array<i32>} : memref<200x64xf32, #tpu.memory_space<vmem>>, vector<1x16xf32>,
        %get3A_501 = vector.shape_cast %get3A_500 : vector<1x16xf32> to vector<16xf32>
        %add3A_502 = arith.addf %get3A_495, %get3A_501 : vector<16xf32>
        %add3A_503 = arith.constant 600 : i32
        %add3A_504 = arith.addi %add3A_503, %scan3A_471 : i32
        %swap3A_505 = arith.index_cast %add3A_504 : i32 to index
        %swap3A_506 = arith.constant 16 : index
        %swap3A_507 = tpu.vector_load %arg9[%swap3A_505, %swap3A_506] {strides = array<i32>} : memref<800x64xf32, #tpu.memory_space<vmem>>, vector<1x16xf32>,
        %swap3A_508 = vector.shape_cast %swap3A_507 : vector<1x16xf32> to vector<16xf32>
        %swap3A_509 = vector.shape_cast %add3A_502 : vector<16xf32> to vector<1x16xf32>
        tpu.vector_store %arg9[%swap3A_505, %swap3A_506], %swap3A_509 {strides = array<i32>} : memref<800x64xf32, #tpu.memory_space<vmem>>, vector<1x16xf32>,
        %add3A_510 = arith.constant 600 : i32
        %add3A_511 = arith.addi %add3A_510, %scan3A_471 : i32
        %get3A_512 = arith.index_cast %add3A_511 : i32 to index
        %get3A_513 = arith.constant 32 : index
        %get3A_514 = tpu.vector_load %arg9[%get3A_512, %get3A_513] {strides = array<i32>} : memref<800x64xf32, #tpu.memory_space<vmem>>, vector<1x16xf32>,
        %get3A_515 = vector.shape_cast %get3A_514 : vector<1x16xf32> to vector<16xf32>
        %add3A_516 = arith.constant 0 : i32
        %add3A_517 = arith.addi %add3A_516, %scan3A_471 : i32
        %get3A_518 = arith.index_cast %add3A_517 : i32 to index
        %get3A_519 = arith.constant 32 : index
        %get3A_520 = tpu.vector_load %arg7[%get3A_518, %get3A_519] {strides = array<i32>} : memref<200x64xf32, #tpu.memory_space<vmem>>, vector<1x16xf32>,
        %get3A_521 = vector.shape_cast %get3A_520 : vector<1x16xf32> to vector<16xf32>
        %add3A_522 = arith.addf %get3A_515, %get3A_521 : vector<16xf32>
        %add3A_523 = arith.constant 600 : i32
        %add3A_524 = arith.addi %add3A_523, %scan3A_471 : i32
        %swap3A_525 = arith.index_cast %add3A_524 : i32 to index
        %swap3A_526 = arith.constant 32 : index
        %swap3A_527 = tpu.vector_load %arg9[%swap3A_525, %swap3A_526] {strides = array<i32>} : memref<800x64xf32, #tpu.memory_space<vmem>>, vector<1x16xf32>,
        %swap3A_528 = vector.shape_cast %swap3A_527 : vector<1x16xf32> to vector<16xf32>
        %swap3A_529 = vector.shape_cast %add3A_522 : vector<16xf32> to vector<1x16xf32>
        tpu.vector_store %arg9[%swap3A_525, %swap3A_526], %swap3A_529 {strides = array<i32>} : memref<800x64xf32, #tpu.memory_space<vmem>>, vector<1x16xf32>,
        %add3A_530 = arith.constant 600 : i32
        %add3A_531 = arith.addi %add3A_530, %scan3A_471 : i32
        %get3A_532 = arith.index_cast %add3A_531 : i32 to index
        %get3A_533 = arith.constant 48 : index
        %get3A_534 = tpu.vector_load %arg9[%get3A_532, %get3A_533] {strides = array<i32>} : memref<800x64xf32, #tpu.memory_space<vmem>>, vector<1x16xf32>,
        %get3A_535 = vector.shape_cast %get3A_534 : vector<1x16xf32> to vector<16xf32>
        %add3A_536 = arith.constant 0 : i32
        %add3A_537 = arith.addi %add3A_536, %scan3A_471 : i32
        %get3A_538 = arith.index_cast %add3A_537 : i32 to index
        %get3A_539 = arith.constant 48 : index
        %get3A_540 = tpu.vector_load %arg7[%get3A_538, %get3A_539] {strides = array<i32>} : memref<200x64xf32, #tpu.memory_space<vmem>>, vector<1x16xf32>,
        %get3A_541 = vector.shape_cast %get3A_540 : vector<1x16xf32> to vector<16xf32>
        %add3A_542 = arith.addf %get3A_535, %get3A_541 : vector<16xf32>
        %add3A_543 = arith.constant 600 : i32
        %add3A_544 = arith.addi %add3A_543, %scan3A_471 : i32
        %swap3A_545 = arith.index_cast %add3A_544 : i32 to index
        %swap3A_546 = arith.constant 48 : index
        %swap3A_547 = tpu.vector_load %arg9[%swap3A_545, %swap3A_546] {strides = array<i32>} : memref<800x64xf32, #tpu.memory_space<vmem>>, vector<1x16xf32>,
        %swap3A_548 = vector.shape_cast %swap3A_547 : vector<1x16xf32> to vector<16xf32>
        %swap3A_549 = vector.shape_cast %add3A_542 : vector<16xf32> to vector<1x16xf32>
        tpu.vector_store %arg9[%swap3A_545, %swap3A_546], %swap3A_549 {strides = array<i32>} : memref<800x64xf32, #tpu.memory_space<vmem>>, vector<1x16xf32>,
      }
      %scan3A_426 = arith.constant 100 : i32
      %dma_wait3A_427 = arith.constant 700 : i32
      %dma_wait3A_428 = arith.constant 0 : i32
      %dma_wait3A_429 = tpu.memref_slice %arg9[%dma_wait3A_427, %dma_wait3A_428] : memref<800x64xf32, #tpu.memory_space<vmem>> -> memref<100x64xf32, #tpu.memory_space<vmem>>
      %dma_wait3A_430 = arith.constant 0 : i32
      %dma_wait3A_431 = tpu.memref_slice %arg6[%add3A_312, %dma_wait3A_430] : memref<64x100xi32, #tpu.memory_space<vmem>> -> memref<1x100xi32, #tpu.memory_space<vmem>>
      %dma_wait3A_432 = tpu.memref_squeeze %dma_wait3A_431 : memref<1x100xi32, #tpu.memory_space<vmem>> -> memref<100xi32, #tpu.memory_space<vmem>>
      %dma_wait3A_433 = arith.constant 0 : i32
      %dma_wait3A_434 = arith.constant 0 : i32
      %dma_wait3A_435 = tpu.memref_slice %arg3[%dma_wait3A_433, %dma_wait3A_434] : memref<100000x64xf32, #tpu.memory_space<hbm>> -> memref<100000x64xf32, #tpu.memory_space<hbm>>
      tpu.wait_indirect_dma semaphore(%arg17 : memref<!tpu.dma_semaphore, #tpu.memory_space<semaphore_mem>>) src(%dma_wait3A_435 : memref<100000x64xf32, #tpu.memory_space<hbm>>) dst(%dma_wait3A_429 : memref<100x64xf32, #tpu.memory_space<vmem>>)
      %scan3A_436 = arith.constant 0 : i32
      %scan3A_437 = arith.constant 0 : i32
      %scan3A_438 = arith.constant 100 : i32
      %scan3A_439 = arith.addi %scan3A_437, %scan3A_438 : i32
      %scan3A_440 = arith.constant 1 : i32
      scf.for %scan3A_471 = %scan3A_437 to %scan3A_439 step %scan3A_440  : i32 {
        %add3A_472 = arith.constant 700 : i32
        %add3A_473 = arith.addi %add3A_472, %scan3A_471 : i32
        %get3A = arith.index_cast %add3A_473 : i32 to index
        %get3A_474 = arith.constant 0 : index
        %get3A_475 = tpu.vector_load %arg9[%get3A, %get3A_474] {strides = array<i32>} : memref<800x64xf32, #tpu.memory_space<vmem>>, vector<1x16xf32>,
        %get3A_476 = vector.shape_cast %get3A_475 : vector<1x16xf32> to vector<16xf32>
        %add3A_477 = arith.constant 100 : i32
        %add3A_478 = arith.addi %add3A_477, %scan3A_471 : i32
        %get3A_479 = arith.index_cast %add3A_478 : i32 to index
        %get3A_480 = arith.constant 0 : index
        %get3A_481 = tpu.vector_load %arg7[%get3A_479, %get3A_480] {strides = array<i32>} : memref<200x64xf32, #tpu.memory_space<vmem>>, vector<1x16xf32>,
        %get3A_482 = vector.shape_cast %get3A_481 : vector<1x16xf32> to vector<16xf32>
        %add3A_483 = arith.addf %get3A_476, %get3A_482 : vector<16xf32>
        %add3A_484 = arith.constant 700 : i32
        %add3A_485 = arith.addi %add3A_484, %scan3A_471 : i32
        %swap3A = arith.index_cast %add3A_485 : i32 to index
        %swap3A_486 = arith.constant 0 : index
        %swap3A_487 = tpu.vector_load %arg9[%swap3A, %swap3A_486] {strides = array<i32>} : memref<800x64xf32, #tpu.memory_space<vmem>>, vector<1x16xf32>,
        %swap3A_488 = vector.shape_cast %swap3A_487 : vector<1x16xf32> to vector<16xf32>
        %swap3A_489 = vector.shape_cast %add3A_483 : vector<16xf32> to vector<1x16xf32>
        tpu.vector_store %arg9[%swap3A, %swap3A_486], %swap3A_489 {strides = array<i32>} : memref<800x64xf32, #tpu.memory_space<vmem>>, vector<1x16xf32>,
        %add3A_490 = arith.constant 700 : i32
        %add3A_491 = arith.addi %add3A_490, %scan3A_471 : i32
        %get3A_492 = arith.index_cast %add3A_491 : i32 to index
        %get3A_493 = arith.constant 16 : index
        %get3A_494 = tpu.vector_load %arg9[%get3A_492, %get3A_493] {strides = array<i32>} : memref<800x64xf32, #tpu.memory_space<vmem>>, vector<1x16xf32>,
        %get3A_495 = vector.shape_cast %get3A_494 : vector<1x16xf32> to vector<16xf32>
        %add3A_496 = arith.constant 100 : i32
        %add3A_497 = arith.addi %add3A_496, %scan3A_471 : i32
        %get3A_498 = arith.index_cast %add3A_497 : i32 to index
        %get3A_499 = arith.constant 16 : index
        %get3A_500 = tpu.vector_load %arg7[%get3A_498, %get3A_499] {strides = array<i32>} : memref<200x64xf32, #tpu.memory_space<vmem>>, vector<1x16xf32>,
        %get3A_501 = vector.shape_cast %get3A_500 : vector<1x16xf32> to vector<16xf32>
        %add3A_502 = arith.addf %get3A_495, %get3A_501 : vector<16xf32>
        %add3A_503 = arith.constant 700 : i32
        %add3A_504 = arith.addi %add3A_503, %scan3A_471 : i32
        %swap3A_505 = arith.index_cast %add3A_504 : i32 to index
        %swap3A_506 = arith.constant 16 : index
        %swap3A_507 = tpu.vector_load %arg9[%swap3A_505, %swap3A_506] {strides = array<i32>} : memref<800x64xf32, #tpu.memory_space<vmem>>, vector<1x16xf32>,
        %swap3A_508 = vector.shape_cast %swap3A_507 : vector<1x16xf32> to vector<16xf32>
        %swap3A_509 = vector.shape_cast %add3A_502 : vector<16xf32> to vector<1x16xf32>
        tpu.vector_store %arg9[%swap3A_505, %swap3A_506], %swap3A_509 {strides = array<i32>} : memref<800x64xf32, #tpu.memory_space<vmem>>, vector<1x16xf32>,
        %add3A_510 = arith.constant 700 : i32
        %add3A_511 = arith.addi %add3A_510, %scan3A_471 : i32
        %get3A_512 = arith.index_cast %add3A_511 : i32 to index
        %get3A_513 = arith.constant 32 : index
        %get3A_514 = tpu.vector_load %arg9[%get3A_512, %get3A_513] {strides = array<i32>} : memref<800x64xf32, #tpu.memory_space<vmem>>, vector<1x16xf32>,
        %get3A_515 = vector.shape_cast %get3A_514 : vector<1x16xf32> to vector<16xf32>
        %add3A_516 = arith.constant 100 : i32
        %add3A_517 = arith.addi %add3A_516, %scan3A_471 : i32
        %get3A_518 = arith.index_cast %add3A_517 : i32 to index
        %get3A_519 = arith.constant 32 : index
        %get3A_520 = tpu.vector_load %arg7[%get3A_518, %get3A_519] {strides = array<i32>} : memref<200x64xf32, #tpu.memory_space<vmem>>, vector<1x16xf32>,
        %get3A_521 = vector.shape_cast %get3A_520 : vector<1x16xf32> to vector<16xf32>
        %add3A_522 = arith.addf %get3A_515, %get3A_521 : vector<16xf32>
        %add3A_523 = arith.constant 700 : i32
        %add3A_524 = arith.addi %add3A_523, %scan3A_471 : i32
        %swap3A_525 = arith.index_cast %add3A_524 : i32 to index
        %swap3A_526 = arith.constant 32 : index
        %swap3A_527 = tpu.vector_load %arg9[%swap3A_525, %swap3A_526] {strides = array<i32>} : memref<800x64xf32, #tpu.memory_space<vmem>>, vector<1x16xf32>,
        %swap3A_528 = vector.shape_cast %swap3A_527 : vector<1x16xf32> to vector<16xf32>
        %swap3A_529 = vector.shape_cast %add3A_522 : vector<16xf32> to vector<1x16xf32>
        tpu.vector_store %arg9[%swap3A_525, %swap3A_526], %swap3A_529 {strides = array<i32>} : memref<800x64xf32, #tpu.memory_space<vmem>>, vector<1x16xf32>,
        %add3A_530 = arith.constant 700 : i32
        %add3A_531 = arith.addi %add3A_530, %scan3A_471 : i32
        %get3A_532 = arith.index_cast %add3A_531 : i32 to index
        %get3A_533 = arith.constant 48 : index
        %get3A_534 = tpu.vector_load %arg9[%get3A_532, %get3A_533] {strides = array<i32>} : memref<800x64xf32, #tpu.memory_space<vmem>>, vector<1x16xf32>,
        %get3A_535 = vector.shape_cast %get3A_534 : vector<1x16xf32> to vector<16xf32>
        %add3A_536 = arith.constant 100 : i32
        %add3A_537 = arith.addi %add3A_536, %scan3A_471 : i32
        %get3A_538 = arith.index_cast %add3A_537 : i32 to index
        %get3A_539 = arith.constant 48 : index
        %get3A_540 = tpu.vector_load %arg7[%get3A_538, %get3A_539] {strides = array<i32>} : memref<200x64xf32, #tpu.memory_space<vmem>>, vector<1x16xf32>,
        %get3A_541 = vector.shape_cast %get3A_540 : vector<1x16xf32> to vector<16xf32>
        %add3A_542 = arith.addf %get3A_535, %get3A_541 : vector<16xf32>
        %add3A_543 = arith.constant 700 : i32
        %add3A_544 = arith.addi %add3A_543, %scan3A_471 : i32
        %swap3A_545 = arith.index_cast %add3A_544 : i32 to index
        %swap3A_546 = arith.constant 48 : index
        %swap3A_547 = tpu.vector_load %arg9[%swap3A_545, %swap3A_546] {strides = array<i32>} : memref<800x64xf32, #tpu.memory_space<vmem>>, vector<1x16xf32>,
        %swap3A_548 = vector.shape_cast %swap3A_547 : vector<1x16xf32> to vector<16xf32>
        %swap3A_549 = vector.shape_cast %add3A_542 : vector<16xf32> to vector<1x16xf32>
        tpu.vector_store %arg9[%swap3A_545, %swap3A_546], %swap3A_549 {strides = array<i32>} : memref<800x64xf32, #tpu.memory_space<vmem>>, vector<1x16xf32>,
      }
      %scan3A_441 = arith.constant 100 : i32
      %mul3A_442 = arith.constant 2 : i32
      %mul3A_443 = arith.muli %mul3A_442, %scan3A_10 : i32
      %add3A_444 = arith.addi %mul3A_4, %mul3A_443 : i32
      %add3A_445 = arith.constant 1 : i32
      %add3A_446 = arith.addi %add3A_444, %add3A_445 : i32
      %dma_start3A_447 = arith.constant 0 : i32
      %dma_start3A_448 = arith.constant 0 : i32
      %dma_start3A_449 = tpu.memref_slice %arg5[%add3A_446, %dma_start3A_447, %dma_start3A_448] : memref<256x800x64xf32, #tpu.memory_space<hbm>> -> memref<1x800x64xf32, #tpu.memory_space<hbm>>
      %dma_start3A_450 = tpu.memref_squeeze %dma_start3A_449 : memref<1x800x64xf32, #tpu.memory_space<hbm>> -> memref<800x64xf32, #tpu.memory_space<hbm>>
      %dma_start3A_451 = arith.constant 0 : i32
      %dma_start3A_452 = arith.constant 0 : i32
      %dma_start3A_453 = tpu.memref_slice %arg5[%add3A_446, %dma_start3A_451, %dma_start3A_452] : memref<256x800x64xf32, #tpu.memory_space<hbm>> -> memref<1x800x64xf32, #tpu.memory_space<hbm>>
      %dma_start3A_454 = tpu.memref_squeeze %dma_start3A_453 : memref<1x800x64xf32, #tpu.memory_space<hbm>> -> memref<800x64xf32, #tpu.memory_space<hbm>>
      tpu.enqueue_dma source(%arg9 : memref<800x64xf32, #tpu.memory_space<vmem>>) target(%dma_start3A_454 : memref<800x64xf32, #tpu.memory_space<hbm>>) target_semaphore(%arg19 : memref<!tpu.dma_semaphore, #tpu.memory_space<semaphore_mem>>)
      %dma_wait3A_455 = arith.constant 0 : i32
      %dma_wait3A_456 = arith.constant 0 : i32
      %dma_wait3A_457 = tpu.memref_slice %arg5[%add3A_223, %dma_wait3A_455, %dma_wait3A_456] : memref<256x800x64xf32, #tpu.memory_space<hbm>> -> memref<1x800x64xf32, #tpu.memory_space<hbm>>
      %dma_wait3A_458 = tpu.memref_squeeze %dma_wait3A_457 : memref<1x800x64xf32, #tpu.memory_space<hbm>> -> memref<800x64xf32, #tpu.memory_space<hbm>>
      %dma_wait3A_459 = arith.constant 0 : i32
      %dma_wait3A_460 = arith.constant 0 : i32
      %dma_wait3A_461 = tpu.memref_slice %arg5[%add3A_223, %dma_wait3A_459, %dma_wait3A_460] : memref<256x800x64xf32, #tpu.memory_space<hbm>> -> memref<1x800x64xf32, #tpu.memory_space<hbm>>
      %dma_wait3A_462 = tpu.memref_squeeze %dma_wait3A_461 : memref<1x800x64xf32, #tpu.memory_space<hbm>> -> memref<800x64xf32, #tpu.memory_space<hbm>>
      tpu.wait_dma2 semaphore(%arg18 : memref<!tpu.dma_semaphore, #tpu.memory_space<semaphore_mem>>) src(%arg8 : memref<800x64xf32, #tpu.memory_space<vmem>>) dst(%dma_wait3A_462 : memref<800x64xf32, #tpu.memory_space<hbm>>)
      %dma_wait3A_463 = arith.constant 0 : i32
      %dma_wait3A_464 = arith.constant 0 : i32
      %dma_wait3A_465 = tpu.memref_slice %arg5[%add3A_446, %dma_wait3A_463, %dma_wait3A_464] : memref<256x800x64xf32, #tpu.memory_space<hbm>> -> memref<1x800x64xf32, #tpu.memory_space<hbm>>
      %dma_wait3A_466 = tpu.memref_squeeze %dma_wait3A_465 : memref<1x800x64xf32, #tpu.memory_space<hbm>> -> memref<800x64xf32, #tpu.memory_space<hbm>>
      %dma_wait3A_467 = arith.constant 0 : i32
      %dma_wait3A_468 = arith.constant 0 : i32
      %dma_wait3A_469 = tpu.memref_slice %arg5[%add3A_446, %dma_wait3A_467, %dma_wait3A_468] : memref<256x800x64xf32, #tpu.memory_space<hbm>> -> memref<1x800x64xf32, #tpu.memory_space<hbm>>
      %dma_wait3A_470 = tpu.memref_squeeze %dma_wait3A_469 : memref<1x800x64xf32, #tpu.memory_space<hbm>> -> memref<800x64xf32, #tpu.memory_space<hbm>>
      tpu.wait_dma2 semaphore(%arg19 : memref<!tpu.dma_semaphore, #tpu.memory_space<semaphore_mem>>) src(%arg9 : memref<800x64xf32, #tpu.memory_space<vmem>>) dst(%dma_wait3A_470 : memref<800x64xf32, #tpu.memory_space<hbm>>)
    }
    %scan3A_9 = arith.constant 4 : i32
    return
  }
}

</mosaic_0001>

<sc_bundles>
// kernel: kernel.3.cloned.1.call-start
scs
__scs_entry_jumppad:
0x0: {  	(pc) =	sbr.rel $0x88, $3  }
0x1: {  	(tag) =	ssettag $0x0;
	lr =	simm.s32 $0x1  }
0x2: {  	[smem:$0x3F9E] =	sst lr;
	_ =	strace $0xD0000000  }
0x3: {  	_ = 	snop  }
0x4: {  	_ = 	snop  }
0x5: {  	_ = 	snop  }
0x6: {  	_ = 	snop  }
0x7: {  	_ = 	snop  }
__scs_overlays_trampoline_lowered:
0x8: {  	[smem:$0x3FAD] =	sst s0  }
0x9: {  	[smem:$0x3FAE] =	sst s1  }
0xa: {  	[smem:$0x3FAF] =	sst s2  }
0xb: {  	[smem:$0x3FB0] =	sst s3  }
0xc: {  	[smem:$0x3FB1] =	sst s4  }
0xd: {  	[smem:$0x3FB2] =	sst s5  }
0xe: {  	[smem:$0x3FB3] =	sst s6  }
0xf: {  	[smem:$0x3FB4] =	sst s7  }
0x10: {  	[smem:$0x3FB5] =	sst s8  }
0x11: {  	[smem:$0x3FB6] =	sst s9;
	s0 =	simm.s32 @!p0 $0x0  }
0x12: {  	s1 =	sld [smem:$0x3F9C];
	s0 =	simm.s32 @p0 $0x1  }
0x13: {  	[smem:$0x3FB7] =	sst s0;
	s0 =	simm.s32 @!p1 $0x0  }
0x14: {  	s2 =	sld [smem:$0x3F9B];
	s0 =	simm.s32 @p1 $0x1  }
0x15: {  	[smem:$0x3FB8] =	sst s0;
	s0 =	simm.s32 @!p2 $0x0  }
0x16: {  	s3 =	sld [smem:$0x3FDB];
	s0 =	simm.s32 @p2 $0x1  }
0x17: {  	s4 =	simm.s32 $0x1BF5;
	[smem:$0x3FBA] =	sst s0  }
0x18: {  	s0 =	sld [smem:$0x3F9D];
	_ =	swait.ge [sflag:s4], $0x0  }
0x19: {  	s7 =	sld [smem:$0x3F9E]  }
0x1a: {  	s8 =	sadd.s32 $0xFFFFE003, lr  }
0x1b: {  	s9 =	sadd.s32 $0xFFFFFEF7, lr;
	s5 =	simm.s32 $0xFFFFFFFF;
	p2 =	slt.u32 s8, $0xFFFFF086  }
0x1c: {  	p1 =	slt.u32 s9, $0xF7A;
	s5 =	simm.s32 @!p2 $0x0  }
0x1d: {  	s5 =	simm.s32 @p1 $0x1;
	p0 =	seq.s32 s7, s2  }
0x1e: {  	s7 =	smul.u32 @!p0 $0xF7A, s2;
	p2 =	seq.s32 @!p0 s5, $0x0  }
0x1f: {  	s9 =	smul.u32 $0xF7A, s1;
	s8 =	simm.s32 @!p0 $0x1BF5;
	p2 =	por !p2, p0  }
0x20: {  	[sflag:s8] =	ssyncset.s32 @!p0 $0xFFFFF086;
	s6 =	sadd.s32 @!p0 s3, s7;
	s7 =	simm.s32 @!p0 $0x108  }
0x21: {  	s3 =	sadd.s32 s3, s9;
	s6 =	sadd.s32 @!p0 $0x88, s6;
	s7 =	simm.s32 @p2 $0x1082  }
0x22: {  	[simem:s7], [sflag:s8] =	dma.local @!p0 [hbm:s6], $0xF7A  }
0x23: {  	s9 =	sor.u32 $0xD0000000, s2;
	s6 =	simm.s32 $0x108;
	_ =	swait.ge @!p0 [sflag:s8], $0x0  }
0x24: {  	s3 =	sadd.s32 $0x88, s3;
	s6 =	simm.s32 @!p1 $0x1082;
	[sflag:s4] =	ssyncset.s32 $0xFFFFF086  }
0x25: {  	[simem:s6], [sflag:s4] =	dma.local [hbm:s3], $0xF7A  }
0x26: {  	[smem:$0x3F9E] =	sst s1;
	(tag) =	ssettag s2;
	_ =	strace s9  }
0x27: {  	s1 =	sld [smem:$0x3FAE]  }
0x28: {  	s2 =	sld [smem:$0x3FAF]  }
0x29: {  	s4 =	sld [smem:$0x3FB1]  }
0x2a: {  	p0 =	seq.s32 s5, $0x0;
	s5 =	sld [smem:$0x3FB2]  }
0x2b: {  	s6 =	sld [smem:$0x3FB3]  }
0x2c: {  	s7 =	sld [smem:$0x3FB4]  }
0x2d: {  	s3 =	simm.s32 $0x108;
	s8 =	sld [smem:$0x3FB5]  }
0x2e: {  	s3 =	simm.s32 @!p0 $0x1082;
	s9 =	sld [smem:$0x3FB6]  }
0x2f: {  	lr =	sadd.s32 s0, s3;
	s0 =	sld [smem:$0x3FAD]  }
0x30: {  	s3 =	sld [smem:$0x3FB0]  }
0x31: {  	[smem:$0x3FB9] =	sst s10  }
0x32: {  	s10 =	sld [smem:$0x3FB7];
	_ =	sdelay $0x3  }
0x33: {  	p0 =	seq.s32 s10, $0x1;
	s10 =	sld [smem:$0x3FB9];
	_ =	sdelay $0x3  }
0x34: {  	[smem:$0x3FB9] =	sst s10  }
0x35: {  	s10 =	sld [smem:$0x3FB8];
	_ =	sdelay $0x3  }
0x36: {  	p1 =	seq.s32 s10, $0x1;
	s10 =	sld [smem:$0x3FB9];
	_ =	sdelay $0x3  }
0x37: {  	[smem:$0x3FB9] =	sst s10  }
0x38: {  	s10 =	sld [smem:$0x3FBA]  }
0x39: {  	_ = 	snop;
	(pc) =	sbr.ind lr, $3  }
0x3a: {  	_ = 	snop  }
0x3b: {  	_ = 	snop  }
0x3c: {  	p2 =	seq.s32 s10, $0x1;
	s10 =	sld [smem:$0x3FB9]  }
0x3d: {  	_ =	shalt  }
0x3e: {  	_ =	shalt  }
0x3f: {  	_ =	shalt  }
0x40: {  	_ =	shalt  }
0x41: {  	_ =	shalt  }
0x42: {  	_ =	shalt  }
0x43: {  	_ =	shalt  }
0x44: {  	_ =	shalt  }
0x45: {  	_ =	shalt  }
0x46: {  	_ =	shalt  }
0x47: {  	_ =	shalt  }
0x48: {  	_ =	shalt  }
0x49: {  	_ =	shalt  }
0x4a: {  	_ =	shalt  }
0x4b: {  	_ =	shalt  }
0x4c: {  	_ =	shalt  }
0x4d: {  	_ =	shalt  }
0x4e: {  	_ =	shalt  }
0x4f: {  	_ =	shalt  }
0x50: {  	_ =	shalt  }
0x51: {  	_ =	shalt  }
0x52: {  	_ =	shalt  }
0x53: {  	_ =	shalt  }
0x54: {  	_ =	shalt  }
0x55: {  	_ =	shalt  }
0x56: {  	_ =	shalt  }
0x57: {  	_ =	shalt  }
0x58: {  	_ =	shalt  }
0x59: {  	_ =	shalt  }
0x5a: {  	_ =	shalt  }
0x5b: {  	_ =	shalt  }
0x5c: {  	_ =	shalt  }
0x5d: {  	_ =	shalt  }
0x5e: {  	_ =	shalt  }
0x5f: {  	_ =	shalt  }
0x60: {  	_ =	shalt  }
0x61: {  	_ =	shalt  }
0x62: {  	_ =	shalt  }
0x63: {  	_ =	shalt  }
0x64: {  	_ =	shalt  }
0x65: {  	_ =	shalt  }
0x66: {  	_ =	shalt  }
0x67: {  	_ =	shalt  }
0x68: {  	_ =	shalt  }
0x69: {  	_ =	shalt  }
0x6a: {  	_ =	shalt  }
0x6b: {  	_ =	shalt  }
0x6c: {  	_ =	shalt  }
0x6d: {  	_ =	shalt  }
0x6e: {  	_ =	shalt  }
0x6f: {  	_ =	shalt  }
0x70: {  	_ =	shalt  }
0x71: {  	_ =	shalt  }
0x72: {  	_ =	shalt  }
0x73: {  	_ =	shalt  }
0x74: {  	_ =	shalt  }
0x75: {  	_ =	shalt  }
0x76: {  	_ =	shalt  }
0x77: {  	_ =	shalt  }
0x78: {  	_ =	shalt  }
0x79: {  	_ =	shalt  }
0x7a: {  	_ =	shalt  }
0x7b: {  	_ =	shalt  }
0x7c: {  	_ =	shalt  }
0x7d: {  	_ =	shalt  }
0x7e: {  	_ =	shalt  }
0x7f: {  	_ =	shalt  }
0x80: {  	_ =	shalt  }
0x81: {  	_ =	shalt  }
0x82: {  	_ =	shalt  }
0x83: {  	_ =	shalt  }
0x84: {  	_ =	shalt  }
0x85: {  	_ =	shalt  }
0x86: {  	_ =	shalt  }
0x87: {  	_ =	shalt  }
.Lfunc_end0:
.L_simem_size_0:
called_computation.1_lowered:
.L_overlay_start_0:
0x88: {  	s2 =	sld [smem:$0x3FD9]  }
0x89: {  	s3 =	sld [smem:$0x3FFE];
	_ =	sdelay $0x1  }
0x8a: {  	s1 =	srdreg.scid  }
0x8b: {  	s0 =	sand.u32 $0x1, s1  }
0x8c: {  	s17 =	sshll.u32 s0, $0xA;
	s2 =	sadd.s32 s3, s2  }
0x8d: {  	s2 =	sadd.s32 s2, s17  }
0x8e: {  	[smem:$0x3FC5] =	sst s2  }
0x8f: {  	_ = 	snop  }
0x90: {  	s2 =	sld [smem:$0x3FD0];
	(tm) =	ssettm $0x1  }
0x91: {  	s18 =	sld [smem:$0x3FFB];
	_ =	sdelay $0x3  }
0x92: {  	_ =	strace s18  }
0x93: {  	s3 =	sld [smem:$0x3FFC];
	_ =	sdelay $0x3  }
0x94: {  	_ =	strace s3  }
0x95: {  	s3 =	sld [smem:$0x3FFD];
	_ =	sdelay $0x3  }
0x96: {  	_ =	strace s3  }
0x97: {  	_ =	strace $0x8FFFFFFF  }
0x98: {  	s19 =	sld [smem:$0x3FDB];
	_ =	sdelay $0x1  }
0x99: {  	s4 =	simm.s32 $_scs_section_size  }
0x9a: {  	s5 =	simm.s32 $_size__tile_overlayer_lowered;
	s6 =	simm.s32 $_tile_overlayer_lowered  }
0x9b: {  	s22 =	simm.s32 $0x1BFF;
	s21 =	sshll.u32 s6, $0x1;
	s3 =	sadd.s32 s4, s19  }
0x9c: {  	s7 =	simm.s32 $0x0;
	s20 =	sshll.u32 s5, $0x1;
	s5 =	sadd.s32 s21, s3  }
0x9d: {  	[timem:s7], [sflag:s22] =	dma.local [hbm:s5], s20  }
0x9e: {  	_ =	swait.ge [sflag:s22], s20  }
0x9f: {  	s4 =	ssub.s32 $0x0, s20;
	[sflag:s22] =	ssyncset.done $0x0  }
0xa0: {  	[sflag:s22] =	ssyncadd.s32 s4;
	_ =	sdelay $0x1  }
0xa1: {  	s23 =	simm.s32 $0x1B8B  }
0xa2: {  	_ =	swait.ge [sflag:s23], $0x1  }
0xa3: {  	[sflag:s23] =	ssyncset.done $0x0  }
0xa4: {  	s25 =	simm.s32 $0x1B8E;
	s24 =	sld [smem:$0x3FFE];
	[sflag:s23] =	ssyncadd.s32 $0xFFFFFFFF  }
0xa5: {  	s26 =	simm.s32 $execute0_lowered;
	[smem:$0x3FD2] =	sst s25  }
0xa6: {  	s5 =	sshll.u32 s26, $0x1;
	_ =	strace $0x80000046;
	[dreg:$0x1] =	wrdreg $0xFFFFFFFF  }
0xa7: {  	s28 =	simm.s32 $_size_execute0_lowered;
	s3 =	sadd.s32 s3, s5;
	[dreg:$0x0] =	wrdreg $0x0  }
0xa8: {  	s5 =	sshll.u32 s28, $0x1;
	[dreg:$0x2] =	wrdreg s3  }
0xa9: {  	[dreg:$0x3] =	wrdreg s5  }
0xaa: {  	[dreg:$0x4] =	wrdreg $0xC0  }
0xab: {  	_ =	task [dreg:s7], $0x5FFFF  }
0xac: {  	[dreg:$0x1] =	wrdreg $0xFFFFFFFF  }
0xad: {  	[dreg:$0x0] =	wrdreg $0x60  }
0xae: {  	[dreg:$0x2] =	wrdreg s24  }
0xaf: {  	[dreg:$0x3] =	wrdreg s2  }
0xb0: {  	[dreg:$0x4] =	wrdreg $0x9  }
0xb1: {  	_ =	task.clear_ibuf [dreg:s7], $0x5FFFF;
	_ =	strace $0x90000046  }
0xb2: {  	s29 =	simm.s32 $0x9;
	_ =	strace $0x80000048  }
0xb3: {  	_ =	swait.ge [sflag:s29], $0x1  }
0xb4: {  	[sflag:s29] =	ssyncadd.s32 $0xFFFFFFFF  }
0xb5: {  	_ =	strace $0x90000048  }
0xb6: {  	_ =	sfence  }
0xb7: {  	s30 =	sld [smem:$0x0];
	_ =	sdelay $0x2  }
0xb8: {  	s31 =	sshll.u32 s1, $0xD;
	s1 =	sshrl.u32 s1, $0x2  }
0xb9: {  	s3 =	sand.u32 $0x4000, s31;
	s1 =	sadd.s32 s1, s30  }
0xba: {  	s0 =	sor.u32 s3, s0;
	s1 =	sshll.u32 s1, $0x11  }
0xbb: {  	s0 =	sor.u32 s1, s0  }
0xbc: {  	s0 =	sadd.s32 $0x8F2B, s0  }
0xbd: {  	[sflag:s0] =	ssyncadd.remote.s32 $0x1  }
0xbe: {  	_ =	sfence.sel $0xFFFF  }
0xbf: {  	[dreg:$0x0] =	wrdreg $0xFFFFFFFF;
	(pc) =	sbr.abs _section_cstart, $3  }
0xc0: {  	[dreg:$0x1] =	wrdreg $0xFFFFFFFF  }
0xc1: {  	_ =	task.clear_ibuf [dreg:s7], $0x2FFFF;
	_ =	strace $0x9FFFFFFF  }
0xc2: {  	(tm) =	ssettm $0x7FFFFFFF  }
0xc3: {  	_ =	shalt  }
tec
execute0_lowered:
.L_overlay_start_1:
0x0: {  	(tag) =	ssettag $0x1  }
0x1: {  	s0 =	srdreg.scid  }
0x2: {  	s2 =	stileid.u32;
	s1 =	rddreg [dreg:$0x0];
	s11 =	simm.s32 $0x64  }
0x3: {  	s12 =	simm.s32 $0x4C00;
	s18 =	simm.s32 $0xE200;
	s19 =	simm.s32 $0xFB00  }
0x4: {  	s20 =	simm.s32 $0x1;
	s21 =	simm.s32 $0x2;
	s22 =	simm.s32 $0x3  }
0x5: {  	s23 =	simm.s32 $0x4;
	s24 =	simm.s32 $0x5;
	s25 =	simm.s32 $0x6  }
0x6: {  	s28 =	simm.s32 $0x8;
	s29 =	simm.s32 $0x11400;
	s30 =	simm.s32 $0x12D00  }
0x7: {  	s31 =	simm.s32 $0x14600;
	s9 =	simm.s32 $0x19100;
	s8 =	simm.s32 $0x9  }
0x8: {  	s10 =	simm.s32 $0xA;
	s0 =	sand.u32 $0x1, s0;
	s3 =	sshll.u32 s2, $0x1  }
0x9: {  	s2 =	rddreg [dreg:$0x1];
	s5 =	sor.u32 s0, s3;
	s3 =	simm.s32 $0x0  }
0xa: {  	s14 =	simm.s32 $0x0;
	s0 =	ssub.s32 $0x2, s0;
	[smem:$0x7FF] =	sst s3  }
0xb: {  	s4 =	smul.u32 $0x340, s5;
	s6 =	sshrl.u32 s0, $0x1;
	_ =	strace $0x80000047  }
0xc: {  	s0 =	ssub.s32 s0, s6;
	s6 =	sshll.u32 s5, $0x3;
	s5 =	simm.s32 $0x1AA00  }
0xd: {  	s7 =	sadd.s32 s4, s1;
	s4 =	sadd.s32 $0x7800, s1;
	s1 =	sadd.s32 $0x800, s1  }
0xe: {  	s0 =	smax.u32 s0, $0x1;
	[dreg:$0x3] =	wrdreg s1;
	s26 =	sadd.s32 $0x1000, s7  }
0xf: {  	[dreg:$0x5] =	wrdreg s0;
	s1 =	simm.s32 $0x15F00;
	s0 =	simm.s32 $0x17800  }
0x10: {  	s7 =	simm.s32 $0x1C300;
	[dreg:$0x4] =	wrdreg s26;
	s26 =	simm.s32 $0x7  }
.LBB2_1:
0x11: {  	[dreg:$0x6] =	wrdreg s14  }
0x12: {  	s13 =	rddreg [dreg:$0x3];
	s15 =	simm.s32 $0x1A00;
	s16 =	simm.s32 $0xB  }
0x13: {  	[tilespmem:s15], [sflag:$0xB] =	stream.linear.gather [hbm4b:s13+s3], $0x3200, $0x38;
	[tilespmem:$0x1DC00] =	vst v63  }
0x14: {  	_ =	swait.ge [sflag:s16], $0x3200  }
0x15: {  	[sflag:s16] =	ssyncset.done $0x0  }
0x16: {  	s17 =	rddreg [dreg:$0x4];
	[sflag:s16] =	ssyncadd.s32 $0xFFFFCE00  }
0x17: {  	[tilespmem:s3], [sflag:$0xB] =	stream.linear.gather [hbm4b:s17+s3], $0x1A00, $0x38;
	[tilespmem:$0x1DC00] =	vst v63  }
0x18: {  	_ =	swait.ge [sflag:s16], $0x1A00  }
0x19: {  	[sflag:s16] =	ssyncset.done $0x0  }
0x1a: {  	s13 =	simm.s32 $0x0;
	[sflag:s16] =	ssyncadd.s32 $0xFFFFE600  }
.LBB2_2:
0x1b: {  	s14 =	smul.u32 $0x1A00, s13;
	_ =	sdelay $0x1  }
0x1c: {  	s14 =	sshra.s32 s14, $0x2  }
0x1d: {  	[tilespmem:s12], [sflag:$0x1] =	stream.indirect.gather [hbm4b:s4+s11], $0x40, s14, s11, $0xb8;
	[tilespmem:$0x1DC00] =	vst v63  }
0x1e: {  	s16 =	simm.s32 $0x6500;
	s15 =	sor.u32 $0x68, s14  }
0x1f: {  	[tilespmem:s16], [sflag:$0x2] =	stream.indirect.gather [hbm4b:s4+s11], $0x40, s15, s11, $0xb8;
	[tilespmem:$0x1DC00] =	vst v63  }
0x20: {  	s17 =	simm.s32 $0x7E00;
	s16 =	sadd.s32 $0xD0, s14  }
0x21: {  	[tilespmem:s17], [sflag:$0x3] =	stream.indirect.gather [hbm4b:s4+s11], $0x40, s16, s11, $0xb8;
	[tilespmem:$0x1DC00] =	vst v63  }
0x22: {  	s16 =	sadd.s32 $0x138, s14;
	s17 =	simm.s32 $0x9700  }
0x23: {  	[tilespmem:s17], [sflag:$0x4] =	stream.indirect.gather [hbm4b:s4+s11], $0x40, s16, s11, $0xb8;
	[tilespmem:$0x1DC00] =	vst v63  }
0x24: {  	s16 =	sadd.s32 $0x1A0, s14;
	s17 =	simm.s32 $0xB000  }
0x25: {  	[tilespmem:s17], [sflag:$0x5] =	stream.indirect.gather [hbm4b:s4+s11], $0x40, s16, s11, $0xb8;
	[tilespmem:$0x1DC00] =	vst v63  }
0x26: {  	s16 =	sadd.s32 $0x208, s14;
	s17 =	simm.s32 $0xC900  }
0x27: {  	[tilespmem:s17], [sflag:$0x6] =	stream.indirect.gather [hbm4b:s4+s11], $0x40, s16, s11, $0xb8;
	[tilespmem:$0x1DC00] =	vst v63  }
0x28: {  	s16 =	sadd.s32 $0x270, s14  }
0x29: {  	[tilespmem:s18], [sflag:$0x7] =	stream.indirect.gather [hbm4b:s4+s11], $0x40, s16, s11, $0xb8;
	[tilespmem:$0x1DC00] =	vst v63  }
0x2a: {  	s17 =	sadd.s32 $0x2D8, s14  }
0x2b: {  	[tilespmem:s19], [sflag:$0x8] =	stream.indirect.gather [hbm4b:s4+s11], $0x40, s17, s11, $0xb8;
	[tilespmem:$0x1DC00] =	vst v63  }
0x2c: {  	_ =	swait.ge [sflag:s20], $0x1900  }
0x2d: {  	[sflag:s20] =	ssyncset.done $0x0  }
0x2e: {  	s15 =	simm.s32 $0x0;
	[sflag:s20] =	ssyncadd.s32 $0xFFFFE700  }
0x2f: {  	v5 =	vld [tilespmem:s15+$0x1A00]  }
0x30: {  	v6 =	vld [tilespmem:s15+$0x1A10]  }
0x31: {  	v1 =	vld [tilespmem:s15+$0x1A20]  }
0x32: {  	v0 =	vld [tilespmem:s15+$0x1A30]  }
0x33: {  	v2 =	vld [tilespmem:s15+$0x4C00]  }
0x34: {  	v4 =	vld [tilespmem:s15+$0x4C10]  }
0x35: {  	s16 =	simm.s32 $0x100;
	v3 =	vld [tilespmem:s15+$0x4C20]  }
.LBB2_3:
0x36: {  	s17 =	sshra.s32 s16, $0x2;
	p0 =	sne.s32 s16, $0x6300;
	v7 =	vld [tilespmem:s15+$0x4C30];
	v8 =	vmov v1  }
0x37: {  	v9 =	vld [tilespmem:s17+$0x1A00];
	v10 =	vmov v0  }
0x38: {  	v11 =	vld [tilespmem:s17+$0x1A10];
	v2 =	vadd.f32 v5, v2  }
.Ltmp0:
0x39: {  	v1 =	vld [tilespmem:s17+$0x1A20];
	v4 =	vadd.f32 v6, v4;
	(pc) =	sbr.rel @p0 .LBB2_3-.Ltmp0, $4  }
0x3a: {  	v0 =	vld [tilespmem:s17+$0x1A30];
	[tilespmem:s15+$0x4C00] =	vst v2;
	v3 =	vadd.f32 v8, v3  }
0x3b: {  	v2 =	vld [tilespmem:s17+$0x4C00];
	[tilespmem:s15+$0x4C10] =	vst v4;
	v7 =	vadd.f32 v10, v7  }
0x3c: {  	v4 =	vld [tilespmem:s17+$0x4C10];
	[tilespmem:s15+$0x4C20] =	vst v3;
	v5 =	vmov v9  }
0x3d: {  	s16 =	sadd.s32 $0x100, s16;
	v3 =	vld [tilespmem:s17+$0x4C20];
	[tilespmem:s15+$0x4C30] =	vst v7;
	v6 =	vmov v11;
	s15 =	smov.u32 s17  }
0x3e: {  	v7 =	vld [tilespmem:s15+$0x4C30];
	_ =	sdelay $0x1  }
0x3f: {  	v2 =	vadd.f32 v5, v2  }
0x40: {  	v4 =	vadd.f32 v6, v4  }
0x41: {  	[tilespmem:s15+$0x4C00] =	vst v2;
	v1 =	vadd.f32 v1, v3  }
0x42: {  	[tilespmem:s15+$0x4C10] =	vst v4;
	v0 =	vadd.f32 v0, v7  }
0x43: {  	[tilespmem:s15+$0x4C20] =	vst v1  }
0x44: {  	[tilespmem:s15+$0x4C30] =	vst v0  }
0x45: {  	_ =	swait.ge [sflag:s21], $0x1900  }
0x46: {  	[sflag:s21] =	ssyncset.done $0x0  }
0x47: {  	s15 =	simm.s32 $0x0;
	[sflag:s21] =	ssyncadd.s32 $0xFFFFE700  }
0x48: {  	v5 =	vld [tilespmem:s15+$0x3300]  }
0x49: {  	v6 =	vld [tilespmem:s15+$0x3310]  }
0x4a: {  	v1 =	vld [tilespmem:s15+$0x3320]  }
0x4b: {  	v0 =	vld [tilespmem:s15+$0x3330]  }
0x4c: {  	v2 =	vld [tilespmem:s15+$0x6500]  }
0x4d: {  	v4 =	vld [tilespmem:s15+$0x6510]  }
0x4e: {  	s16 =	simm.s32 $0x100;
	v3 =	vld [tilespmem:s15+$0x6520]  }
.LBB2_5:
0x4f: {  	s17 =	sshra.s32 s16, $0x2;
	p0 =	sne.s32 s16, $0x6300;
	v7 =	vld [tilespmem:s15+$0x6530];
	v8 =	vmov v1  }
0x50: {  	v9 =	vld [tilespmem:s17+$0x3300];
	v10 =	vmov v0  }
0x51: {  	v11 =	vld [tilespmem:s17+$0x3310];
	v2 =	vadd.f32 v5, v2  }
.Ltmp1:
0x52: {  	v1 =	vld [tilespmem:s17+$0x3320];
	v4 =	vadd.f32 v6, v4;
	(pc) =	sbr.rel @p0 .LBB2_5-.Ltmp1, $4  }
0x53: {  	v0 =	vld [tilespmem:s17+$0x3330];
	[tilespmem:s15+$0x6500] =	vst v2;
	v3 =	vadd.f32 v8, v3  }
0x54: {  	v2 =	vld [tilespmem:s17+$0x6500];
	[tilespmem:s15+$0x6510] =	vst v4;
	v7 =	vadd.f32 v10, v7  }
0x55: {  	v4 =	vld [tilespmem:s17+$0x6510];
	[tilespmem:s15+$0x6520] =	vst v3;
	v5 =	vmov v9  }
0x56: {  	s16 =	sadd.s32 $0x100, s16;
	v3 =	vld [tilespmem:s17+$0x6520];
	[tilespmem:s15+$0x6530] =	vst v7;
	v6 =	vmov v11;
	s15 =	smov.u32 s17  }
0x57: {  	v7 =	vld [tilespmem:s15+$0x6530];
	_ =	sdelay $0x1  }
0x58: {  	v2 =	vadd.f32 v5, v2  }
0x59: {  	v4 =	vadd.f32 v6, v4  }
0x5a: {  	[tilespmem:s15+$0x6500] =	vst v2;
	v1 =	vadd.f32 v1, v3  }
0x5b: {  	[tilespmem:s15+$0x6510] =	vst v4;
	v0 =	vadd.f32 v0, v7  }
0x5c: {  	[tilespmem:s15+$0x6520] =	vst v1  }
0x5d: {  	[tilespmem:s15+$0x6530] =	vst v0  }
0x5e: {  	_ =	swait.ge [sflag:s22], $0x1900  }
0x5f: {  	[sflag:s22] =	ssyncset.done $0x0  }
0x60: {  	s15 =	simm.s32 $0x0;
	[sflag:s22] =	ssyncadd.s32 $0xFFFFE700  }
0x61: {  	v5 =	vld [tilespmem:s15+$0x1A00]  }
0x62: {  	v6 =	vld [tilespmem:s15+$0x1A10]  }
0x63: {  	v1 =	vld [tilespmem:s15+$0x1A20]  }
0x64: {  	v0 =	vld [tilespmem:s15+$0x1A30]  }
0x65: {  	v2 =	vld [tilespmem:s15+$0x7E00]  }
0x66: {  	v4 =	vld [tilespmem:s15+$0x7E10]  }
0x67: {  	s16 =	simm.s32 $0x100;
	v3 =	vld [tilespmem:s15+$0x7E20]  }
.LBB2_7:
0x68: {  	s17 =	sshra.s32 s16, $0x2;
	p0 =	sne.s32 s16, $0x6300;
	v7 =	vld [tilespmem:s15+$0x7E30];
	v8 =	vmov v1  }
0x69: {  	v9 =	vld [tilespmem:s17+$0x1A00];
	v10 =	vmov v0  }
0x6a: {  	v11 =	vld [tilespmem:s17+$0x1A10];
	v2 =	vadd.f32 v5, v2  }
.Ltmp2:
0x6b: {  	v1 =	vld [tilespmem:s17+$0x1A20];
	v4 =	vadd.f32 v6, v4;
	(pc) =	sbr.rel @p0 .LBB2_7-.Ltmp2, $4  }
0x6c: {  	v0 =	vld [tilespmem:s17+$0x1A30];
	[tilespmem:s15+$0x7E00] =	vst v2;
	v3 =	vadd.f32 v8, v3  }
0x6d: {  	v2 =	vld [tilespmem:s17+$0x7E00];
	[tilespmem:s15+$0x7E10] =	vst v4;
	v7 =	vadd.f32 v10, v7  }
0x6e: {  	v4 =	vld [tilespmem:s17+$0x7E10];
	[tilespmem:s15+$0x7E20] =	vst v3;
	v5 =	vmov v9  }
0x6f: {  	s16 =	sadd.s32 $0x100, s16;
	v3 =	vld [tilespmem:s17+$0x7E20];
	[tilespmem:s15+$0x7E30] =	vst v7;
	v6 =	vmov v11;
	s15 =	smov.u32 s17  }
0x70: {  	v7 =	vld [tilespmem:s15+$0x7E30];
	_ =	sdelay $0x1  }
0x71: {  	v2 =	vadd.f32 v5, v2  }
0x72: {  	v4 =	vadd.f32 v6, v4  }
0x73: {  	[tilespmem:s15+$0x7E00] =	vst v2;
	v1 =	vadd.f32 v1, v3  }
0x74: {  	[tilespmem:s15+$0x7E10] =	vst v4;
	v0 =	vadd.f32 v0, v7  }
0x75: {  	[tilespmem:s15+$0x7E20] =	vst v1  }
0x76: {  	[tilespmem:s15+$0x7E30] =	vst v0  }
0x77: {  	_ =	swait.ge [sflag:s23], $0x1900  }
0x78: {  	[sflag:s23] =	ssyncset.done $0x0  }
0x79: {  	s15 =	simm.s32 $0x0;
	[sflag:s23] =	ssyncadd.s32 $0xFFFFE700  }
0x7a: {  	v5 =	vld [tilespmem:s15+$0x3300]  }
0x7b: {  	v6 =	vld [tilespmem:s15+$0x3310]  }
0x7c: {  	v1 =	vld [tilespmem:s15+$0x3320]  }
0x7d: {  	v0 =	vld [tilespmem:s15+$0x3330]  }
0x7e: {  	v2 =	vld [tilespmem:s15+$0x9700]  }
0x7f: {  	v4 =	vld [tilespmem:s15+$0x9710]  }
0x80: {  	s16 =	simm.s32 $0x100;
	v3 =	vld [tilespmem:s15+$0x9720]  }
.LBB2_9:
0x81: {  	s17 =	sshra.s32 s16, $0x2;
	p0 =	sne.s32 s16, $0x6300;
	v7 =	vld [tilespmem:s15+$0x9730];
	v8 =	vmov v1  }
0x82: {  	v9 =	vld [tilespmem:s17+$0x3300];
	v10 =	vmov v0  }
0x83: {  	v11 =	vld [tilespmem:s17+$0x3310];
	v2 =	vadd.f32 v5, v2  }
.Ltmp3:
0x84: {  	v1 =	vld [tilespmem:s17+$0x3320];
	v4 =	vadd.f32 v6, v4;
	(pc) =	sbr.rel @p0 .LBB2_9-.Ltmp3, $4  }
0x85: {  	v0 =	vld [tilespmem:s17+$0x3330];
	[tilespmem:s15+$0x9700] =	vst v2;
	v3 =	vadd.f32 v8, v3  }
0x86: {  	v2 =	vld [tilespmem:s17+$0x9700];
	[tilespmem:s15+$0x9710] =	vst v4;
	v7 =	vadd.f32 v10, v7  }
0x87: {  	v4 =	vld [tilespmem:s17+$0x9710];
	[tilespmem:s15+$0x9720] =	vst v3;
	v5 =	vmov v9  }
0x88: {  	s16 =	sadd.s32 $0x100, s16;
	v3 =	vld [tilespmem:s17+$0x9720];
	[tilespmem:s15+$0x9730] =	vst v7;
	v6 =	vmov v11;
	s15 =	smov.u32 s17  }
0x89: {  	v7 =	vld [tilespmem:s15+$0x9730];
	_ =	sdelay $0x1  }
0x8a: {  	v2 =	vadd.f32 v5, v2  }
0x8b: {  	v4 =	vadd.f32 v6, v4  }
0x8c: {  	[tilespmem:s15+$0x9700] =	vst v2;
	v1 =	vadd.f32 v1, v3  }
0x8d: {  	[tilespmem:s15+$0x9710] =	vst v4;
	v0 =	vadd.f32 v0, v7  }
0x8e: {  	[tilespmem:s15+$0x9720] =	vst v1  }
0x8f: {  	[tilespmem:s15+$0x9730] =	vst v0  }
0x90: {  	_ =	swait.ge [sflag:s24], $0x1900  }
0x91: {  	[sflag:s24] =	ssyncset.done $0x0  }
0x92: {  	s15 =	simm.s32 $0x0;
	[sflag:s24] =	ssyncadd.s32 $0xFFFFE700  }
0x93: {  	v5 =	vld [tilespmem:s15+$0x1A00]  }
0x94: {  	v6 =	vld [tilespmem:s15+$0x1A10]  }
0x95: {  	v1 =	vld [tilespmem:s15+$0x1A20]  }
0x96: {  	v0 =	vld [tilespmem:s15+$0x1A30]  }
0x97: {  	v2 =	vld [tilespmem:s15+$0xB000]  }
0x98: {  	v4 =	vld [tilespmem:s15+$0xB010]  }
0x99: {  	s16 =	simm.s32 $0x100;
	v3 =	vld [tilespmem:s15+$0xB020]  }
.LBB2_11:
0x9a: {  	s17 =	sshra.s32 s16, $0x2;
	p0 =	sne.s32 s16, $0x6300;
	v7 =	vld [tilespmem:s15+$0xB030];
	v8 =	vmov v1  }
0x9b: {  	v9 =	vld [tilespmem:s17+$0x1A00];
	v10 =	vmov v0  }
0x9c: {  	v11 =	vld [tilespmem:s17+$0x1A10];
	v2 =	vadd.f32 v5, v2  }
.Ltmp4:
0x9d: {  	v1 =	vld [tilespmem:s17+$0x1A20];
	v4 =	vadd.f32 v6, v4;
	(pc) =	sbr.rel @p0 .LBB2_11-.Ltmp4, $4  }
0x9e: {  	v0 =	vld [tilespmem:s17+$0x1A30];
	[tilespmem:s15+$0xB000] =	vst v2;
	v3 =	vadd.f32 v8, v3  }
0x9f: {  	v2 =	vld [tilespmem:s17+$0xB000];
	[tilespmem:s15+$0xB010] =	vst v4;
	v7 =	vadd.f32 v10, v7  }
0xa0: {  	v4 =	vld [tilespmem:s17+$0xB010];
	[tilespmem:s15+$0xB020] =	vst v3;
	v5 =	vmov v9  }
0xa1: {  	s16 =	sadd.s32 $0x100, s16;
	v3 =	vld [tilespmem:s17+$0xB020];
	[tilespmem:s15+$0xB030] =	vst v7;
	v6 =	vmov v11;
	s15 =	smov.u32 s17  }
0xa2: {  	v7 =	vld [tilespmem:s15+$0xB030];
	_ =	sdelay $0x1  }
0xa3: {  	v2 =	vadd.f32 v5, v2  }
0xa4: {  	v4 =	vadd.f32 v6, v4  }
0xa5: {  	[tilespmem:s15+$0xB000] =	vst v2;
	v1 =	vadd.f32 v1, v3  }
0xa6: {  	[tilespmem:s15+$0xB010] =	vst v4;
	v0 =	vadd.f32 v0, v7  }
0xa7: {  	[tilespmem:s15+$0xB020] =	vst v1  }
0xa8: {  	[tilespmem:s15+$0xB030] =	vst v0  }
0xa9: {  	_ =	swait.ge [sflag:s25], $0x1900  }
0xaa: {  	[sflag:s25] =	ssyncset.done $0x0  }
0xab: {  	s15 =	simm.s32 $0x0;
	[sflag:s25] =	ssyncadd.s32 $0xFFFFE700  }
0xac: {  	v5 =	vld [tilespmem:s15+$0x3300]  }
0xad: {  	v6 =	vld [tilespmem:s15+$0x3310]  }
0xae: {  	v1 =	vld [tilespmem:s15+$0x3320]  }
0xaf: {  	v0 =	vld [tilespmem:s15+$0x3330]  }
0xb0: {  	v2 =	vld [tilespmem:s15+$0xC900]  }
0xb1: {  	v4 =	vld [tilespmem:s15+$0xC910]  }
0xb2: {  	s16 =	simm.s32 $0x100;
	v3 =	vld [tilespmem:s15+$0xC920]  }
.LBB2_13:
0xb3: {  	s17 =	sshra.s32 s16, $0x2;
	p0 =	sne.s32 s16, $0x6300;
	v7 =	vld [tilespmem:s15+$0xC930];
	v8 =	vmov v1  }
0xb4: {  	v9 =	vld [tilespmem:s17+$0x3300];
	v10 =	vmov v0  }
0xb5: {  	v11 =	vld [tilespmem:s17+$0x3310];
	v2 =	vadd.f32 v5, v2  }
.Ltmp5:
0xb6: {  	v1 =	vld [tilespmem:s17+$0x3320];
	v4 =	vadd.f32 v6, v4;
	(pc) =	sbr.rel @p0 .LBB2_13-.Ltmp5, $4  }
0xb7: {  	v0 =	vld [tilespmem:s17+$0x3330];
	[tilespmem:s15+$0xC900] =	vst v2;
	v3 =	vadd.f32 v8, v3  }
0xb8: {  	v2 =	vld [tilespmem:s17+$0xC900];
	[tilespmem:s15+$0xC910] =	vst v4;
	v7 =	vadd.f32 v10, v7  }
0xb9: {  	v4 =	vld [tilespmem:s17+$0xC910];
	[tilespmem:s15+$0xC920] =	vst v3;
	v5 =	vmov v9  }
0xba: {  	s16 =	sadd.s32 $0x100, s16;
	v3 =	vld [tilespmem:s17+$0xC920];
	[tilespmem:s15+$0xC930] =	vst v7;
	v6 =	vmov v11;
	s15 =	smov.u32 s17  }
0xbb: {  	v7 =	vld [tilespmem:s15+$0xC930];
	_ =	sdelay $0x1  }
0xbc: {  	v2 =	vadd.f32 v5, v2  }
0xbd: {  	v4 =	vadd.f32 v6, v4  }
0xbe: {  	[tilespmem:s15+$0xC900] =	vst v2;
	v1 =	vadd.f32 v1, v3  }
0xbf: {  	[tilespmem:s15+$0xC910] =	vst v4;
	v0 =	vadd.f32 v0, v7  }
0xc0: {  	[tilespmem:s15+$0xC920] =	vst v1  }
0xc1: {  	[tilespmem:s15+$0xC930] =	vst v0  }
0xc2: {  	_ =	swait.ge [sflag:s26], $0x1900  }
0xc3: {  	[sflag:s26] =	ssyncset.done $0x0  }
0xc4: {  	s15 =	simm.s32 $0x0;
	[sflag:s26] =	ssyncadd.s32 $0xFFFFE700  }
0xc5: {  	v5 =	vld [tilespmem:s15+$0x1A00]  }
0xc6: {  	v6 =	vld [tilespmem:s15+$0x1A10]  }
0xc7: {  	v1 =	vld [tilespmem:s15+$0x1A20]  }
0xc8: {  	v0 =	vld [tilespmem:s15+$0x1A30]  }
0xc9: {  	v2 =	vld [tilespmem:s15+$0xE200]  }
0xca: {  	v4 =	vld [tilespmem:s15+$0xE210]  }
0xcb: {  	s16 =	simm.s32 $0x100;
	v3 =	vld [tilespmem:s15+$0xE220]  }
.LBB2_15:
0xcc: {  	s17 =	sshra.s32 s16, $0x2;
	p0 =	sne.s32 s16, $0x6300;
	v7 =	vld [tilespmem:s15+$0xE230];
	v8 =	vmov v1  }
0xcd: {  	v9 =	vld [tilespmem:s17+$0x1A00];
	v10 =	vmov v0  }
0xce: {  	v11 =	vld [tilespmem:s17+$0x1A10];
	v2 =	vadd.f32 v5, v2  }
.Ltmp6:
0xcf: {  	v1 =	vld [tilespmem:s17+$0x1A20];
	v4 =	vadd.f32 v6, v4;
	(pc) =	sbr.rel @p0 .LBB2_15-.Ltmp6, $4  }
0xd0: {  	v0 =	vld [tilespmem:s17+$0x1A30];
	[tilespmem:s15+$0xE200] =	vst v2;
	v3 =	vadd.f32 v8, v3  }
0xd1: {  	v2 =	vld [tilespmem:s17+$0xE200];
	[tilespmem:s15+$0xE210] =	vst v4;
	v7 =	vadd.f32 v10, v7  }
0xd2: {  	v4 =	vld [tilespmem:s17+$0xE210];
	[tilespmem:s15+$0xE220] =	vst v3;
	v5 =	vmov v9  }
0xd3: {  	s16 =	sadd.s32 $0x100, s16;
	v3 =	vld [tilespmem:s17+$0xE220];
	[tilespmem:s15+$0xE230] =	vst v7;
	v6 =	vmov v11;
	s15 =	smov.u32 s17  }
0xd4: {  	v7 =	vld [tilespmem:s15+$0xE230];
	_ =	sdelay $0x1  }
0xd5: {  	v2 =	vadd.f32 v5, v2  }
0xd6: {  	v4 =	vadd.f32 v6, v4  }
0xd7: {  	[tilespmem:s15+$0xE200] =	vst v2;
	v1 =	vadd.f32 v1, v3  }
0xd8: {  	[tilespmem:s15+$0xE210] =	vst v4;
	v0 =	vadd.f32 v0, v7  }
0xd9: {  	[tilespmem:s15+$0xE220] =	vst v1  }
0xda: {  	[tilespmem:s15+$0xE230] =	vst v0  }
0xdb: {  	_ =	swait.ge [sflag:s28], $0x1900  }
0xdc: {  	[sflag:s28] =	ssyncset.done $0x0  }
0xdd: {  	s16 =	simm.s32 $0x0;
	[sflag:s28] =	ssyncadd.s32 $0xFFFFE700  }
0xde: {  	v5 =	vld [tilespmem:s16+$0x3300]  }
0xdf: {  	v6 =	vld [tilespmem:s16+$0x3310]  }
0xe0: {  	v1 =	vld [tilespmem:s16+$0x3320]  }
0xe1: {  	v0 =	vld [tilespmem:s16+$0x3330]  }
0xe2: {  	v3 =	vld [tilespmem:s16+$0xFB00]  }
0xe3: {  	v4 =	vld [tilespmem:s16+$0xFB10]  }
0xe4: {  	s15 =	simm.s32 $0x100;
	v2 =	vld [tilespmem:s16+$0xFB20]  }
.LBB2_17:
0xe5: {  	s17 =	sshra.s32 s15, $0x2;
	p0 =	sne.s32 s15, $0x6300;
	v7 =	vld [tilespmem:s16+$0xFB30];
	v8 =	vmov v1  }
0xe6: {  	v9 =	vld [tilespmem:s17+$0x3300];
	v10 =	vmov v0  }
0xe7: {  	v11 =	vld [tilespmem:s17+$0x3310];
	v3 =	vadd.f32 v5, v3  }
.Ltmp7:
0xe8: {  	v1 =	vld [tilespmem:s17+$0x3320];
	v4 =	vadd.f32 v6, v4;
	(pc) =	sbr.rel @p0 .LBB2_17-.Ltmp7, $4  }
0xe9: {  	v0 =	vld [tilespmem:s17+$0x3330];
	[tilespmem:s16+$0xFB00] =	vst v3;
	v2 =	vadd.f32 v8, v2  }
0xea: {  	v3 =	vld [tilespmem:s17+$0xFB00];
	[tilespmem:s16+$0xFB10] =	vst v4;
	v7 =	vadd.f32 v10, v7  }
0xeb: {  	v4 =	vld [tilespmem:s17+$0xFB10];
	[tilespmem:s16+$0xFB20] =	vst v2;
	v5 =	vmov v9  }
0xec: {  	s15 =	sadd.s32 $0x100, s15;
	v2 =	vld [tilespmem:s17+$0xFB20];
	[tilespmem:s16+$0xFB30] =	vst v7;
	v6 =	vmov v11;
	s16 =	smov.u32 s17  }
0xed: {  	v7 =	vld [tilespmem:s16+$0xFB30];
	_ =	sdelay $0x1  }
0xee: {  	v3 =	vadd.f32 v5, v3  }
0xef: {  	s15 =	sshll.u32 s13, $0x1;
	v4 =	vadd.f32 v6, v4  }
0xf0: {  	s15 =	sadd.s32 s6, s15;
	[tilespmem:s16+$0xFB00] =	vst v3;
	v1 =	vadd.f32 v1, v2  }
0xf1: {  	s17 =	smul.u32 $0x1900, s15;
	[tilespmem:s16+$0xFB10] =	vst v4;
	v0 =	vadd.f32 v0, v7  }
0xf2: {  	[tilespmem:s16+$0xFB20] =	vst v1  }
0xf3: {  	[tilespmem:s16+$0xFB30] =	vst v0;
	s16 =	sadd.s32 s2, s17;
	s17 =	simm.s32 $0x0  }
0xf4: {  	[hbm4b:s16+s17] =	stream.linear.scatter [tilespmem:s12], [sflag:$0x9], $0xC800, $0x38;
	[tilespmem:$0x1DC00] =	vst v63  }
0xf5: {  	s17 =	sadd.s32 $0x340, s14  }
0xf6: {  	[tilespmem:s29], [sflag:$0x1] =	stream.indirect.gather [hbm4b:s4+s11], $0x40, s17, s11, $0xb8;
	[tilespmem:$0x1DC00] =	vst v63  }
0xf7: {  	s17 =	sadd.s32 $0x3A8, s14  }
0xf8: {  	[tilespmem:s30], [sflag:$0x2] =	stream.indirect.gather [hbm4b:s4+s11], $0x40, s17, s11, $0xb8;
	[tilespmem:$0x1DC00] =	vst v63  }
0xf9: {  	s17 =	sadd.s32 $0x410, s14  }
0xfa: {  	[tilespmem:s31], [sflag:$0x3] =	stream.indirect.gather [hbm4b:s4+s11], $0x40, s17, s11, $0xb8;
	[tilespmem:$0x1DC00] =	vst v63  }
0xfb: {  	s17 =	sadd.s32 $0x478, s14  }
0xfc: {  	[tilespmem:s1], [sflag:$0x4] =	stream.indirect.gather [hbm4b:s4+s11], $0x40, s17, s11, $0xb8;
	[tilespmem:$0x1DC00] =	vst v63  }
0xfd: {  	s17 =	sadd.s32 $0x4E0, s14  }
0xfe: {  	[tilespmem:s0], [sflag:$0x5] =	stream.indirect.gather [hbm4b:s4+s11], $0x40, s17, s11, $0xb8;
	[tilespmem:$0x1DC00] =	vst v63  }
0xff: {  	s17 =	sadd.s32 $0x548, s14  }
0x100: {  	[tilespmem:s9], [sflag:$0x6] =	stream.indirect.gather [hbm4b:s4+s11], $0x40, s17, s11, $0xb8;
	[tilespmem:$0x1DC00] =	vst v63  }
0x101: {  	s17 =	sadd.s32 $0x5B0, s14  }
0x102: {  	[tilespmem:s5], [sflag:$0x7] =	stream.indirect.gather [hbm4b:s4+s11], $0x40, s17, s11, $0xb8;
	[tilespmem:$0x1DC00] =	vst v63  }
0x103: {  	s17 =	sadd.s32 $0x618, s14  }
0x104: {  	[tilespmem:s7], [sflag:$0x8] =	stream.indirect.gather [hbm4b:s4+s11], $0x40, s17, s11, $0xb8;
	[tilespmem:$0x1DC00] =	vst v63  }
0x105: {  	_ =	swait.ge [sflag:s20], $0x1900  }
0x106: {  	[sflag:s20] =	ssyncset.done $0x0  }
0x107: {  	s14 =	simm.s32 $0x0;
	[sflag:s20] =	ssyncadd.s32 $0xFFFFE700  }
0x108: {  	v5 =	vld [tilespmem:s14+$0x1A00]  }
0x109: {  	v6 =	vld [tilespmem:s14+$0x1A10]  }
0x10a: {  	v1 =	vld [tilespmem:s14+$0x1A20]  }
0x10b: {  	v0 =	vld [tilespmem:s14+$0x1A30]  }
0x10c: {  	v2 =	vld [tilespmem:s14+$0x11400]  }
0x10d: {  	v4 =	vld [tilespmem:s14+$0x11410]  }
0x10e: {  	s16 =	simm.s32 $0x100;
	v3 =	vld [tilespmem:s14+$0x11420]  }
.LBB2_19:
0x10f: {  	s17 =	sshra.s32 s16, $0x2;
	p0 =	sne.s32 s16, $0x6300;
	v7 =	vld [tilespmem:s14+$0x11430];
	v8 =	vmov v1  }
0x110: {  	v9 =	vld [tilespmem:s17+$0x1A00];
	v10 =	vmov v0  }
0x111: {  	v11 =	vld [tilespmem:s17+$0x1A10];
	v2 =	vadd.f32 v5, v2  }
.Ltmp8:
0x112: {  	v1 =	vld [tilespmem:s17+$0x1A20];
	v4 =	vadd.f32 v6, v4;
	(pc) =	sbr.rel @p0 .LBB2_19-.Ltmp8, $4  }
0x113: {  	v0 =	vld [tilespmem:s17+$0x1A30];
	[tilespmem:s14+$0x11400] =	vst v2;
	v3 =	vadd.f32 v8, v3  }
0x114: {  	v2 =	vld [tilespmem:s17+$0x11400];
	[tilespmem:s14+$0x11410] =	vst v4;
	v7 =	vadd.f32 v10, v7  }
0x115: {  	v4 =	vld [tilespmem:s17+$0x11410];
	[tilespmem:s14+$0x11420] =	vst v3;
	v5 =	vmov v9  }
0x116: {  	s16 =	sadd.s32 $0x100, s16;
	v3 =	vld [tilespmem:s17+$0x11420];
	[tilespmem:s14+$0x11430] =	vst v7;
	v6 =	vmov v11;
	s14 =	smov.u32 s17  }
0x117: {  	v7 =	vld [tilespmem:s14+$0x11430];
	_ =	sdelay $0x1  }
0x118: {  	v2 =	vadd.f32 v5, v2  }
0x119: {  	v4 =	vadd.f32 v6, v4  }
0x11a: {  	[tilespmem:s14+$0x11400] =	vst v2;
	v1 =	vadd.f32 v1, v3  }
0x11b: {  	[tilespmem:s14+$0x11410] =	vst v4;
	v0 =	vadd.f32 v0, v7  }
0x11c: {  	[tilespmem:s14+$0x11420] =	vst v1  }
0x11d: {  	[tilespmem:s14+$0x11430] =	vst v0  }
0x11e: {  	_ =	swait.ge [sflag:s21], $0x1900  }
0x11f: {  	[sflag:s21] =	ssyncset.done $0x0  }
0x120: {  	s14 =	simm.s32 $0x0;
	[sflag:s21] =	ssyncadd.s32 $0xFFFFE700  }
0x121: {  	v5 =	vld [tilespmem:s14+$0x3300]  }
0x122: {  	v6 =	vld [tilespmem:s14+$0x3310]  }
0x123: {  	v1 =	vld [tilespmem:s14+$0x3320]  }
0x124: {  	v0 =	vld [tilespmem:s14+$0x3330]  }
0x125: {  	v2 =	vld [tilespmem:s14+$0x12D00]  }
0x126: {  	v4 =	vld [tilespmem:s14+$0x12D10]  }
0x127: {  	s16 =	simm.s32 $0x100;
	v3 =	vld [tilespmem:s14+$0x12D20]  }
.LBB2_21:
0x128: {  	s17 =	sshra.s32 s16, $0x2;
	p0 =	sne.s32 s16, $0x6300;
	v7 =	vld [tilespmem:s14+$0x12D30];
	v8 =	vmov v1  }
0x129: {  	v9 =	vld [tilespmem:s17+$0x3300];
	v10 =	vmov v0  }
0x12a: {  	v11 =	vld [tilespmem:s17+$0x3310];
	v2 =	vadd.f32 v5, v2  }
.Ltmp9:
0x12b: {  	v1 =	vld [tilespmem:s17+$0x3320];
	v4 =	vadd.f32 v6, v4;
	(pc) =	sbr.rel @p0 .LBB2_21-.Ltmp9, $4  }
0x12c: {  	v0 =	vld [tilespmem:s17+$0x3330];
	[tilespmem:s14+$0x12D00] =	vst v2;
	v3 =	vadd.f32 v8, v3  }
0x12d: {  	v2 =	vld [tilespmem:s17+$0x12D00];
	[tilespmem:s14+$0x12D10] =	vst v4;
	v7 =	vadd.f32 v10, v7  }
0x12e: {  	v4 =	vld [tilespmem:s17+$0x12D10];
	[tilespmem:s14+$0x12D20] =	vst v3;
	v5 =	vmov v9  }
0x12f: {  	s16 =	sadd.s32 $0x100, s16;
	v3 =	vld [tilespmem:s17+$0x12D20];
	[tilespmem:s14+$0x12D30] =	vst v7;
	v6 =	vmov v11;
	s14 =	smov.u32 s17  }
0x130: {  	v7 =	vld [tilespmem:s14+$0x12D30];
	_ =	sdelay $0x1  }
0x131: {  	v2 =	vadd.f32 v5, v2  }
0x132: {  	v4 =	vadd.f32 v6, v4  }
0x133: {  	[tilespmem:s14+$0x12D00] =	vst v2;
	v1 =	vadd.f32 v1, v3  }
0x134: {  	[tilespmem:s14+$0x12D10] =	vst v4;
	v0 =	vadd.f32 v0, v7  }
0x135: {  	[tilespmem:s14+$0x12D20] =	vst v1  }
0x136: {  	[tilespmem:s14+$0x12D30] =	vst v0  }
0x137: {  	_ =	swait.ge [sflag:s22], $0x1900  }
0x138: {  	[sflag:s22] =	ssyncset.done $0x0  }
0x139: {  	s14 =	simm.s32 $0x0;
	[sflag:s22] =	ssyncadd.s32 $0xFFFFE700  }
0x13a: {  	v5 =	vld [tilespmem:s14+$0x1A00]  }
0x13b: {  	v6 =	vld [tilespmem:s14+$0x1A10]  }
0x13c: {  	v1 =	vld [tilespmem:s14+$0x1A20]  }
0x13d: {  	v0 =	vld [tilespmem:s14+$0x1A30]  }
0x13e: {  	v2 =	vld [tilespmem:s14+$0x14600]  }
0x13f: {  	v4 =	vld [tilespmem:s14+$0x14610]  }
0x140: {  	s16 =	simm.s32 $0x100;
	v3 =	vld [tilespmem:s14+$0x14620]  }
.LBB2_23:
0x141: {  	s17 =	sshra.s32 s16, $0x2;
	p0 =	sne.s32 s16, $0x6300;
	v7 =	vld [tilespmem:s14+$0x14630];
	v8 =	vmov v1  }
0x142: {  	v9 =	vld [tilespmem:s17+$0x1A00];
	v10 =	vmov v0  }
0x143: {  	v11 =	vld [tilespmem:s17+$0x1A10];
	v2 =	vadd.f32 v5, v2  }
.Ltmp10:
0x144: {  	v1 =	vld [tilespmem:s17+$0x1A20];
	v4 =	vadd.f32 v6, v4;
	(pc) =	sbr.rel @p0 .LBB2_23-.Ltmp10, $4  }
0x145: {  	v0 =	vld [tilespmem:s17+$0x1A30];
	[tilespmem:s14+$0x14600] =	vst v2;
	v3 =	vadd.f32 v8, v3  }
0x146: {  	v2 =	vld [tilespmem:s17+$0x14600];
	[tilespmem:s14+$0x14610] =	vst v4;
	v7 =	vadd.f32 v10, v7  }
0x147: {  	v4 =	vld [tilespmem:s17+$0x14610];
	[tilespmem:s14+$0x14620] =	vst v3;
	v5 =	vmov v9  }
0x148: {  	s16 =	sadd.s32 $0x100, s16;
	v3 =	vld [tilespmem:s17+$0x14620];
	[tilespmem:s14+$0x14630] =	vst v7;
	v6 =	vmov v11;
	s14 =	smov.u32 s17  }
0x149: {  	v7 =	vld [tilespmem:s14+$0x14630];
	_ =	sdelay $0x1  }
0x14a: {  	v2 =	vadd.f32 v5, v2  }
0x14b: {  	v4 =	vadd.f32 v6, v4  }
0x14c: {  	[tilespmem:s14+$0x14600] =	vst v2;
	v1 =	vadd.f32 v1, v3  }
0x14d: {  	[tilespmem:s14+$0x14610] =	vst v4;
	v0 =	vadd.f32 v0, v7  }
0x14e: {  	[tilespmem:s14+$0x14620] =	vst v1  }
0x14f: {  	[tilespmem:s14+$0x14630] =	vst v0  }
0x150: {  	_ =	swait.ge [sflag:s23], $0x1900  }
0x151: {  	[sflag:s23] =	ssyncset.done $0x0  }
0x152: {  	s14 =	simm.s32 $0x0;
	[sflag:s23] =	ssyncadd.s32 $0xFFFFE700  }
0x153: {  	v5 =	vld [tilespmem:s14+$0x3300]  }
0x154: {  	v6 =	vld [tilespmem:s14+$0x3310]  }
0x155: {  	v1 =	vld [tilespmem:s14+$0x3320]  }
0x156: {  	v0 =	vld [tilespmem:s14+$0x3330]  }
0x157: {  	v2 =	vld [tilespmem:s14+$0x15F00]  }
0x158: {  	v4 =	vld [tilespmem:s14+$0x15F10]  }
0x159: {  	s16 =	simm.s32 $0x100;
	v3 =	vld [tilespmem:s14+$0x15F20]  }
.LBB2_25:
0x15a: {  	s17 =	sshra.s32 s16, $0x2;
	p0 =	sne.s32 s16, $0x6300;
	v7 =	vld [tilespmem:s14+$0x15F30];
	v8 =	vmov v1  }
0x15b: {  	v9 =	vld [tilespmem:s17+$0x3300];
	v10 =	vmov v0  }
0x15c: {  	v11 =	vld [tilespmem:s17+$0x3310];
	v2 =	vadd.f32 v5, v2  }
.Ltmp11:
0x15d: {  	v1 =	vld [tilespmem:s17+$0x3320];
	v4 =	vadd.f32 v6, v4;
	(pc) =	sbr.rel @p0 .LBB2_25-.Ltmp11, $4  }
0x15e: {  	v0 =	vld [tilespmem:s17+$0x3330];
	[tilespmem:s14+$0x15F00] =	vst v2;
	v3 =	vadd.f32 v8, v3  }
0x15f: {  	v2 =	vld [tilespmem:s17+$0x15F00];
	[tilespmem:s14+$0x15F10] =	vst v4;
	v7 =	vadd.f32 v10, v7  }
0x160: {  	v4 =	vld [tilespmem:s17+$0x15F10];
	[tilespmem:s14+$0x15F20] =	vst v3;
	v5 =	vmov v9  }
0x161: {  	s16 =	sadd.s32 $0x100, s16;
	v3 =	vld [tilespmem:s17+$0x15F20];
	[tilespmem:s14+$0x15F30] =	vst v7;
	v6 =	vmov v11;
	s14 =	smov.u32 s17  }
0x162: {  	v7 =	vld [tilespmem:s14+$0x15F30];
	_ =	sdelay $0x1  }
0x163: {  	v2 =	vadd.f32 v5, v2  }
0x164: {  	v4 =	vadd.f32 v6, v4  }
0x165: {  	[tilespmem:s14+$0x15F00] =	vst v2;
	v1 =	vadd.f32 v1, v3  }
0x166: {  	[tilespmem:s14+$0x15F10] =	vst v4;
	v0 =	vadd.f32 v0, v7  }
0x167: {  	[tilespmem:s14+$0x15F20] =	vst v1  }
0x168: {  	[tilespmem:s14+$0x15F30] =	vst v0  }
0x169: {  	_ =	swait.ge [sflag:s24], $0x1900  }
0x16a: {  	[sflag:s24] =	ssyncset.done $0x0  }
0x16b: {  	s14 =	simm.s32 $0x0;
	[sflag:s24] =	ssyncadd.s32 $0xFFFFE700  }
0x16c: {  	v5 =	vld [tilespmem:s14+$0x1A00]  }
0x16d: {  	v6 =	vld [tilespmem:s14+$0x1A10]  }
0x16e: {  	v1 =	vld [tilespmem:s14+$0x1A20]  }
0x16f: {  	v0 =	vld [tilespmem:s14+$0x1A30]  }
0x170: {  	v2 =	vld [tilespmem:s14+$0x17800]  }
0x171: {  	v4 =	vld [tilespmem:s14+$0x17810]  }
0x172: {  	s16 =	simm.s32 $0x100;
	v3 =	vld [tilespmem:s14+$0x17820]  }
.LBB2_27:
0x173: {  	s17 =	sshra.s32 s16, $0x2;
	p0 =	sne.s32 s16, $0x6300;
	v7 =	vld [tilespmem:s14+$0x17830];
	v8 =	vmov v1  }
0x174: {  	v9 =	vld [tilespmem:s17+$0x1A00];
	v10 =	vmov v0  }
0x175: {  	v11 =	vld [tilespmem:s17+$0x1A10];
	v2 =	vadd.f32 v5, v2  }
.Ltmp12:
0x176: {  	v1 =	vld [tilespmem:s17+$0x1A20];
	v4 =	vadd.f32 v6, v4;
	(pc) =	sbr.rel @p0 .LBB2_27-.Ltmp12, $4  }
0x177: {  	v0 =	vld [tilespmem:s17+$0x1A30];
	[tilespmem:s14+$0x17800] =	vst v2;
	v3 =	vadd.f32 v8, v3  }
0x178: {  	v2 =	vld [tilespmem:s17+$0x17800];
	[tilespmem:s14+$0x17810] =	vst v4;
	v7 =	vadd.f32 v10, v7  }
0x179: {  	v4 =	vld [tilespmem:s17+$0x17810];
	[tilespmem:s14+$0x17820] =	vst v3;
	v5 =	vmov v9  }
0x17a: {  	s16 =	sadd.s32 $0x100, s16;
	v3 =	vld [tilespmem:s17+$0x17820];
	[tilespmem:s14+$0x17830] =	vst v7;
	v6 =	vmov v11;
	s14 =	smov.u32 s17  }
0x17b: {  	v7 =	vld [tilespmem:s14+$0x17830];
	_ =	sdelay $0x1  }
0x17c: {  	v2 =	vadd.f32 v5, v2  }
0x17d: {  	v4 =	vadd.f32 v6, v4  }
0x17e: {  	[tilespmem:s14+$0x17800] =	vst v2;
	v1 =	vadd.f32 v1, v3  }
0x17f: {  	[tilespmem:s14+$0x17810] =	vst v4;
	v0 =	vadd.f32 v0, v7  }
0x180: {  	[tilespmem:s14+$0x17820] =	vst v1  }
0x181: {  	[tilespmem:s14+$0x17830] =	vst v0  }
0x182: {  	_ =	swait.ge [sflag:s25], $0x1900  }
0x183: {  	[sflag:s25] =	ssyncset.done $0x0  }
0x184: {  	s14 =	simm.s32 $0x0;
	[sflag:s25] =	ssyncadd.s32 $0xFFFFE700  }
0x185: {  	v5 =	vld [tilespmem:s14+$0x3300]  }
0x186: {  	v6 =	vld [tilespmem:s14+$0x3310]  }
0x187: {  	v1 =	vld [tilespmem:s14+$0x3320]  }
0x188: {  	v0 =	vld [tilespmem:s14+$0x3330]  }
0x189: {  	v2 =	vld [tilespmem:s14+$0x19100]  }
0x18a: {  	v4 =	vld [tilespmem:s14+$0x19110]  }
0x18b: {  	s16 =	simm.s32 $0x100;
	v3 =	vld [tilespmem:s14+$0x19120]  }
.LBB2_29:
0x18c: {  	s17 =	sshra.s32 s16, $0x2;
	p0 =	sne.s32 s16, $0x6300;
	v7 =	vld [tilespmem:s14+$0x19130];
	v8 =	vmov v1  }
0x18d: {  	v9 =	vld [tilespmem:s17+$0x3300];
	v10 =	vmov v0  }
0x18e: {  	v11 =	vld [tilespmem:s17+$0x3310];
	v2 =	vadd.f32 v5, v2  }
.Ltmp13:
0x18f: {  	v1 =	vld [tilespmem:s17+$0x3320];
	v4 =	vadd.f32 v6, v4;
	(pc) =	sbr.rel @p0 .LBB2_29-.Ltmp13, $4  }
0x190: {  	v0 =	vld [tilespmem:s17+$0x3330];
	[tilespmem:s14+$0x19100] =	vst v2;
	v3 =	vadd.f32 v8, v3  }
0x191: {  	v2 =	vld [tilespmem:s17+$0x19100];
	[tilespmem:s14+$0x19110] =	vst v4;
	v7 =	vadd.f32 v10, v7  }
0x192: {  	v4 =	vld [tilespmem:s17+$0x19110];
	[tilespmem:s14+$0x19120] =	vst v3;
	v5 =	vmov v9  }
0x193: {  	s16 =	sadd.s32 $0x100, s16;
	v3 =	vld [tilespmem:s17+$0x19120];
	[tilespmem:s14+$0x19130] =	vst v7;
	v6 =	vmov v11;
	s14 =	smov.u32 s17  }
0x194: {  	v7 =	vld [tilespmem:s14+$0x19130];
	_ =	sdelay $0x1  }
0x195: {  	v2 =	vadd.f32 v5, v2  }
0x196: {  	v4 =	vadd.f32 v6, v4  }
0x197: {  	[tilespmem:s14+$0x19100] =	vst v2;
	v1 =	vadd.f32 v1, v3  }
0x198: {  	[tilespmem:s14+$0x19110] =	vst v4;
	v0 =	vadd.f32 v0, v7  }
0x199: {  	[tilespmem:s14+$0x19120] =	vst v1  }
0x19a: {  	[tilespmem:s14+$0x19130] =	vst v0  }
0x19b: {  	_ =	swait.ge [sflag:s26], $0x1900  }
0x19c: {  	[sflag:s26] =	ssyncset.done $0x0  }
0x19d: {  	s14 =	simm.s32 $0x0;
	[sflag:s26] =	ssyncadd.s32 $0xFFFFE700  }
0x19e: {  	v5 =	vld [tilespmem:s14+$0x1A00]  }
0x19f: {  	v6 =	vld [tilespmem:s14+$0x1A10]  }
0x1a0: {  	v1 =	vld [tilespmem:s14+$0x1A20]  }
0x1a1: {  	v0 =	vld [tilespmem:s14+$0x1A30]  }
0x1a2: {  	v2 =	vld [tilespmem:s14+$0x1AA00]  }
0x1a3: {  	v4 =	vld [tilespmem:s14+$0x1AA10]  }
0x1a4: {  	s16 =	simm.s32 $0x100;
	v3 =	vld [tilespmem:s14+$0x1AA20]  }
.LBB2_31:
0x1a5: {  	s17 =	sshra.s32 s16, $0x2;
	p0 =	sne.s32 s16, $0x6300;
	v7 =	vld [tilespmem:s14+$0x1AA30];
	v8 =	vmov v1  }
0x1a6: {  	v9 =	vld [tilespmem:s17+$0x1A00];
	v10 =	vmov v0  }
0x1a7: {  	v11 =	vld [tilespmem:s17+$0x1A10];
	v2 =	vadd.f32 v5, v2  }
.Ltmp14:
0x1a8: {  	v1 =	vld [tilespmem:s17+$0x1A20];
	v4 =	vadd.f32 v6, v4;
	(pc) =	sbr.rel @p0 .LBB2_31-.Ltmp14, $4  }
0x1a9: {  	v0 =	vld [tilespmem:s17+$0x1A30];
	[tilespmem:s14+$0x1AA00] =	vst v2;
	v3 =	vadd.f32 v8, v3  }
0x1aa: {  	v2 =	vld [tilespmem:s17+$0x1AA00];
	[tilespmem:s14+$0x1AA10] =	vst v4;
	v7 =	vadd.f32 v10, v7  }
0x1ab: {  	v4 =	vld [tilespmem:s17+$0x1AA10];
	[tilespmem:s14+$0x1AA20] =	vst v3;
	v5 =	vmov v9  }
0x1ac: {  	s16 =	sadd.s32 $0x100, s16;
	v3 =	vld [tilespmem:s17+$0x1AA20];
	[tilespmem:s14+$0x1AA30] =	vst v7;
	v6 =	vmov v11;
	s14 =	smov.u32 s17  }
0x1ad: {  	v7 =	vld [tilespmem:s14+$0x1AA30];
	_ =	sdelay $0x1  }
0x1ae: {  	v2 =	vadd.f32 v5, v2  }
0x1af: {  	v4 =	vadd.f32 v6, v4  }
0x1b0: {  	[tilespmem:s14+$0x1AA00] =	vst v2;
	v1 =	vadd.f32 v1, v3  }
0x1b1: {  	[tilespmem:s14+$0x1AA10] =	vst v4;
	v0 =	vadd.f32 v0, v7  }
0x1b2: {  	[tilespmem:s14+$0x1AA20] =	vst v1  }
0x1b3: {  	[tilespmem:s14+$0x1AA30] =	vst v0  }
0x1b4: {  	_ =	swait.ge [sflag:s28], $0x1900  }
0x1b5: {  	[sflag:s28] =	ssyncset.done $0x0  }
0x1b6: {  	s14 =	simm.s32 $0x0;
	[sflag:s28] =	ssyncadd.s32 $0xFFFFE700  }
0x1b7: {  	v5 =	vld [tilespmem:s14+$0x3300]  }
0x1b8: {  	v6 =	vld [tilespmem:s14+$0x3310]  }
0x1b9: {  	v1 =	vld [tilespmem:s14+$0x3320]  }
0x1ba: {  	v0 =	vld [tilespmem:s14+$0x3330]  }
0x1bb: {  	v3 =	vld [tilespmem:s14+$0x1C300]  }
0x1bc: {  	v4 =	vld [tilespmem:s14+$0x1C310]  }
0x1bd: {  	s16 =	simm.s32 $0x100;
	v2 =	vld [tilespmem:s14+$0x1C320]  }
.LBB2_33:
0x1be: {  	s17 =	sshra.s32 s16, $0x2;
	p0 =	sne.s32 s16, $0x6300;
	v7 =	vld [tilespmem:s14+$0x1C330];
	v8 =	vmov v1  }
0x1bf: {  	v9 =	vld [tilespmem:s17+$0x3300];
	v10 =	vmov v0  }
0x1c0: {  	v11 =	vld [tilespmem:s17+$0x3310];
	v3 =	vadd.f32 v5, v3  }
.Ltmp15:
0x1c1: {  	v1 =	vld [tilespmem:s17+$0x3320];
	v4 =	vadd.f32 v6, v4;
	(pc) =	sbr.rel @p0 .LBB2_33-.Ltmp15, $4  }
0x1c2: {  	v0 =	vld [tilespmem:s17+$0x3330];
	[tilespmem:s14+$0x1C300] =	vst v3;
	v2 =	vadd.f32 v8, v2  }
0x1c3: {  	v3 =	vld [tilespmem:s17+$0x1C300];
	[tilespmem:s14+$0x1C310] =	vst v4;
	v7 =	vadd.f32 v10, v7  }
0x1c4: {  	v4 =	vld [tilespmem:s17+$0x1C310];
	[tilespmem:s14+$0x1C320] =	vst v2;
	v5 =	vmov v9  }
0x1c5: {  	s16 =	sadd.s32 $0x100, s16;
	v2 =	vld [tilespmem:s17+$0x1C320];
	[tilespmem:s14+$0x1C330] =	vst v7;
	v6 =	vmov v11;
	s14 =	smov.u32 s17  }
0x1c6: {  	v7 =	vld [tilespmem:s14+$0x1C330];
	_ =	sdelay $0x1  }
0x1c7: {  	v3 =	vadd.f32 v5, v3  }
0x1c8: {  	s15 =	smul.u32 $0xC800, s15;
	v4 =	vadd.f32 v6, v4  }
0x1c9: {  	[tilespmem:s14+$0x1C300] =	vst v3;
	v1 =	vadd.f32 v1, v2  }
0x1ca: {  	s15 =	sshrl.u32 s15, $0x3;
	[tilespmem:s14+$0x1C310] =	vst v4;
	v0 =	vadd.f32 v0, v7  }
0x1cb: {  	s15 =	sadd.s32 s2, s15;
	[tilespmem:s14+$0x1C320] =	vst v1  }
0x1cc: {  	s13 =	sadd.s32 $0x1, s13;
	s17 =	sadd.s32 $0x1900, s15;
	[tilespmem:s14+$0x1C330] =	vst v0  }
0x1cd: {  	[hbm4b:s17+s3] =	stream.linear.scatter [tilespmem:s29], [sflag:$0xA], $0xC800, $0x38;
	[tilespmem:$0x1DC00] =	vst v63  }
0x1ce: {  	p0 =	sne.s32 s13, $0x4;
	_ =	swait.ge [sflag:s8], $0xC800  }
.Ltmp16:
0x1cf: {  	[sflag:s8] =	ssyncset.done $0x0;
	(pc) =	sbr.rel @p0 .LBB2_2-.Ltmp16, $4  }
0x1d0: {  	[sflag:s8] =	ssyncadd.s32 $0xFFFF3800  }
0x1d1: {  	_ =	swait.ge [sflag:s10], $0xC800  }
0x1d2: {  	[sflag:s10] =	ssyncset.done $0x0  }
0x1d3: {  	[sflag:s10] =	ssyncadd.s32 $0xFFFF3800  }
0x1d4: {  	s14 =	rddreg [dreg:$0x6]  }
0x1d5: {  	s13 =	rddreg [dreg:$0x5];
	s14 =	sadd.s32 $0x1, s14  }
0x1d6: {  	p0 =	sne.s32 s14, s13  }
.Ltmp17:
0x1d7: {  	_ = 	snop;
	(pc) =	sbr.rel @p0 .LBB2_1-.Ltmp17, $1  }
0x1d8: {  	_ =	sdelay $0x3  }
0x1d9: {  	_ =	sfence.sel $0x180000  }
0x1da: {  	[bflag:$0x0] =	sbarrier.arrive $0xFFFF  }
0x1db: {  	_ =	strace $0x90000047  }
0x1dc: {  	s0 =	stileid.u32;
	[bflag:$0x2] =	sbarrier.arrive $0xFFFF  }
0x1dd: {  	p0 =	sne.s32 s0, $0x0;
	s0 =	rddreg [dreg:$0x2]  }
0x1de: {  	s0 =	sadd.s32 @!p0 $0x100000, s0  }
0x1df: {  	[sflag:s0] =	ssyncadd.tile.s32 @!p0 $0x1;
	_ =	shalt  }
.Lfunc_end2:
_tile_overlayer_lowered:
.L_overlay_start_2:
0x1e0: {  	(tag) =	ssettag $0x2  }
0x1e1: {  	s0 =	rddreg [dreg:$0x0];
	s2 =	stileid.u32  }
0x1e2: {  	s1 =	rddreg [dreg:$0x1];
	p0 =	sne.s32 s2, $0x0  }
0x1e3: {  	s3 =	rddreg [dreg:$0x2];
	[bflag:$0x3] =	sbarrier.arrive $0xFFFF;
	s2 =	simm.s32 @!p0 $0x1C0B  }
0x1e4: {  	[timem:s3], [sflag:s2] =	dma.local @!p0 [hbm:s0], s1  }
0x1e5: {  	s0 =	simm.s32 @!p0 $0xB  }
0x1e6: {  	_ =	swait.ge @!p0 [sflag:s0], s1  }
0x1e7: {  	s1 =	ssub.s32 @!p0 $0x0, s1;
	[sflag:s0] =	ssyncset.done @!p0 $0x0  }
0x1e8: {  	[sflag:s0] =	ssyncadd.s32 @!p0 s1  }
0x1e9: {  	[bflag:$0x3] =	sbarrier.arrive $0xFFFF  }
0x1ea: {  	_ =	shalt  }

// kernel: sparse-core-data-format-call.cloned.1.call-start
scs
called_computation_lowered:
.L_overlay_start_0:
0x0: {  	s2 =	sld [smem:$0x3FD9]  }
0x1: {  	s3 =	sld [smem:$0x3FFE];
	_ =	sdelay $0x1  }
0x2: {  	s1 =	srdreg.scid  }
0x3: {  	s0 =	sand.u32 $0x1, s1  }
0x4: {  	s18 =	sshll.u32 s0, $0xA;
	s2 =	sadd.s32 s3, s2  }
0x5: {  	s2 =	sadd.s32 s2, s18  }
0x6: {  	[smem:$0x3FC5] =	sst s2  }
0x7: {  	_ = 	snop  }
0x8: {  	s2 =	sld [smem:$0x3FD0];
	(tm) =	ssettm $0x1  }
0x9: {  	s19 =	sld [smem:$0x3FFB];
	_ =	sdelay $0x3  }
0xa: {  	_ =	strace s19  }
0xb: {  	s3 =	sld [smem:$0x3FFC];
	_ =	sdelay $0x3  }
0xc: {  	_ =	strace s3  }
0xd: {  	s3 =	sld [smem:$0x3FFD];
	_ =	sdelay $0x3  }
0xe: {  	_ =	strace s3  }
0xf: {  	_ =	strace $0x8FFFFFFF  }
0x10: {  	s20 =	sld [smem:$0x3FDB];
	_ =	sdelay $0x1  }
0x11: {  	s4 =	simm.s32 $_scs_section_size  }
0x12: {  	s5 =	simm.s32 $_size__tile_overlayer_lowered;
	s6 =	simm.s32 $_tile_overlayer_lowered  }
0x13: {  	s23 =	simm.s32 $0x1BFF;
	s22 =	sshll.u32 s6, $0x1;
	s3 =	sadd.s32 s4, s20  }
0x14: {  	s7 =	simm.s32 $0x0;
	s21 =	sshll.u32 s5, $0x1;
	s5 =	sadd.s32 s22, s3  }
0x15: {  	[timem:s7], [sflag:s23] =	dma.local [hbm:s5], s21  }
0x16: {  	_ =	swait.ge [sflag:s23], s21  }
0x17: {  	s4 =	ssub.s32 $0x0, s21;
	[sflag:s23] =	ssyncset.done $0x0  }
0x18: {  	[sflag:s23] =	ssyncadd.s32 s4;
	_ =	sdelay $0x1  }
0x19: {  	s24 =	simm.s32 $0x1B8B  }
0x1a: {  	_ =	swait.ge [sflag:s24], $0x1  }
0x1b: {  	[sflag:s24] =	ssyncset.done $0x0  }
0x1c: {  	s26 =	simm.s32 $0x1B8E;
	s25 =	sld [smem:$0x3FFE];
	[sflag:s24] =	ssyncadd.s32 $0xFFFFFFFF  }
0x1d: {  	s27 =	simm.s32 $execute0_lowered;
	[smem:$0x3FD2] =	sst s26  }
0x1e: {  	s5 =	sshll.u32 s27, $0x1;
	_ =	strace $0x80000049;
	[dreg:$0x1] =	wrdreg $0xFFFFFFFF  }
0x1f: {  	s28 =	simm.s32 $_size_execute0_lowered;
	s3 =	sadd.s32 s3, s5;
	[dreg:$0x0] =	wrdreg $0x0  }
0x20: {  	s5 =	sshll.u32 s28, $0x1;
	[dreg:$0x2] =	wrdreg s3  }
0x21: {  	[dreg:$0x3] =	wrdreg s5  }
0x22: {  	[dreg:$0x4] =	wrdreg $0xC0  }
0x23: {  	_ =	task [dreg:s7], $0x5FFFF  }
0x24: {  	[dreg:$0x1] =	wrdreg $0xFFFFFFFF  }
0x25: {  	[dreg:$0x0] =	wrdreg $0x60  }
0x26: {  	[dreg:$0x2] =	wrdreg s25  }
0x27: {  	[dreg:$0x3] =	wrdreg s2  }
0x28: {  	[dreg:$0x4] =	wrdreg $0x9  }
0x29: {  	_ =	task.clear_ibuf [dreg:s7], $0x5FFFF;
	_ =	strace $0x90000049  }
0x2a: {  	s29 =	simm.s32 $0x9;
	_ =	strace $0x8000004B  }
0x2b: {  	_ =	swait.ge [sflag:s29], $0x1  }
0x2c: {  	[sflag:s29] =	ssyncadd.s32 $0xFFFFFFFF  }
0x2d: {  	_ =	strace $0x9000004B  }
0x2e: {  	_ =	sfence  }
0x2f: {  	s30 =	sld [smem:$0x0];
	_ =	sdelay $0x2  }
0x30: {  	s31 =	sshll.u32 s1, $0xD;
	s1 =	sshrl.u32 s1, $0x2  }
0x31: {  	s3 =	sand.u32 $0x4000, s31;
	s1 =	sadd.s32 s1, s30  }
0x32: {  	s0 =	sor.u32 s3, s0;
	s1 =	sshll.u32 s1, $0x11  }
0x33: {  	s0 =	sor.u32 s1, s0  }
0x34: {  	s0 =	sadd.s32 $0x8F2B, s0  }
0x35: {  	[sflag:s0] =	ssyncadd.remote.s32 $0x1  }
0x36: {  	_ =	sfence.sel $0xFFFF  }
0x37: {  	[dreg:$0x0] =	wrdreg $0xFFFFFFFF;
	(pc) =	sbr.abs _section_cstart, $3  }
0x38: {  	[dreg:$0x1] =	wrdreg $0xFFFFFFFF  }
0x39: {  	_ =	task.clear_ibuf [dreg:s7], $0x2FFFF;
	_ =	strace $0x9FFFFFFF  }
0x3a: {  	(tm) =	ssettm $0x7FFFFFFF  }
0x3b: {  	_ =	shalt  }
tec
execute0_lowered:
.L_overlay_start_1:
0x0: {  	(tag) =	ssettag $0x1  }
0x1: {  	s0 =	stileid.u32;
	s6 =	rddreg [dreg:$0x0]  }
0x2: {  	s2 =	rddreg [dreg:$0x1];
	s5 =	srdreg.scid  }
0x3: {  	s31 =	simm.s32 $0x2;
	s13 =	simm.s32 $0x0;
	s1 =	sshll.u32 s0, $0x7  }
0x4: {  	s14 =	simm.s32 $0x0;
	s12 =	simm.s32 $0x0;
	s3 =	sand.u32 $0x380, s1  }
0x5: {  	s5 =	sshll.u32 s5, $0x4;
	s6 =	sadd.s32 $0x800, s6;
	s4 =	ssub.s32 $0x400, s3  }
0x6: {  	s1 =	rddreg [dreg:$0x2];
	_ =	strace $0x8000004A;
	s7 =	sand.u32 $0x380, s4  }
0x7: {  	s5 =	sand.u32 $0x10, s5;
	p0 =	sne.s32 s7, $0x0;
	s7 =	simm.s32 $0x1  }
.Ltmp0:
0x8: {  	s8 =	sshrl.u32 s4, $0xA;
	s7 =	simm.s32 @!p0 $0x0;
	(pc) =	sbr.rel .LBB1_1-.Ltmp0, $4  }
0x9: {  	s9 =	sor.u32 s0, s5;
	s4 =	simm.s32 $0x1;
	s30 =	sadd.s32 s7, s8  }
0xa: {  	s11 =	smov.u32 s3;
	[sflag:s4] =	ssyncpa.u1 $0x0;
	s5 =	smul.u32 $0x32, s30  }
0xb: {  	[sflag:s31] =	ssyncpa.u1 $0x0;
	p0 =	por $0x0, $0x0;
	s7 =	sshrl.u32 s9, $0x3  }
0xc: {  	s9 =	simm.s32 $0x2000;
	s10 =	smov.u32 s7;
	s8 =	sor.u32 $0x1, s5  }
.LBB1_4:
0xd: {  	s17 =	sand.u32 $0x1F80, s14;
	s13 =	sshll.u32 s13, $0xD  }
0xe: {  	[tilespmem:s16+$0x810 ss:$0x81] =	vst.msk $0xffff, v2;
	s18 =	sshrl.u32 s14, $0x3;
	s31 =	sand.u32 $0x7, s14;
	s17 =	sadd.s32 s2, s17  }
0xf: {  	[tilespmem:s16+$0x1020 ss:$0x81] =	vst.msk $0xffff, v0;
	s18 =	sand.u32 $0xF, s18;
	s14 =	sshll.u32 s31, $0x12;
	s13 =	sadd.s32 s13, s17  }
0x10: {  	[tilespmem:s16+$0x0 ss:$0x81] =	vst.msk $0xffff, v1;
	s14 =	sor.u32 $0x400, s14;
	s13 =	sadd.s32 s18, s13  }
0x11: {  	[hbm4b:s13+s14] =	stream.strided.scatter [tilespmem:s15], [sflag:$0x2], $0x2000, s9, s14, $0x20;
	[tilespmem:$0x8080] =	vst v63  }
.LBB1_5:
0x12: {  	s15 =	sadd.s32 $0x4, s10  }
0x13: {  	s13 =	sadd.s32 $0x400, s11;
	s17 =	smov.u32 s11;
	p2 =	sgt.s32 s15, $0xC7  }
0x14: {  	s17 =	smov.u32 @p2 s13  }
0x15: {  	s15 =	smov.u32 @p2 s7;
	p2 =	sgt.s32 s17, $0x3FF  }
0x16: {  	s17 =	smov.u32 @p2 s3;
	p2 =	sne.s32 s12, s8  }
.Ltmp1:
0x17: {  	p1 =	slt.u32 s12, $0x2;
	(pc) =	sbr.rel @!p2 .LBB1_6-.Ltmp1, $4  }
0x18: {  	s16 =	simm.s32 @!p1 $0x2  }
0x19: {  	s14 =	smov.u32 s11;
	p0 =	por !p0, !p0;
	_ =	swait.ge @!p1 [sflag:s16], $0x2000  }
0x1a: {  	s13 =	smov.u32 s10;
	[sflag:s16] =	ssyncset.done @!p1 $0x0;
	s10 =	smov.u32 s15  }
0x1b: {  	s12 =	sadd.s32 $0x1, s12;
	[sflag:s16] =	ssyncadd.s32 @!p1 $0xFFFFE000;
	s11 =	smov.u32 s17  }
.LBB1_1:
0x1c: {  	p1 =	sge.u32 s12, s5  }
0x1d: {  	s15 =	sand.u32 @!p1 $0x1FFFFFF, s10  }
0x1e: {  	s16 =	smulhi.u32 @!p1 $0x147AE15, s15;
	_ =	sdelay $0x1  }
0x1f: {  	s16 =	smul.u32 @!p1 $0xC8, s16  }
0x20: {  	s17 =	sxor.u32 @!p1 $0xFFFFFFFF, s12;
	s18 =	smul.u32 @!p1 $0xC80, s11  }
0x21: {  	s31 =	sadd.s32 $0xFFFFFFFF, s12;
	s17 =	sshll.u32 @!p1 s17, $0xD;
	s15 =	ssub.s32 @!p1 s15, s16  }
0x22: {  	s16 =	sand.u32 @!p1 $0x2000, s17;
	s17 =	sadd.s32 @!p1 s6, s18;
	s15 =	sshll.u32 @!p1 s15, $0x4  }
0x23: {  	s18 =	simm.s32 @!p1 $0x6400;
	s15 =	sadd.s32 @!p1 s15, s17;
	s17 =	simm.s32 @!p1 $0x40  }
0x24: {  	[tilespmem:s16], [sflag:$0x1] =	stream.strided.gather @!p1 [hbm4b:s15+s17], $0x2000, s18, s17, $0x38;
	[tilespmem:$0x8080] =	vst v63  }
0x25: {  	p1 =	sge.u32 s31, s5  }
.Ltmp2:
0x26: {  	_ = 	snop;
	(pc) =	sbr.rel @p1 .LBB1_5-.Ltmp2, $1  }
0x27: {  	_ =	sdelay $0x3  }
0x28: {  	s15 =	simm.s32 $0x1  }
0x29: {  	_ =	swait.ge [sflag:s4], $0x2000;
	s15 =	simm.s32 @!p0 $0x0  }
0x2a: {  	[sflag:s4] =	ssyncset.done $0x0;
	s16 =	sshll.u32 s15, $0xD  }
0x2b: {  	[sflag:s4] =	ssyncadd.s32 $0xFFFFE000;
	s19 =	sor.u32 $0x20, s16  }
0x2c: {  	s15 =	smul.u32 $0x8100, s15;
	v3 =	vld [tilespmem:s19+$0x10]  }
0x2d: {  	s30 =	sand.u32 $0x1, s12;
	v2 =	vld [tilespmem:s19+$0xFFFFFFF0]  }
0x2e: {  	s16 =	smul.u32 $0x8100, s30;
	s15 =	sshrl.u32 s15, $0x2;
	v0 =	vld [tilespmem:s19+$0x0]  }
0x2f: {  	v1 =	vld [tilespmem:s19+$0xFFFFFFE0];
	s17 =	sor.u32 $0x4000, s15  }
0x30: {  	s31 =	sshrl.u32 s16, $0x2;
	s16 =	sadd.s32 $0x0, s17  }
0x31: {  	s18 =	simm.s32 $0x4;
	s19 =	sadd.s32 $0x40, s19;
	s15 =	sor.u32 $0x4000, s31;
	[tilespmem:s16+$0x1830 ss:$0x81] =	vst.msk $0xffff, v3  }
.LBB1_3:
0x32: {  	v3 =	vld [tilespmem:s19+$0x10];
	p1 =	sne.s32 s18, $0x1FC;
	[tilespmem:s16+$0x810 ss:$0x81] =	vst.msk $0xffff, v2;
	s20 =	smov.u32 s18;
	s18 =	sadd.s32 $0x4, s18  }
.Ltmp3:
0x33: {  	v2 =	vld [tilespmem:s19+$0xFFFFFFF0];
	[tilespmem:s16+$0x1020 ss:$0x81] =	vst.msk $0xffff, v0;
	(pc) =	sbr.rel @p1 .LBB1_3-.Ltmp3, $4  }
0x34: {  	v0 =	vld [tilespmem:s19+$0x0];
	[tilespmem:s16+$0x0 ss:$0x81] =	vst.msk $0xffff, v1  }
0x35: {  	s16 =	sshra.s32 s20, $0x2;
	v1 =	vld [tilespmem:s19+$0xFFFFFFE0]  }
0x36: {  	s16 =	sadd.s32 s16, s17  }
0x37: {  	s19 =	sadd.s32 $0x40, s19;
	[tilespmem:s16+$0x1830 ss:$0x81] =	vst.msk $0xffff, v3  }
.Ltmp4:
0x38: {  	_ = 	snop;
	(pc) =	sbr.rel .LBB1_4-.Ltmp4, $1  }
0x39: {  	_ =	sdelay $0x3  }
.LBB1_6:
0x3a: {  	_ =	sfence.sel $0x180000  }
0x3b: {  	s2 =	simm.s32 $0x1;
	[bflag:$0x0] =	sbarrier.arrive $0xFFFF  }
0x3c: {  	s31 =	simm.s32 $0x2;
	[sflag:s2] =	ssyncpa.u1 $0x1  }
0x3d: {  	[sflag:s31] =	ssyncpa.u1 $0x1  }
0x3e: {  	p0 =	sne.s32 s0, $0x0;
	_ =	strace $0x9000004A  }
0x3f: {  	s0 =	sadd.s32 @!p0 $0x100000, s1;
	[bflag:$0x2] =	sbarrier.arrive $0xFFFF  }
0x40: {  	[sflag:s0] =	ssyncadd.tile.s32 @!p0 $0x1;
	_ =	shalt  }
.Lfunc_end1:
_tile_overlayer_lowered:
.L_overlay_start_2:
0x41: {  	(tag) =	ssettag $0x2  }
0x42: {  	s0 =	rddreg [dreg:$0x0];
	s2 =	stileid.u32  }
0x43: {  	s1 =	rddreg [dreg:$0x1];
	p0 =	sne.s32 s2, $0x0  }
0x44: {  	s3 =	rddreg [dreg:$0x2];
	[bflag:$0x3] =	sbarrier.arrive $0xFFFF;
	s2 =	simm.s32 @!p0 $0x1C01  }
0x45: {  	[timem:s3], [sflag:s2] =	dma.local @!p0 [hbm:s0], s1  }
0x46: {  	s0 =	simm.s32 @!p0 $0x1  }
0x47: {  	_ =	swait.ge @!p0 [sflag:s0], s1  }
0x48: {  	s1 =	ssub.s32 @!p0 $0x0, s1;
	[sflag:s0] =	ssyncset.done @!p0 $0x0  }
0x49: {  	[sflag:s0] =	ssyncadd.s32 @!p0 s1  }
0x4a: {  	[bflag:$0x3] =	sbarrier.arrive $0xFFFF  }
0x4b: {  	_ =	shalt  }

</sc_bundles>
